<compile_context>
chip_gen: v7x
topology: tpu7x:2x2x1
jax: 0.10.2.dev20260603
libtpu: 0.0.44.dev20260713+nightly
codegen_flags: <defaults>
</compile_context>

<pallas_src>
import functools

import jax
import jax.numpy as jnp
from jax import lax
from jax.experimental import pallas as pl
from jax.experimental.pallas import tpu as pltpu
from jax.experimental.pallas import tpu_sc as plsc

BATCH = 16384
EMBED_DIM = 16
NUM_ROWS = 1000001

_info = plsc.get_sparse_core_info()
_NC, _NS = _info.num_cores, _info.num_subcores
_NW = _NC * _NS
_B_PER_W = BATCH // _NW
_G = 16
_NGROUPS = _B_PER_W // _G


@jax.jit
def kernel(labels, table):
    mesh = plsc.VectorSubcoreMesh(core_axis_name="c", subcore_axis_name="s")

    @functools.partial(
        pl.kernel,
        mesh=mesh,
        out_type=jax.ShapeDtypeStruct((EMBED_DIM, BATCH), jnp.float32),
        scratch_types=[
            pltpu.VMEM((_B_PER_W,), jnp.int32),
            pltpu.VMEM((EMBED_DIM, _B_PER_W), jnp.float32),
            pltpu.VMEM((EMBED_DIM, _G * 128), jnp.float32),
            pltpu.VMEM((EMBED_DIM, _G * 128), jnp.float32),
            pltpu.VMEM((EMBED_DIM, _G * 128), jnp.float32),
            pltpu.SemaphoreType.DMA,
            pltpu.SemaphoreType.DMA,
            pltpu.SemaphoreType.DMA,
        ],
        compiler_params=pltpu.CompilerParams(
            use_tc_tiling_on_sc=True, needs_layout_passes=False
        ),
    )
    def _gather(labels_hbm, table_t_hbm, out_hbm, idx_v, rows_v, buf0, buf1,
                buf2, sem0, sem1, sem2):
        wid = lax.axis_index("s") * _NC + lax.axis_index("c")
        base = wid * _B_PER_W
        pltpu.sync_copy(labels_hbm.at[pl.ds(base, _B_PER_W)], idx_v)

        bufs = (buf0, buf1, buf2)
        sems = (sem0, sem1, sem2)
        lane_iota = lax.iota(jnp.int32, 16)

        def issue_group(g, buf, sem):
            starts = (idx_v[pl.ds(g * _G, _G)] // 128) * 128
            for j in range(_G):
                start = pl.multiple_of(
                    jnp.squeeze(lax.slice(starts, (j,), (j + 1,))), 128
                )
                pltpu.async_copy(
                    table_t_hbm.at[:, pl.ds(start, 128)],
                    buf.at[:, pl.ds(j * 128, 128)],
                    sem,
                )

        def drain_group(buf, sem):
            pltpu.make_async_copy(
                table_t_hbm.at[:, pl.ds(0, _G * 128)], buf, sem
            ).wait()

        def process_group(g, buf):
            cols = idx_v[pl.ds(g * _G, _G)] % 128 + 128 * lane_iota
            for c in range(EMBED_DIM):
                plane = jnp.full((16,), c, jnp.int32)
                row = plsc.load_gather(buf, [plane, cols])
                plsc.store_scatter(
                    rows_v, [plane, g * _G + lane_iota], row
                )

        issue_group(0, bufs[0], sems[0])
        issue_group(1, bufs[1], sems[1])

        def body(i):
            g = i * 3
            for k in range(3):
                issue_group(g + k + 2, bufs[(k + 2) % 3], sems[(k + 2) % 3])
                drain_group(bufs[k], sems[k])
                process_group(g + k, bufs[k])

        pl.loop(0, (_NGROUPS - 2) // 3)(body)
        drain_group(bufs[0], sems[0])
        process_group(_NGROUPS - 2, bufs[0])
        drain_group(bufs[1], sems[1])
        process_group(_NGROUPS - 1, bufs[1])
        pltpu.sync_copy(rows_v, out_hbm.at[:, pl.ds(base, _B_PER_W)])

    out_t = _gather(labels.astype(jnp.int32), table.T)
    return out_t.T

# --- scband reference (transcript-rebuilt; emitter-appended) ---
"""Pipeline reference for scband-label-embedding-89593017795347 (READ-ONLY COPY).

The authoritative reference and input builder live on the scoring server;
editing this copy changes nothing except your own understanding.
"""

import jax, jax.numpy as jnp
import numpy as np

NUM_CLASSES = 1000000
EMBED_DIM = 16
BATCH = 16384

def setup_inputs(seed: int = 0) -> dict:
    key = jax.random.key(seed)
    k1, k2 = jax.random.split(key)
    labels = jax.random.randint(k1, (BATCH,), 0, NUM_CLASSES, dtype=jnp.int64 if jax.config.jax_enable_x64 else jnp.int32)
    # cfg_drop_prob > 0 -> table has num_classes + 1 rows
    table = jax.random.normal(k2, (NUM_CLASSES + 1, EMBED_DIM), dtype=jnp.float32)
    return {"labels": labels, "table": table}

def reference(labels, table):
    # Eval-mode path of LabelEmbedding.forward: plain embedding lookup.
    # (The CFG label-drop branch only runs when module.training is True.)
    return jnp.take(table, labels, axis=0)

if __name__ == "__main__":
    import jax
    _d = setup_inputs()
    print(jax.jit(kernel)(*tuple(_d.values())))

</pallas_src>

<mosaic_0001>
#map = affine_map<(d0, d1) -> (0)>
#map1 = affine_map<(d0, d1) -> (0, 0)>
module attributes {stable_mosaic.version = 14 : i64} {
  func.func @_gather(%arg0: i32, %arg1: i32, %arg2: memref<16384xi32, #tpu.memory_space<hbm>>, %arg3: memref<16x1000001xf32, #tpu.memory_space<hbm>>, %arg4: memref<16x16384xf32, #tpu.memory_space<hbm>>, %arg5: memref<512xi32, #tpu.memory_space<vmem>>, %arg6: memref<16x512xf32, #tpu.memory_space<vmem>>, %arg7: memref<16x2048xf32, #tpu.memory_space<vmem>>, %arg8: memref<16x2048xf32, #tpu.memory_space<vmem>>, %arg9: memref<16x2048xf32, #tpu.memory_space<vmem>>, %arg10: memref<!tpu.dma_semaphore, #tpu.memory_space<semaphore_mem>>, %arg11: memref<!tpu.dma_semaphore, #tpu.memory_space<semaphore_mem>>, %arg12: memref<!tpu.dma_semaphore, #tpu.memory_space<semaphore_mem>>) attributes {dimension_semantics = [#tpu.dimension_semantics<core_parallel>, #tpu.dimension_semantics<subcore_parallel>], iteration_bounds = array<i64: 2, 16>, scalar_prefetch = 0 : i64, scratch_operands = 8 : i64, tpu.core_type = #tpu.core_type<sc_vector_subcore>, window_params = [{transform_indices = #map}, {transform_indices = #map1}, {transform_indices = #map1}]} {
    %mul3A = arith.constant 2 : i32
    %mul3A_0 = arith.muli %arg1, %mul3A : i32
    %add3A = arith.addi %mul3A_0, %arg0 : i32
    %mul3A_1 = arith.constant 512 : i32
    %mul3A_2 = arith.muli %add3A, %mul3A_1 : i32
    "tpu.region"() ({
      %run_scoped3A = tpu.sem_alloc : memref<!tpu.dma_semaphore, #tpu.memory_space<semaphore_mem>>
      %dma_start3A_737 = tpu.memref_slice %arg2[%mul3A_2] : memref<16384xi32, #tpu.memory_space<hbm>> -> memref<512xi32, #tpu.memory_space<hbm>>
      %dma_start3A_738 = tpu.memref_slice %arg2[%mul3A_2] : memref<16384xi32, #tpu.memory_space<hbm>> -> memref<512xi32, #tpu.memory_space<hbm>>
      tpu.enqueue_dma source(%dma_start3A_738 : memref<512xi32, #tpu.memory_space<hbm>>) target(%arg5 : memref<512xi32, #tpu.memory_space<vmem>>) target_semaphore(%run_scoped3A : memref<!tpu.dma_semaphore, #tpu.memory_space<semaphore_mem>>)
      %dma_wait3A_739 = tpu.memref_slice %arg2[%mul3A_2] : memref<16384xi32, #tpu.memory_space<hbm>> -> memref<512xi32, #tpu.memory_space<hbm>>
      %dma_wait3A_740 = tpu.memref_slice %arg2[%mul3A_2] : memref<16384xi32, #tpu.memory_space<hbm>> -> memref<512xi32, #tpu.memory_space<hbm>>
      tpu.wait_dma2 semaphore(%run_scoped3A : memref<!tpu.dma_semaphore, #tpu.memory_space<semaphore_mem>>) src(%dma_wait3A_740 : memref<512xi32, #tpu.memory_space<hbm>>) dst(%arg5 : memref<512xi32, #tpu.memory_space<vmem>>)
      tpu.yield
    }) : () -> ()
    %iota3A = tpu.iota {dimensions = array<i32: 0>} : vector<16xi32>
    %get3A = arith.constant 0 : index
    %get3A_3 = tpu.vector_load %arg5[%get3A] {strides = array<i32>} : memref<512xi32, #tpu.memory_space<vmem>>, vector<16xi32>,
    %jit3A = arith.constant 128 : i32
    %div3A = vector.broadcast %jit3A : i32 to vector<16xi32>
    %div3A_4 = arith.divsi %get3A_3, %div3A : vector<16xi32>
    %sign3A = arith.constant 0 : i32
    %sign3A_5 = vector.broadcast %sign3A : i32 to vector<16xi32>
    %sign3A_6 = arith.cmpi sgt, %get3A_3, %sign3A_5 : vector<16xi32>
    %sign3A_7 = arith.extui %sign3A_6 : vector<16xi1> to vector<16xi32>
    %sign3A_8 = arith.constant 0 : i32
    %sign3A_9 = vector.broadcast %sign3A_8 : i32 to vector<16xi32>
    %sign3A_10 = arith.cmpi slt, %get3A_3, %sign3A_9 : vector<16xi32>
    %sign3A_11 = arith.extui %sign3A_10 : vector<16xi1> to vector<16xi32>
    %sign3A_12 = arith.subi %sign3A_7, %sign3A_11 : vector<16xi32>
    %sign3A_13 = arith.constant 0 : i32
    %sign3A_14 = arith.cmpi sgt, %jit3A, %sign3A_13 : i32
    %sign3A_15 = arith.extui %sign3A_14 : i1 to i32
    %sign3A_16 = arith.constant 0 : i32
    %sign3A_17 = arith.cmpi slt, %jit3A, %sign3A_16 : i32
    %sign3A_18 = arith.extui %sign3A_17 : i1 to i32
    %sign3A_19 = arith.subi %sign3A_15, %sign3A_18 : i32
    %ne3A = vector.broadcast %sign3A_19 : i32 to vector<16xi32>
    %ne3A_20 = arith.cmpi ne, %sign3A_12, %ne3A : vector<16xi32>
    %rem3A = vector.broadcast %jit3A : i32 to vector<16xi32>
    %rem3A_21 = arith.remsi %get3A_3, %rem3A : vector<16xi32>
    %ne3A_22 = arith.constant 0 : i32
    %ne3A_23 = vector.broadcast %ne3A_22 : i32 to vector<16xi32>
    %ne3A_24 = arith.cmpi ne, %rem3A_21, %ne3A_23 : vector<16xi32>
    %and3A = arith.andi %ne3A_20, %ne3A_24 : vector<16xi1>
    %sub3A = arith.constant 1 : i32
    %sub3A_25 = vector.broadcast %sub3A : i32 to vector<16xi32>
    %sub3A_26 = arith.subi %div3A_4, %sub3A_25 : vector<16xi32>
    %select_n3A = arith.select %and3A, %sub3A_26, %div3A_4 : vector<16xi1>, vector<16xi32>
    %mul3A_27 = arith.constant 128 : i32
    %mul3A_28 = vector.broadcast %mul3A_27 : i32 to vector<16xi32>
    %mul3A_29 = arith.muli %select_n3A, %mul3A_28 : vector<16xi32>
    %slice3A = vector.extract_strided_slice %mul3A_29 {offsets = [0], sizes = [1], strides = [1]} : vector<16xi32> to vector<1xi32>
    %squeeze3A = vector.extract %slice3A[0] : i32 from vector<1xi32>
    %multiple_of3A = tpu.assume_multiple %squeeze3A, 128 : i32
    %dma_start3A = arith.constant 0 : i32
    %dma_start3A_30 = arith.constant 0 : i32
    %dma_start3A_31 = tpu.memref_slice %arg7[%dma_start3A, %dma_start3A_30] : memref<16x2048xf32, #tpu.memory_space<vmem>> -> memref<16x128xf32, #tpu.memory_space<vmem>>
    %dma_start3A_32 = arith.constant 0 : i32
    %dma_start3A_33 = tpu.memref_slice %arg3[%dma_start3A_32, %multiple_of3A] : memref<16x1000001xf32, #tpu.memory_space<hbm>> -> memref<16x128xf32, #tpu.memory_space<hbm>>
    %dma_start3A_34 = arith.constant 0 : i32
    %dma_start3A_35 = arith.constant 0 : i32
    %dma_start3A_36 = tpu.memref_slice %arg7[%dma_start3A_34, %dma_start3A_35] : memref<16x2048xf32, #tpu.memory_space<vmem>> -> memref<16x128xf32, #tpu.memory_space<vmem>>
    %dma_start3A_37 = arith.constant 0 : i32
    %dma_start3A_38 = tpu.memref_slice %arg3[%dma_start3A_37, %multiple_of3A] : memref<16x1000001xf32, #tpu.memory_space<hbm>> -> memref<16x128xf32, #tpu.memory_space<hbm>>
    tpu.enqueue_dma source(%dma_start3A_38 : memref<16x128xf32, #tpu.memory_space<hbm>>) target(%dma_start3A_36 : memref<16x128xf32, #tpu.memory_space<vmem>>) target_semaphore(%arg10 : memref<!tpu.dma_semaphore, #tpu.memory_space<semaphore_mem>>)
    %slice3A_39 = vector.extract_strided_slice %mul3A_29 {offsets = [1], sizes = [1], strides = [1]} : vector<16xi32> to vector<1xi32>
    %squeeze3A_40 = vector.extract %slice3A_39[0] : i32 from vector<1xi32>
    %multiple_of3A_41 = tpu.assume_multiple %squeeze3A_40, 128 : i32
    %dma_start3A_42 = arith.constant 0 : i32
    %dma_start3A_43 = arith.constant 128 : i32
    %dma_start3A_44 = tpu.memref_slice %arg7[%dma_start3A_42, %dma_start3A_43] : memref<16x2048xf32, #tpu.memory_space<vmem>> -> memref<16x128xf32, #tpu.memory_space<vmem>>
    %dma_start3A_45 = arith.constant 0 : i32
    %dma_start3A_46 = tpu.memref_slice %arg3[%dma_start3A_45, %multiple_of3A_41] : memref<16x1000001xf32, #tpu.memory_space<hbm>> -> memref<16x128xf32, #tpu.memory_space<hbm>>
    %dma_start3A_47 = arith.constant 0 : i32
    %dma_start3A_48 = arith.constant 128 : i32
    %dma_start3A_49 = tpu.memref_slice %arg7[%dma_start3A_47, %dma_start3A_48] : memref<16x2048xf32, #tpu.memory_space<vmem>> -> memref<16x128xf32, #tpu.memory_space<vmem>>
    %dma_start3A_50 = arith.constant 0 : i32
    %dma_start3A_51 = tpu.memref_slice %arg3[%dma_start3A_50, %multiple_of3A_41] : memref<16x1000001xf32, #tpu.memory_space<hbm>> -> memref<16x128xf32, #tpu.memory_space<hbm>>
    tpu.enqueue_dma source(%dma_start3A_51 : memref<16x128xf32, #tpu.memory_space<hbm>>) target(%dma_start3A_49 : memref<16x128xf32, #tpu.memory_space<vmem>>) target_semaphore(%arg10 : memref<!tpu.dma_semaphore, #tpu.memory_space<semaphore_mem>>)
    %slice3A_52 = vector.extract_strided_slice %mul3A_29 {offsets = [2], sizes = [1], strides = [1]} : vector<16xi32> to vector<1xi32>
    %squeeze3A_53 = vector.extract %slice3A_52[0] : i32 from vector<1xi32>
    %multiple_of3A_54 = tpu.assume_multiple %squeeze3A_53, 128 : i32
    %dma_start3A_55 = arith.constant 0 : i32
    %dma_start3A_56 = arith.constant 256 : i32
    %dma_start3A_57 = tpu.memref_slice %arg7[%dma_start3A_55, %dma_start3A_56] : memref<16x2048xf32, #tpu.memory_space<vmem>> -> memref<16x128xf32, #tpu.memory_space<vmem>>
    %dma_start3A_58 = arith.constant 0 : i32
    %dma_start3A_59 = tpu.memref_slice %arg3[%dma_start3A_58, %multiple_of3A_54] : memref<16x1000001xf32, #tpu.memory_space<hbm>> -> memref<16x128xf32, #tpu.memory_space<hbm>>
    %dma_start3A_60 = arith.constant 0 : i32
    %dma_start3A_61 = arith.constant 256 : i32
    %dma_start3A_62 = tpu.memref_slice %arg7[%dma_start3A_60, %dma_start3A_61] : memref<16x2048xf32, #tpu.memory_space<vmem>> -> memref<16x128xf32, #tpu.memory_space<vmem>>
    %dma_start3A_63 = arith.constant 0 : i32
    %dma_start3A_64 = tpu.memref_slice %arg3[%dma_start3A_63, %multiple_of3A_54] : memref<16x1000001xf32, #tpu.memory_space<hbm>> -> memref<16x128xf32, #tpu.memory_space<hbm>>
    tpu.enqueue_dma source(%dma_start3A_64 : memref<16x128xf32, #tpu.memory_space<hbm>>) target(%dma_start3A_62 : memref<16x128xf32, #tpu.memory_space<vmem>>) target_semaphore(%arg10 : memref<!tpu.dma_semaphore, #tpu.memory_space<semaphore_mem>>)
    %slice3A_65 = vector.extract_strided_slice %mul3A_29 {offsets = [3], sizes = [1], strides = [1]} : vector<16xi32> to vector<1xi32>
    %squeeze3A_66 = vector.extract %slice3A_65[0] : i32 from vector<1xi32>
    %multiple_of3A_67 = tpu.assume_multiple %squeeze3A_66, 128 : i32
    %dma_start3A_68 = arith.constant 0 : i32
    %dma_start3A_69 = arith.constant 384 : i32
    %dma_start3A_70 = tpu.memref_slice %arg7[%dma_start3A_68, %dma_start3A_69] : memref<16x2048xf32, #tpu.memory_space<vmem>> -> memref<16x128xf32, #tpu.memory_space<vmem>>
    %dma_start3A_71 = arith.constant 0 : i32
    %dma_start3A_72 = tpu.memref_slice %arg3[%dma_start3A_71, %multiple_of3A_67] : memref<16x1000001xf32, #tpu.memory_space<hbm>> -> memref<16x128xf32, #tpu.memory_space<hbm>>
    %dma_start3A_73 = arith.constant 0 : i32
    %dma_start3A_74 = arith.constant 384 : i32
    %dma_start3A_75 = tpu.memref_slice %arg7[%dma_start3A_73, %dma_start3A_74] : memref<16x2048xf32, #tpu.memory_space<vmem>> -> memref<16x128xf32, #tpu.memory_space<vmem>>
    %dma_start3A_76 = arith.constant 0 : i32
    %dma_start3A_77 = tpu.memref_slice %arg3[%dma_start3A_76, %multiple_of3A_67] : memref<16x1000001xf32, #tpu.memory_space<hbm>> -> memref<16x128xf32, #tpu.memory_space<hbm>>
    tpu.enqueue_dma source(%dma_start3A_77 : memref<16x128xf32, #tpu.memory_space<hbm>>) target(%dma_start3A_75 : memref<16x128xf32, #tpu.memory_space<vmem>>) target_semaphore(%arg10 : memref<!tpu.dma_semaphore, #tpu.memory_space<semaphore_mem>>)
    %slice3A_78 = vector.extract_strided_slice %mul3A_29 {offsets = [4], sizes = [1], strides = [1]} : vector<16xi32> to vector<1xi32>
    %squeeze3A_79 = vector.extract %slice3A_78[0] : i32 from vector<1xi32>
    %multiple_of3A_80 = tpu.assume_multiple %squeeze3A_79, 128 : i32
    %dma_start3A_81 = arith.constant 0 : i32
    %dma_start3A_82 = arith.constant 512 : i32
    %dma_start3A_83 = tpu.memref_slice %arg7[%dma_start3A_81, %dma_start3A_82] : memref<16x2048xf32, #tpu.memory_space<vmem>> -> memref<16x128xf32, #tpu.memory_space<vmem>>
    %dma_start3A_84 = arith.constant 0 : i32
    %dma_start3A_85 = tpu.memref_slice %arg3[%dma_start3A_84, %multiple_of3A_80] : memref<16x1000001xf32, #tpu.memory_space<hbm>> -> memref<16x128xf32, #tpu.memory_space<hbm>>
    %dma_start3A_86 = arith.constant 0 : i32
    %dma_start3A_87 = arith.constant 512 : i32
    %dma_start3A_88 = tpu.memref_slice %arg7[%dma_start3A_86, %dma_start3A_87] : memref<16x2048xf32, #tpu.memory_space<vmem>> -> memref<16x128xf32, #tpu.memory_space<vmem>>
    %dma_start3A_89 = arith.constant 0 : i32
    %dma_start3A_90 = tpu.memref_slice %arg3[%dma_start3A_89, %multiple_of3A_80] : memref<16x1000001xf32, #tpu.memory_space<hbm>> -> memref<16x128xf32, #tpu.memory_space<hbm>>
    tpu.enqueue_dma source(%dma_start3A_90 : memref<16x128xf32, #tpu.memory_space<hbm>>) target(%dma_start3A_88 : memref<16x128xf32, #tpu.memory_space<vmem>>) target_semaphore(%arg10 : memref<!tpu.dma_semaphore, #tpu.memory_space<semaphore_mem>>)
    %slice3A_91 = vector.extract_strided_slice %mul3A_29 {offsets = [5], sizes = [1], strides = [1]} : vector<16xi32> to vector<1xi32>
    %squeeze3A_92 = vector.extract %slice3A_91[0] : i32 from vector<1xi32>
    %multiple_of3A_93 = tpu.assume_multiple %squeeze3A_92, 128 : i32
    %dma_start3A_94 = arith.constant 0 : i32
    %dma_start3A_95 = arith.constant 640 : i32
    %dma_start3A_96 = tpu.memref_slice %arg7[%dma_start3A_94, %dma_start3A_95] : memref<16x2048xf32, #tpu.memory_space<vmem>> -> memref<16x128xf32, #tpu.memory_space<vmem>>
    %dma_start3A_97 = arith.constant 0 : i32
    %dma_start3A_98 = tpu.memref_slice %arg3[%dma_start3A_97, %multiple_of3A_93] : memref<16x1000001xf32, #tpu.memory_space<hbm>> -> memref<16x128xf32, #tpu.memory_space<hbm>>
    %dma_start3A_99 = arith.constant 0 : i32
    %dma_start3A_100 = arith.constant 640 : i32
    %dma_start3A_101 = tpu.memref_slice %arg7[%dma_start3A_99, %dma_start3A_100] : memref<16x2048xf32, #tpu.memory_space<vmem>> -> memref<16x128xf32, #tpu.memory_space<vmem>>
    %dma_start3A_102 = arith.constant 0 : i32
    %dma_start3A_103 = tpu.memref_slice %arg3[%dma_start3A_102, %multiple_of3A_93] : memref<16x1000001xf32, #tpu.memory_space<hbm>> -> memref<16x128xf32, #tpu.memory_space<hbm>>
    tpu.enqueue_dma source(%dma_start3A_103 : memref<16x128xf32, #tpu.memory_space<hbm>>) target(%dma_start3A_101 : memref<16x128xf32, #tpu.memory_space<vmem>>) target_semaphore(%arg10 : memref<!tpu.dma_semaphore, #tpu.memory_space<semaphore_mem>>)
    %slice3A_104 = vector.extract_strided_slice %mul3A_29 {offsets = [6], sizes = [1], strides = [1]} : vector<16xi32> to vector<1xi32>
    %squeeze3A_105 = vector.extract %slice3A_104[0] : i32 from vector<1xi32>
    %multiple_of3A_106 = tpu.assume_multiple %squeeze3A_105, 128 : i32
    %dma_start3A_107 = arith.constant 0 : i32
    %dma_start3A_108 = arith.constant 768 : i32
    %dma_start3A_109 = tpu.memref_slice %arg7[%dma_start3A_107, %dma_start3A_108] : memref<16x2048xf32, #tpu.memory_space<vmem>> -> memref<16x128xf32, #tpu.memory_space<vmem>>
    %dma_start3A_110 = arith.constant 0 : i32
    %dma_start3A_111 = tpu.memref_slice %arg3[%dma_start3A_110, %multiple_of3A_106] : memref<16x1000001xf32, #tpu.memory_space<hbm>> -> memref<16x128xf32, #tpu.memory_space<hbm>>
    %dma_start3A_112 = arith.constant 0 : i32
    %dma_start3A_113 = arith.constant 768 : i32
    %dma_start3A_114 = tpu.memref_slice %arg7[%dma_start3A_112, %dma_start3A_113] : memref<16x2048xf32, #tpu.memory_space<vmem>> -> memref<16x128xf32, #tpu.memory_space<vmem>>
    %dma_start3A_115 = arith.constant 0 : i32
    %dma_start3A_116 = tpu.memref_slice %arg3[%dma_start3A_115, %multiple_of3A_106] : memref<16x1000001xf32, #tpu.memory_space<hbm>> -> memref<16x128xf32, #tpu.memory_space<hbm>>
    tpu.enqueue_dma source(%dma_start3A_116 : memref<16x128xf32, #tpu.memory_space<hbm>>) target(%dma_start3A_114 : memref<16x128xf32, #tpu.memory_space<vmem>>) target_semaphore(%arg10 : memref<!tpu.dma_semaphore, #tpu.memory_space<semaphore_mem>>)
    %slice3A_117 = vector.extract_strided_slice %mul3A_29 {offsets = [7], sizes = [1], strides = [1]} : vector<16xi32> to vector<1xi32>
    %squeeze3A_118 = vector.extract %slice3A_117[0] : i32 from vector<1xi32>
    %multiple_of3A_119 = tpu.assume_multiple %squeeze3A_118, 128 : i32
    %dma_start3A_120 = arith.constant 0 : i32
    %dma_start3A_121 = arith.constant 896 : i32
    %dma_start3A_122 = tpu.memref_slice %arg7[%dma_start3A_120, %dma_start3A_121] : memref<16x2048xf32, #tpu.memory_space<vmem>> -> memref<16x128xf32, #tpu.memory_space<vmem>>
    %dma_start3A_123 = arith.constant 0 : i32
    %dma_start3A_124 = tpu.memref_slice %arg3[%dma_start3A_123, %multiple_of3A_119] : memref<16x1000001xf32, #tpu.memory_space<hbm>> -> memref<16x128xf32, #tpu.memory_space<hbm>>
    %dma_start3A_125 = arith.constant 0 : i32
    %dma_start3A_126 = arith.constant 896 : i32
    %dma_start3A_127 = tpu.memref_slice %arg7[%dma_start3A_125, %dma_start3A_126] : memref<16x2048xf32, #tpu.memory_space<vmem>> -> memref<16x128xf32, #tpu.memory_space<vmem>>
    %dma_start3A_128 = arith.constant 0 : i32
    %dma_start3A_129 = tpu.memref_slice %arg3[%dma_start3A_128, %multiple_of3A_119] : memref<16x1000001xf32, #tpu.memory_space<hbm>> -> memref<16x128xf32, #tpu.memory_space<hbm>>
    tpu.enqueue_dma source(%dma_start3A_129 : memref<16x128xf32, #tpu.memory_space<hbm>>) target(%dma_start3A_127 : memref<16x128xf32, #tpu.memory_space<vmem>>) target_semaphore(%arg10 : memref<!tpu.dma_semaphore, #tpu.memory_space<semaphore_mem>>)
    %slice3A_130 = vector.extract_strided_slice %mul3A_29 {offsets = [8], sizes = [1], strides = [1]} : vector<16xi32> to vector<1xi32>
    %squeeze3A_131 = vector.extract %slice3A_130[0] : i32 from vector<1xi32>
    %multiple_of3A_132 = tpu.assume_multiple %squeeze3A_131, 128 : i32
    %dma_start3A_133 = arith.constant 0 : i32
    %dma_start3A_134 = arith.constant 1024 : i32
    %dma_start3A_135 = tpu.memref_slice %arg7[%dma_start3A_133, %dma_start3A_134] : memref<16x2048xf32, #tpu.memory_space<vmem>> -> memref<16x128xf32, #tpu.memory_space<vmem>>
    %dma_start3A_136 = arith.constant 0 : i32
    %dma_start3A_137 = tpu.memref_slice %arg3[%dma_start3A_136, %multiple_of3A_132] : memref<16x1000001xf32, #tpu.memory_space<hbm>> -> memref<16x128xf32, #tpu.memory_space<hbm>>
    %dma_start3A_138 = arith.constant 0 : i32
    %dma_start3A_139 = arith.constant 1024 : i32
    %dma_start3A_140 = tpu.memref_slice %arg7[%dma_start3A_138, %dma_start3A_139] : memref<16x2048xf32, #tpu.memory_space<vmem>> -> memref<16x128xf32, #tpu.memory_space<vmem>>
    %dma_start3A_141 = arith.constant 0 : i32
    %dma_start3A_142 = tpu.memref_slice %arg3[%dma_start3A_141, %multiple_of3A_132] : memref<16x1000001xf32, #tpu.memory_space<hbm>> -> memref<16x128xf32, #tpu.memory_space<hbm>>
    tpu.enqueue_dma source(%dma_start3A_142 : memref<16x128xf32, #tpu.memory_space<hbm>>) target(%dma_start3A_140 : memref<16x128xf32, #tpu.memory_space<vmem>>) target_semaphore(%arg10 : memref<!tpu.dma_semaphore, #tpu.memory_space<semaphore_mem>>)
    %slice3A_143 = vector.extract_strided_slice %mul3A_29 {offsets = [9], sizes = [1], strides = [1]} : vector<16xi32> to vector<1xi32>
    %squeeze3A_144 = vector.extract %slice3A_143[0] : i32 from vector<1xi32>
    %multiple_of3A_145 = tpu.assume_multiple %squeeze3A_144, 128 : i32
    %dma_start3A_146 = arith.constant 0 : i32
    %dma_start3A_147 = arith.constant 1152 : i32
    %dma_start3A_148 = tpu.memref_slice %arg7[%dma_start3A_146, %dma_start3A_147] : memref<16x2048xf32, #tpu.memory_space<vmem>> -> memref<16x128xf32, #tpu.memory_space<vmem>>
    %dma_start3A_149 = arith.constant 0 : i32
    %dma_start3A_150 = tpu.memref_slice %arg3[%dma_start3A_149, %multiple_of3A_145] : memref<16x1000001xf32, #tpu.memory_space<hbm>> -> memref<16x128xf32, #tpu.memory_space<hbm>>
    %dma_start3A_151 = arith.constant 0 : i32
    %dma_start3A_152 = arith.constant 1152 : i32
    %dma_start3A_153 = tpu.memref_slice %arg7[%dma_start3A_151, %dma_start3A_152] : memref<16x2048xf32, #tpu.memory_space<vmem>> -> memref<16x128xf32, #tpu.memory_space<vmem>>
    %dma_start3A_154 = arith.constant 0 : i32
    %dma_start3A_155 = tpu.memref_slice %arg3[%dma_start3A_154, %multiple_of3A_145] : memref<16x1000001xf32, #tpu.memory_space<hbm>> -> memref<16x128xf32, #tpu.memory_space<hbm>>
    tpu.enqueue_dma source(%dma_start3A_155 : memref<16x128xf32, #tpu.memory_space<hbm>>) target(%dma_start3A_153 : memref<16x128xf32, #tpu.memory_space<vmem>>) target_semaphore(%arg10 : memref<!tpu.dma_semaphore, #tpu.memory_space<semaphore_mem>>)
    %slice3A_156 = vector.extract_strided_slice %mul3A_29 {offsets = [10], sizes = [1], strides = [1]} : vector<16xi32> to vector<1xi32>
    %squeeze3A_157 = vector.extract %slice3A_156[0] : i32 from vector<1xi32>
    %multiple_of3A_158 = tpu.assume_multiple %squeeze3A_157, 128 : i32
    %dma_start3A_159 = arith.constant 0 : i32
    %dma_start3A_160 = arith.constant 1280 : i32
    %dma_start3A_161 = tpu.memref_slice %arg7[%dma_start3A_159, %dma_start3A_160] : memref<16x2048xf32, #tpu.memory_space<vmem>> -> memref<16x128xf32, #tpu.memory_space<vmem>>
    %dma_start3A_162 = arith.constant 0 : i32
    %dma_start3A_163 = tpu.memref_slice %arg3[%dma_start3A_162, %multiple_of3A_158] : memref<16x1000001xf32, #tpu.memory_space<hbm>> -> memref<16x128xf32, #tpu.memory_space<hbm>>
    %dma_start3A_164 = arith.constant 0 : i32
    %dma_start3A_165 = arith.constant 1280 : i32
    %dma_start3A_166 = tpu.memref_slice %arg7[%dma_start3A_164, %dma_start3A_165] : memref<16x2048xf32, #tpu.memory_space<vmem>> -> memref<16x128xf32, #tpu.memory_space<vmem>>
    %dma_start3A_167 = arith.constant 0 : i32
    %dma_start3A_168 = tpu.memref_slice %arg3[%dma_start3A_167, %multiple_of3A_158] : memref<16x1000001xf32, #tpu.memory_space<hbm>> -> memref<16x128xf32, #tpu.memory_space<hbm>>
    tpu.enqueue_dma source(%dma_start3A_168 : memref<16x128xf32, #tpu.memory_space<hbm>>) target(%dma_start3A_166 : memref<16x128xf32, #tpu.memory_space<vmem>>) target_semaphore(%arg10 : memref<!tpu.dma_semaphore, #tpu.memory_space<semaphore_mem>>)
    %slice3A_169 = vector.extract_strided_slice %mul3A_29 {offsets = [11], sizes = [1], strides = [1]} : vector<16xi32> to vector<1xi32>
    %squeeze3A_170 = vector.extract %slice3A_169[0] : i32 from vector<1xi32>
    %multiple_of3A_171 = tpu.assume_multiple %squeeze3A_170, 128 : i32
    %dma_start3A_172 = arith.constant 0 : i32
    %dma_start3A_173 = arith.constant 1408 : i32
    %dma_start3A_174 = tpu.memref_slice %arg7[%dma_start3A_172, %dma_start3A_173] : memref<16x2048xf32, #tpu.memory_space<vmem>> -> memref<16x128xf32, #tpu.memory_space<vmem>>
    %dma_start3A_175 = arith.constant 0 : i32
    %dma_start3A_176 = tpu.memref_slice %arg3[%dma_start3A_175, %multiple_of3A_171] : memref<16x1000001xf32, #tpu.memory_space<hbm>> -> memref<16x128xf32, #tpu.memory_space<hbm>>
    %dma_start3A_177 = arith.constant 0 : i32
    %dma_start3A_178 = arith.constant 1408 : i32
    %dma_start3A_179 = tpu.memref_slice %arg7[%dma_start3A_177, %dma_start3A_178] : memref<16x2048xf32, #tpu.memory_space<vmem>> -> memref<16x128xf32, #tpu.memory_space<vmem>>
    %dma_start3A_180 = arith.constant 0 : i32
    %dma_start3A_181 = tpu.memref_slice %arg3[%dma_start3A_180, %multiple_of3A_171] : memref<16x1000001xf32, #tpu.memory_space<hbm>> -> memref<16x128xf32, #tpu.memory_space<hbm>>
    tpu.enqueue_dma source(%dma_start3A_181 : memref<16x128xf32, #tpu.memory_space<hbm>>) target(%dma_start3A_179 : memref<16x128xf32, #tpu.memory_space<vmem>>) target_semaphore(%arg10 : memref<!tpu.dma_semaphore, #tpu.memory_space<semaphore_mem>>)
    %slice3A_182 = vector.extract_strided_slice %mul3A_29 {offsets = [12], sizes = [1], strides = [1]} : vector<16xi32> to vector<1xi32>
    %squeeze3A_183 = vector.extract %slice3A_182[0] : i32 from vector<1xi32>
    %multiple_of3A_184 = tpu.assume_multiple %squeeze3A_183, 128 : i32
    %dma_start3A_185 = arith.constant 0 : i32
    %dma_start3A_186 = arith.constant 1536 : i32
    %dma_start3A_187 = tpu.memref_slice %arg7[%dma_start3A_185, %dma_start3A_186] : memref<16x2048xf32, #tpu.memory_space<vmem>> -> memref<16x128xf32, #tpu.memory_space<vmem>>
    %dma_start3A_188 = arith.constant 0 : i32
    %dma_start3A_189 = tpu.memref_slice %arg3[%dma_start3A_188, %multiple_of3A_184] : memref<16x1000001xf32, #tpu.memory_space<hbm>> -> memref<16x128xf32, #tpu.memory_space<hbm>>
    %dma_start3A_190 = arith.constant 0 : i32
    %dma_start3A_191 = arith.constant 1536 : i32
    %dma_start3A_192 = tpu.memref_slice %arg7[%dma_start3A_190, %dma_start3A_191] : memref<16x2048xf32, #tpu.memory_space<vmem>> -> memref<16x128xf32, #tpu.memory_space<vmem>>
    %dma_start3A_193 = arith.constant 0 : i32
    %dma_start3A_194 = tpu.memref_slice %arg3[%dma_start3A_193, %multiple_of3A_184] : memref<16x1000001xf32, #tpu.memory_space<hbm>> -> memref<16x128xf32, #tpu.memory_space<hbm>>
    tpu.enqueue_dma source(%dma_start3A_194 : memref<16x128xf32, #tpu.memory_space<hbm>>) target(%dma_start3A_192 : memref<16x128xf32, #tpu.memory_space<vmem>>) target_semaphore(%arg10 : memref<!tpu.dma_semaphore, #tpu.memory_space<semaphore_mem>>)
    %slice3A_195 = vector.extract_strided_slice %mul3A_29 {offsets = [13], sizes = [1], strides = [1]} : vector<16xi32> to vector<1xi32>
    %squeeze3A_196 = vector.extract %slice3A_195[0] : i32 from vector<1xi32>
    %multiple_of3A_197 = tpu.assume_multiple %squeeze3A_196, 128 : i32
    %dma_start3A_198 = arith.constant 0 : i32
    %dma_start3A_199 = arith.constant 1664 : i32
    %dma_start3A_200 = tpu.memref_slice %arg7[%dma_start3A_198, %dma_start3A_199] : memref<16x2048xf32, #tpu.memory_space<vmem>> -> memref<16x128xf32, #tpu.memory_space<vmem>>
    %dma_start3A_201 = arith.constant 0 : i32
    %dma_start3A_202 = tpu.memref_slice %arg3[%dma_start3A_201, %multiple_of3A_197] : memref<16x1000001xf32, #tpu.memory_space<hbm>> -> memref<16x128xf32, #tpu.memory_space<hbm>>
    %dma_start3A_203 = arith.constant 0 : i32
    %dma_start3A_204 = arith.constant 1664 : i32
    %dma_start3A_205 = tpu.memref_slice %arg7[%dma_start3A_203, %dma_start3A_204] : memref<16x2048xf32, #tpu.memory_space<vmem>> -> memref<16x128xf32, #tpu.memory_space<vmem>>
    %dma_start3A_206 = arith.constant 0 : i32
    %dma_start3A_207 = tpu.memref_slice %arg3[%dma_start3A_206, %multiple_of3A_197] : memref<16x1000001xf32, #tpu.memory_space<hbm>> -> memref<16x128xf32, #tpu.memory_space<hbm>>
    tpu.enqueue_dma source(%dma_start3A_207 : memref<16x128xf32, #tpu.memory_space<hbm>>) target(%dma_start3A_205 : memref<16x128xf32, #tpu.memory_space<vmem>>) target_semaphore(%arg10 : memref<!tpu.dma_semaphore, #tpu.memory_space<semaphore_mem>>)
    %slice3A_208 = vector.extract_strided_slice %mul3A_29 {offsets = [14], sizes = [1], strides = [1]} : vector<16xi32> to vector<1xi32>
    %squeeze3A_209 = vector.extract %slice3A_208[0] : i32 from vector<1xi32>
    %multiple_of3A_210 = tpu.assume_multiple %squeeze3A_209, 128 : i32
    %dma_start3A_211 = arith.constant 0 : i32
    %dma_start3A_212 = arith.constant 1792 : i32
    %dma_start3A_213 = tpu.memref_slice %arg7[%dma_start3A_211, %dma_start3A_212] : memref<16x2048xf32, #tpu.memory_space<vmem>> -> memref<16x128xf32, #tpu.memory_space<vmem>>
    %dma_start3A_214 = arith.constant 0 : i32
    %dma_start3A_215 = tpu.memref_slice %arg3[%dma_start3A_214, %multiple_of3A_210] : memref<16x1000001xf32, #tpu.memory_space<hbm>> -> memref<16x128xf32, #tpu.memory_space<hbm>>
    %dma_start3A_216 = arith.constant 0 : i32
    %dma_start3A_217 = arith.constant 1792 : i32
    %dma_start3A_218 = tpu.memref_slice %arg7[%dma_start3A_216, %dma_start3A_217] : memref<16x2048xf32, #tpu.memory_space<vmem>> -> memref<16x128xf32, #tpu.memory_space<vmem>>
    %dma_start3A_219 = arith.constant 0 : i32
    %dma_start3A_220 = tpu.memref_slice %arg3[%dma_start3A_219, %multiple_of3A_210] : memref<16x1000001xf32, #tpu.memory_space<hbm>> -> memref<16x128xf32, #tpu.memory_space<hbm>>
    tpu.enqueue_dma source(%dma_start3A_220 : memref<16x128xf32, #tpu.memory_space<hbm>>) target(%dma_start3A_218 : memref<16x128xf32, #tpu.memory_space<vmem>>) target_semaphore(%arg10 : memref<!tpu.dma_semaphore, #tpu.memory_space<semaphore_mem>>)
    %slice3A_221 = vector.extract_strided_slice %mul3A_29 {offsets = [15], sizes = [1], strides = [1]} : vector<16xi32> to vector<1xi32>
    %squeeze3A_222 = vector.extract %slice3A_221[0] : i32 from vector<1xi32>
    %multiple_of3A_223 = tpu.assume_multiple %squeeze3A_222, 128 : i32
    %dma_start3A_224 = arith.constant 0 : i32
    %dma_start3A_225 = arith.constant 1920 : i32
    %dma_start3A_226 = tpu.memref_slice %arg7[%dma_start3A_224, %dma_start3A_225] : memref<16x2048xf32, #tpu.memory_space<vmem>> -> memref<16x128xf32, #tpu.memory_space<vmem>>
    %dma_start3A_227 = arith.constant 0 : i32
    %dma_start3A_228 = tpu.memref_slice %arg3[%dma_start3A_227, %multiple_of3A_223] : memref<16x1000001xf32, #tpu.memory_space<hbm>> -> memref<16x128xf32, #tpu.memory_space<hbm>>
    %dma_start3A_229 = arith.constant 0 : i32
    %dma_start3A_230 = arith.constant 1920 : i32
    %dma_start3A_231 = tpu.memref_slice %arg7[%dma_start3A_229, %dma_start3A_230] : memref<16x2048xf32, #tpu.memory_space<vmem>> -> memref<16x128xf32, #tpu.memory_space<vmem>>
    %dma_start3A_232 = arith.constant 0 : i32
    %dma_start3A_233 = tpu.memref_slice %arg3[%dma_start3A_232, %multiple_of3A_223] : memref<16x1000001xf32, #tpu.memory_space<hbm>> -> memref<16x128xf32, #tpu.memory_space<hbm>>
    tpu.enqueue_dma source(%dma_start3A_233 : memref<16x128xf32, #tpu.memory_space<hbm>>) target(%dma_start3A_231 : memref<16x128xf32, #tpu.memory_space<vmem>>) target_semaphore(%arg10 : memref<!tpu.dma_semaphore, #tpu.memory_space<semaphore_mem>>)
    %get3A_234 = arith.constant 16 : index
    %get3A_235 = tpu.vector_load %arg5[%get3A_234] {strides = array<i32>} : memref<512xi32, #tpu.memory_space<vmem>>, vector<16xi32>,
    %jit3A_236 = arith.constant 128 : i32
    %div3A_237 = vector.broadcast %jit3A_236 : i32 to vector<16xi32>
    %div3A_238 = arith.divsi %get3A_235, %div3A_237 : vector<16xi32>
    %sign3A_239 = arith.constant 0 : i32
    %sign3A_240 = vector.broadcast %sign3A_239 : i32 to vector<16xi32>
    %sign3A_241 = arith.cmpi sgt, %get3A_235, %sign3A_240 : vector<16xi32>
    %sign3A_242 = arith.extui %sign3A_241 : vector<16xi1> to vector<16xi32>
    %sign3A_243 = arith.constant 0 : i32
    %sign3A_244 = vector.broadcast %sign3A_243 : i32 to vector<16xi32>
    %sign3A_245 = arith.cmpi slt, %get3A_235, %sign3A_244 : vector<16xi32>
    %sign3A_246 = arith.extui %sign3A_245 : vector<16xi1> to vector<16xi32>
    %sign3A_247 = arith.subi %sign3A_242, %sign3A_246 : vector<16xi32>
    %sign3A_248 = arith.constant 0 : i32
    %sign3A_249 = arith.cmpi sgt, %jit3A_236, %sign3A_248 : i32
    %sign3A_250 = arith.extui %sign3A_249 : i1 to i32
    %sign3A_251 = arith.constant 0 : i32
    %sign3A_252 = arith.cmpi slt, %jit3A_236, %sign3A_251 : i32
    %sign3A_253 = arith.extui %sign3A_252 : i1 to i32
    %sign3A_254 = arith.subi %sign3A_250, %sign3A_253 : i32
    %ne3A_255 = vector.broadcast %sign3A_254 : i32 to vector<16xi32>
    %ne3A_256 = arith.cmpi ne, %sign3A_247, %ne3A_255 : vector<16xi32>
    %rem3A_257 = vector.broadcast %jit3A_236 : i32 to vector<16xi32>
    %rem3A_258 = arith.remsi %get3A_235, %rem3A_257 : vector<16xi32>
    %ne3A_259 = arith.constant 0 : i32
    %ne3A_260 = vector.broadcast %ne3A_259 : i32 to vector<16xi32>
    %ne3A_261 = arith.cmpi ne, %rem3A_258, %ne3A_260 : vector<16xi32>
    %and3A_262 = arith.andi %ne3A_256, %ne3A_261 : vector<16xi1>
    %sub3A_263 = arith.constant 1 : i32
    %sub3A_264 = vector.broadcast %sub3A_263 : i32 to vector<16xi32>
    %sub3A_265 = arith.subi %div3A_238, %sub3A_264 : vector<16xi32>
    %select_n3A_266 = arith.select %and3A_262, %sub3A_265, %div3A_238 : vector<16xi1>, vector<16xi32>
    %mul3A_267 = arith.constant 128 : i32
    %mul3A_268 = vector.broadcast %mul3A_267 : i32 to vector<16xi32>
    %mul3A_269 = arith.muli %select_n3A_266, %mul3A_268 : vector<16xi32>
    %slice3A_270 = vector.extract_strided_slice %mul3A_269 {offsets = [0], sizes = [1], strides = [1]} : vector<16xi32> to vector<1xi32>
    %squeeze3A_271 = vector.extract %slice3A_270[0] : i32 from vector<1xi32>
    %multiple_of3A_272 = tpu.assume_multiple %squeeze3A_271, 128 : i32
    %dma_start3A_273 = arith.constant 0 : i32
    %dma_start3A_274 = arith.constant 0 : i32
    %dma_start3A_275 = tpu.memref_slice %arg8[%dma_start3A_273, %dma_start3A_274] : memref<16x2048xf32, #tpu.memory_space<vmem>> -> memref<16x128xf32, #tpu.memory_space<vmem>>
    %dma_start3A_276 = arith.constant 0 : i32
    %dma_start3A_277 = tpu.memref_slice %arg3[%dma_start3A_276, %multiple_of3A_272] : memref<16x1000001xf32, #tpu.memory_space<hbm>> -> memref<16x128xf32, #tpu.memory_space<hbm>>
    %dma_start3A_278 = arith.constant 0 : i32
    %dma_start3A_279 = arith.constant 0 : i32
    %dma_start3A_280 = tpu.memref_slice %arg8[%dma_start3A_278, %dma_start3A_279] : memref<16x2048xf32, #tpu.memory_space<vmem>> -> memref<16x128xf32, #tpu.memory_space<vmem>>
    %dma_start3A_281 = arith.constant 0 : i32
    %dma_start3A_282 = tpu.memref_slice %arg3[%dma_start3A_281, %multiple_of3A_272] : memref<16x1000001xf32, #tpu.memory_space<hbm>> -> memref<16x128xf32, #tpu.memory_space<hbm>>
    tpu.enqueue_dma source(%dma_start3A_282 : memref<16x128xf32, #tpu.memory_space<hbm>>) target(%dma_start3A_280 : memref<16x128xf32, #tpu.memory_space<vmem>>) target_semaphore(%arg11 : memref<!tpu.dma_semaphore, #tpu.memory_space<semaphore_mem>>)
    %slice3A_283 = vector.extract_strided_slice %mul3A_269 {offsets = [1], sizes = [1], strides = [1]} : vector<16xi32> to vector<1xi32>
    %squeeze3A_284 = vector.extract %slice3A_283[0] : i32 from vector<1xi32>
    %multiple_of3A_285 = tpu.assume_multiple %squeeze3A_284, 128 : i32
    %dma_start3A_286 = arith.constant 0 : i32
    %dma_start3A_287 = arith.constant 128 : i32
    %dma_start3A_288 = tpu.memref_slice %arg8[%dma_start3A_286, %dma_start3A_287] : memref<16x2048xf32, #tpu.memory_space<vmem>> -> memref<16x128xf32, #tpu.memory_space<vmem>>
    %dma_start3A_289 = arith.constant 0 : i32
    %dma_start3A_290 = tpu.memref_slice %arg3[%dma_start3A_289, %multiple_of3A_285] : memref<16x1000001xf32, #tpu.memory_space<hbm>> -> memref<16x128xf32, #tpu.memory_space<hbm>>
    %dma_start3A_291 = arith.constant 0 : i32
    %dma_start3A_292 = arith.constant 128 : i32
    %dma_start3A_293 = tpu.memref_slice %arg8[%dma_start3A_291, %dma_start3A_292] : memref<16x2048xf32, #tpu.memory_space<vmem>> -> memref<16x128xf32, #tpu.memory_space<vmem>>
    %dma_start3A_294 = arith.constant 0 : i32
    %dma_start3A_295 = tpu.memref_slice %arg3[%dma_start3A_294, %multiple_of3A_285] : memref<16x1000001xf32, #tpu.memory_space<hbm>> -> memref<16x128xf32, #tpu.memory_space<hbm>>
    tpu.enqueue_dma source(%dma_start3A_295 : memref<16x128xf32, #tpu.memory_space<hbm>>) target(%dma_start3A_293 : memref<16x128xf32, #tpu.memory_space<vmem>>) target_semaphore(%arg11 : memref<!tpu.dma_semaphore, #tpu.memory_space<semaphore_mem>>)
    %slice3A_296 = vector.extract_strided_slice %mul3A_269 {offsets = [2], sizes = [1], strides = [1]} : vector<16xi32> to vector<1xi32>
    %squeeze3A_297 = vector.extract %slice3A_296[0] : i32 from vector<1xi32>
    %multiple_of3A_298 = tpu.assume_multiple %squeeze3A_297, 128 : i32
    %dma_start3A_299 = arith.constant 0 : i32
    %dma_start3A_300 = arith.constant 256 : i32
    %dma_start3A_301 = tpu.memref_slice %arg8[%dma_start3A_299, %dma_start3A_300] : memref<16x2048xf32, #tpu.memory_space<vmem>> -> memref<16x128xf32, #tpu.memory_space<vmem>>
    %dma_start3A_302 = arith.constant 0 : i32
    %dma_start3A_303 = tpu.memref_slice %arg3[%dma_start3A_302, %multiple_of3A_298] : memref<16x1000001xf32, #tpu.memory_space<hbm>> -> memref<16x128xf32, #tpu.memory_space<hbm>>
    %dma_start3A_304 = arith.constant 0 : i32
    %dma_start3A_305 = arith.constant 256 : i32
    %dma_start3A_306 = tpu.memref_slice %arg8[%dma_start3A_304, %dma_start3A_305] : memref<16x2048xf32, #tpu.memory_space<vmem>> -> memref<16x128xf32, #tpu.memory_space<vmem>>
    %dma_start3A_307 = arith.constant 0 : i32
    %dma_start3A_308 = tpu.memref_slice %arg3[%dma_start3A_307, %multiple_of3A_298] : memref<16x1000001xf32, #tpu.memory_space<hbm>> -> memref<16x128xf32, #tpu.memory_space<hbm>>
    tpu.enqueue_dma source(%dma_start3A_308 : memref<16x128xf32, #tpu.memory_space<hbm>>) target(%dma_start3A_306 : memref<16x128xf32, #tpu.memory_space<vmem>>) target_semaphore(%arg11 : memref<!tpu.dma_semaphore, #tpu.memory_space<semaphore_mem>>)
    %slice3A_309 = vector.extract_strided_slice %mul3A_269 {offsets = [3], sizes = [1], strides = [1]} : vector<16xi32> to vector<1xi32>
    %squeeze3A_310 = vector.extract %slice3A_309[0] : i32 from vector<1xi32>
    %multiple_of3A_311 = tpu.assume_multiple %squeeze3A_310, 128 : i32
    %dma_start3A_312 = arith.constant 0 : i32
    %dma_start3A_313 = arith.constant 384 : i32
    %dma_start3A_314 = tpu.memref_slice %arg8[%dma_start3A_312, %dma_start3A_313] : memref<16x2048xf32, #tpu.memory_space<vmem>> -> memref<16x128xf32, #tpu.memory_space<vmem>>
    %dma_start3A_315 = arith.constant 0 : i32
    %dma_start3A_316 = tpu.memref_slice %arg3[%dma_start3A_315, %multiple_of3A_311] : memref<16x1000001xf32, #tpu.memory_space<hbm>> -> memref<16x128xf32, #tpu.memory_space<hbm>>
    %dma_start3A_317 = arith.constant 0 : i32
    %dma_start3A_318 = arith.constant 384 : i32
    %dma_start3A_319 = tpu.memref_slice %arg8[%dma_start3A_317, %dma_start3A_318] : memref<16x2048xf32, #tpu.memory_space<vmem>> -> memref<16x128xf32, #tpu.memory_space<vmem>>
    %dma_start3A_320 = arith.constant 0 : i32
    %dma_start3A_321 = tpu.memref_slice %arg3[%dma_start3A_320, %multiple_of3A_311] : memref<16x1000001xf32, #tpu.memory_space<hbm>> -> memref<16x128xf32, #tpu.memory_space<hbm>>
    tpu.enqueue_dma source(%dma_start3A_321 : memref<16x128xf32, #tpu.memory_space<hbm>>) target(%dma_start3A_319 : memref<16x128xf32, #tpu.memory_space<vmem>>) target_semaphore(%arg11 : memref<!tpu.dma_semaphore, #tpu.memory_space<semaphore_mem>>)
    %slice3A_322 = vector.extract_strided_slice %mul3A_269 {offsets = [4], sizes = [1], strides = [1]} : vector<16xi32> to vector<1xi32>
    %squeeze3A_323 = vector.extract %slice3A_322[0] : i32 from vector<1xi32>
    %multiple_of3A_324 = tpu.assume_multiple %squeeze3A_323, 128 : i32
    %dma_start3A_325 = arith.constant 0 : i32
    %dma_start3A_326 = arith.constant 512 : i32
    %dma_start3A_327 = tpu.memref_slice %arg8[%dma_start3A_325, %dma_start3A_326] : memref<16x2048xf32, #tpu.memory_space<vmem>> -> memref<16x128xf32, #tpu.memory_space<vmem>>
    %dma_start3A_328 = arith.constant 0 : i32
    %dma_start3A_329 = tpu.memref_slice %arg3[%dma_start3A_328, %multiple_of3A_324] : memref<16x1000001xf32, #tpu.memory_space<hbm>> -> memref<16x128xf32, #tpu.memory_space<hbm>>
    %dma_start3A_330 = arith.constant 0 : i32
    %dma_start3A_331 = arith.constant 512 : i32
    %dma_start3A_332 = tpu.memref_slice %arg8[%dma_start3A_330, %dma_start3A_331] : memref<16x2048xf32, #tpu.memory_space<vmem>> -> memref<16x128xf32, #tpu.memory_space<vmem>>
    %dma_start3A_333 = arith.constant 0 : i32
    %dma_start3A_334 = tpu.memref_slice %arg3[%dma_start3A_333, %multiple_of3A_324] : memref<16x1000001xf32, #tpu.memory_space<hbm>> -> memref<16x128xf32, #tpu.memory_space<hbm>>
    tpu.enqueue_dma source(%dma_start3A_334 : memref<16x128xf32, #tpu.memory_space<hbm>>) target(%dma_start3A_332 : memref<16x128xf32, #tpu.memory_space<vmem>>) target_semaphore(%arg11 : memref<!tpu.dma_semaphore, #tpu.memory_space<semaphore_mem>>)
    %slice3A_335 = vector.extract_strided_slice %mul3A_269 {offsets = [5], sizes = [1], strides = [1]} : vector<16xi32> to vector<1xi32>
    %squeeze3A_336 = vector.extract %slice3A_335[0] : i32 from vector<1xi32>
    %multiple_of3A_337 = tpu.assume_multiple %squeeze3A_336, 128 : i32
    %dma_start3A_338 = arith.constant 0 : i32
    %dma_start3A_339 = arith.constant 640 : i32
    %dma_start3A_340 = tpu.memref_slice %arg8[%dma_start3A_338, %dma_start3A_339] : memref<16x2048xf32, #tpu.memory_space<vmem>> -> memref<16x128xf32, #tpu.memory_space<vmem>>
    %dma_start3A_341 = arith.constant 0 : i32
    %dma_start3A_342 = tpu.memref_slice %arg3[%dma_start3A_341, %multiple_of3A_337] : memref<16x1000001xf32, #tpu.memory_space<hbm>> -> memref<16x128xf32, #tpu.memory_space<hbm>>
    %dma_start3A_343 = arith.constant 0 : i32
    %dma_start3A_344 = arith.constant 640 : i32
    %dma_start3A_345 = tpu.memref_slice %arg8[%dma_start3A_343, %dma_start3A_344] : memref<16x2048xf32, #tpu.memory_space<vmem>> -> memref<16x128xf32, #tpu.memory_space<vmem>>
    %dma_start3A_346 = arith.constant 0 : i32
    %dma_start3A_347 = tpu.memref_slice %arg3[%dma_start3A_346, %multiple_of3A_337] : memref<16x1000001xf32, #tpu.memory_space<hbm>> -> memref<16x128xf32, #tpu.memory_space<hbm>>
    tpu.enqueue_dma source(%dma_start3A_347 : memref<16x128xf32, #tpu.memory_space<hbm>>) target(%dma_start3A_345 : memref<16x128xf32, #tpu.memory_space<vmem>>) target_semaphore(%arg11 : memref<!tpu.dma_semaphore, #tpu.memory_space<semaphore_mem>>)
    %slice3A_348 = vector.extract_strided_slice %mul3A_269 {offsets = [6], sizes = [1], strides = [1]} : vector<16xi32> to vector<1xi32>
    %squeeze3A_349 = vector.extract %slice3A_348[0] : i32 from vector<1xi32>
    %multiple_of3A_350 = tpu.assume_multiple %squeeze3A_349, 128 : i32
    %dma_start3A_351 = arith.constant 0 : i32
    %dma_start3A_352 = arith.constant 768 : i32
    %dma_start3A_353 = tpu.memref_slice %arg8[%dma_start3A_351, %dma_start3A_352] : memref<16x2048xf32, #tpu.memory_space<vmem>> -> memref<16x128xf32, #tpu.memory_space<vmem>>
    %dma_start3A_354 = arith.constant 0 : i32
    %dma_start3A_355 = tpu.memref_slice %arg3[%dma_start3A_354, %multiple_of3A_350] : memref<16x1000001xf32, #tpu.memory_space<hbm>> -> memref<16x128xf32, #tpu.memory_space<hbm>>
    %dma_start3A_356 = arith.constant 0 : i32
    %dma_start3A_357 = arith.constant 768 : i32
    %dma_start3A_358 = tpu.memref_slice %arg8[%dma_start3A_356, %dma_start3A_357] : memref<16x2048xf32, #tpu.memory_space<vmem>> -> memref<16x128xf32, #tpu.memory_space<vmem>>
    %dma_start3A_359 = arith.constant 0 : i32
    %dma_start3A_360 = tpu.memref_slice %arg3[%dma_start3A_359, %multiple_of3A_350] : memref<16x1000001xf32, #tpu.memory_space<hbm>> -> memref<16x128xf32, #tpu.memory_space<hbm>>
    tpu.enqueue_dma source(%dma_start3A_360 : memref<16x128xf32, #tpu.memory_space<hbm>>) target(%dma_start3A_358 : memref<16x128xf32, #tpu.memory_space<vmem>>) target_semaphore(%arg11 : memref<!tpu.dma_semaphore, #tpu.memory_space<semaphore_mem>>)
    %slice3A_361 = vector.extract_strided_slice %mul3A_269 {offsets = [7], sizes = [1], strides = [1]} : vector<16xi32> to vector<1xi32>
    %squeeze3A_362 = vector.extract %slice3A_361[0] : i32 from vector<1xi32>
    %multiple_of3A_363 = tpu.assume_multiple %squeeze3A_362, 128 : i32
    %dma_start3A_364 = arith.constant 0 : i32
    %dma_start3A_365 = arith.constant 896 : i32
    %dma_start3A_366 = tpu.memref_slice %arg8[%dma_start3A_364, %dma_start3A_365] : memref<16x2048xf32, #tpu.memory_space<vmem>> -> memref<16x128xf32, #tpu.memory_space<vmem>>
    %dma_start3A_367 = arith.constant 0 : i32
    %dma_start3A_368 = tpu.memref_slice %arg3[%dma_start3A_367, %multiple_of3A_363] : memref<16x1000001xf32, #tpu.memory_space<hbm>> -> memref<16x128xf32, #tpu.memory_space<hbm>>
    %dma_start3A_369 = arith.constant 0 : i32
    %dma_start3A_370 = arith.constant 896 : i32
    %dma_start3A_371 = tpu.memref_slice %arg8[%dma_start3A_369, %dma_start3A_370] : memref<16x2048xf32, #tpu.memory_space<vmem>> -> memref<16x128xf32, #tpu.memory_space<vmem>>
    %dma_start3A_372 = arith.constant 0 : i32
    %dma_start3A_373 = tpu.memref_slice %arg3[%dma_start3A_372, %multiple_of3A_363] : memref<16x1000001xf32, #tpu.memory_space<hbm>> -> memref<16x128xf32, #tpu.memory_space<hbm>>
    tpu.enqueue_dma source(%dma_start3A_373 : memref<16x128xf32, #tpu.memory_space<hbm>>) target(%dma_start3A_371 : memref<16x128xf32, #tpu.memory_space<vmem>>) target_semaphore(%arg11 : memref<!tpu.dma_semaphore, #tpu.memory_space<semaphore_mem>>)
    %slice3A_374 = vector.extract_strided_slice %mul3A_269 {offsets = [8], sizes = [1], strides = [1]} : vector<16xi32> to vector<1xi32>
    %squeeze3A_375 = vector.extract %slice3A_374[0] : i32 from vector<1xi32>
    %multiple_of3A_376 = tpu.assume_multiple %squeeze3A_375, 128 : i32
    %dma_start3A_377 = arith.constant 0 : i32
    %dma_start3A_378 = arith.constant 1024 : i32
    %dma_start3A_379 = tpu.memref_slice %arg8[%dma_start3A_377, %dma_start3A_378] : memref<16x2048xf32, #tpu.memory_space<vmem>> -> memref<16x128xf32, #tpu.memory_space<vmem>>
    %dma_start3A_380 = arith.constant 0 : i32
    %dma_start3A_381 = tpu.memref_slice %arg3[%dma_start3A_380, %multiple_of3A_376] : memref<16x1000001xf32, #tpu.memory_space<hbm>> -> memref<16x128xf32, #tpu.memory_space<hbm>>
    %dma_start3A_382 = arith.constant 0 : i32
    %dma_start3A_383 = arith.constant 1024 : i32
    %dma_start3A_384 = tpu.memref_slice %arg8[%dma_start3A_382, %dma_start3A_383] : memref<16x2048xf32, #tpu.memory_space<vmem>> -> memref<16x128xf32, #tpu.memory_space<vmem>>
    %dma_start3A_385 = arith.constant 0 : i32
    %dma_start3A_386 = tpu.memref_slice %arg3[%dma_start3A_385, %multiple_of3A_376] : memref<16x1000001xf32, #tpu.memory_space<hbm>> -> memref<16x128xf32, #tpu.memory_space<hbm>>
    tpu.enqueue_dma source(%dma_start3A_386 : memref<16x128xf32, #tpu.memory_space<hbm>>) target(%dma_start3A_384 : memref<16x128xf32, #tpu.memory_space<vmem>>) target_semaphore(%arg11 : memref<!tpu.dma_semaphore, #tpu.memory_space<semaphore_mem>>)
    %slice3A_387 = vector.extract_strided_slice %mul3A_269 {offsets = [9], sizes = [1], strides = [1]} : vector<16xi32> to vector<1xi32>
    %squeeze3A_388 = vector.extract %slice3A_387[0] : i32 from vector<1xi32>
    %multiple_of3A_389 = tpu.assume_multiple %squeeze3A_388, 128 : i32
    %dma_start3A_390 = arith.constant 0 : i32
    %dma_start3A_391 = arith.constant 1152 : i32
    %dma_start3A_392 = tpu.memref_slice %arg8[%dma_start3A_390, %dma_start3A_391] : memref<16x2048xf32, #tpu.memory_space<vmem>> -> memref<16x128xf32, #tpu.memory_space<vmem>>
    %dma_start3A_393 = arith.constant 0 : i32
    %dma_start3A_394 = tpu.memref_slice %arg3[%dma_start3A_393, %multiple_of3A_389] : memref<16x1000001xf32, #tpu.memory_space<hbm>> -> memref<16x128xf32, #tpu.memory_space<hbm>>
    %dma_start3A_395 = arith.constant 0 : i32
    %dma_start3A_396 = arith.constant 1152 : i32
    %dma_start3A_397 = tpu.memref_slice %arg8[%dma_start3A_395, %dma_start3A_396] : memref<16x2048xf32, #tpu.memory_space<vmem>> -> memref<16x128xf32, #tpu.memory_space<vmem>>
    %dma_start3A_398 = arith.constant 0 : i32
    %dma_start3A_399 = tpu.memref_slice %arg3[%dma_start3A_398, %multiple_of3A_389] : memref<16x1000001xf32, #tpu.memory_space<hbm>> -> memref<16x128xf32, #tpu.memory_space<hbm>>
    tpu.enqueue_dma source(%dma_start3A_399 : memref<16x128xf32, #tpu.memory_space<hbm>>) target(%dma_start3A_397 : memref<16x128xf32, #tpu.memory_space<vmem>>) target_semaphore(%arg11 : memref<!tpu.dma_semaphore, #tpu.memory_space<semaphore_mem>>)
    %slice3A_400 = vector.extract_strided_slice %mul3A_269 {offsets = [10], sizes = [1], strides = [1]} : vector<16xi32> to vector<1xi32>
    %squeeze3A_401 = vector.extract %slice3A_400[0] : i32 from vector<1xi32>
    %multiple_of3A_402 = tpu.assume_multiple %squeeze3A_401, 128 : i32
    %dma_start3A_403 = arith.constant 0 : i32
    %dma_start3A_404 = arith.constant 1280 : i32
    %dma_start3A_405 = tpu.memref_slice %arg8[%dma_start3A_403, %dma_start3A_404] : memref<16x2048xf32, #tpu.memory_space<vmem>> -> memref<16x128xf32, #tpu.memory_space<vmem>>
    %dma_start3A_406 = arith.constant 0 : i32
    %dma_start3A_407 = tpu.memref_slice %arg3[%dma_start3A_406, %multiple_of3A_402] : memref<16x1000001xf32, #tpu.memory_space<hbm>> -> memref<16x128xf32, #tpu.memory_space<hbm>>
    %dma_start3A_408 = arith.constant 0 : i32
    %dma_start3A_409 = arith.constant 1280 : i32
    %dma_start3A_410 = tpu.memref_slice %arg8[%dma_start3A_408, %dma_start3A_409] : memref<16x2048xf32, #tpu.memory_space<vmem>> -> memref<16x128xf32, #tpu.memory_space<vmem>>
    %dma_start3A_411 = arith.constant 0 : i32
    %dma_start3A_412 = tpu.memref_slice %arg3[%dma_start3A_411, %multiple_of3A_402] : memref<16x1000001xf32, #tpu.memory_space<hbm>> -> memref<16x128xf32, #tpu.memory_space<hbm>>
    tpu.enqueue_dma source(%dma_start3A_412 : memref<16x128xf32, #tpu.memory_space<hbm>>) target(%dma_start3A_410 : memref<16x128xf32, #tpu.memory_space<vmem>>) target_semaphore(%arg11 : memref<!tpu.dma_semaphore, #tpu.memory_space<semaphore_mem>>)
    %slice3A_413 = vector.extract_strided_slice %mul3A_269 {offsets = [11], sizes = [1], strides = [1]} : vector<16xi32> to vector<1xi32>
    %squeeze3A_414 = vector.extract %slice3A_413[0] : i32 from vector<1xi32>
    %multiple_of3A_415 = tpu.assume_multiple %squeeze3A_414, 128 : i32
    %dma_start3A_416 = arith.constant 0 : i32
    %dma_start3A_417 = arith.constant 1408 : i32
    %dma_start3A_418 = tpu.memref_slice %arg8[%dma_start3A_416, %dma_start3A_417] : memref<16x2048xf32, #tpu.memory_space<vmem>> -> memref<16x128xf32, #tpu.memory_space<vmem>>
    %dma_start3A_419 = arith.constant 0 : i32
    %dma_start3A_420 = tpu.memref_slice %arg3[%dma_start3A_419, %multiple_of3A_415] : memref<16x1000001xf32, #tpu.memory_space<hbm>> -> memref<16x128xf32, #tpu.memory_space<hbm>>
    %dma_start3A_421 = arith.constant 0 : i32
    %dma_start3A_422 = arith.constant 1408 : i32
    %dma_start3A_423 = tpu.memref_slice %arg8[%dma_start3A_421, %dma_start3A_422] : memref<16x2048xf32, #tpu.memory_space<vmem>> -> memref<16x128xf32, #tpu.memory_space<vmem>>
    %dma_start3A_424 = arith.constant 0 : i32
    %dma_start3A_425 = tpu.memref_slice %arg3[%dma_start3A_424, %multiple_of3A_415] : memref<16x1000001xf32, #tpu.memory_space<hbm>> -> memref<16x128xf32, #tpu.memory_space<hbm>>
    tpu.enqueue_dma source(%dma_start3A_425 : memref<16x128xf32, #tpu.memory_space<hbm>>) target(%dma_start3A_423 : memref<16x128xf32, #tpu.memory_space<vmem>>) target_semaphore(%arg11 : memref<!tpu.dma_semaphore, #tpu.memory_space<semaphore_mem>>)
    %slice3A_426 = vector.extract_strided_slice %mul3A_269 {offsets = [12], sizes = [1], strides = [1]} : vector<16xi32> to vector<1xi32>
    %squeeze3A_427 = vector.extract %slice3A_426[0] : i32 from vector<1xi32>
    %multiple_of3A_428 = tpu.assume_multiple %squeeze3A_427, 128 : i32
    %dma_start3A_429 = arith.constant 0 : i32
    %dma_start3A_430 = arith.constant 1536 : i32
    %dma_start3A_431 = tpu.memref_slice %arg8[%dma_start3A_429, %dma_start3A_430] : memref<16x2048xf32, #tpu.memory_space<vmem>> -> memref<16x128xf32, #tpu.memory_space<vmem>>
    %dma_start3A_432 = arith.constant 0 : i32
    %dma_start3A_433 = tpu.memref_slice %arg3[%dma_start3A_432, %multiple_of3A_428] : memref<16x1000001xf32, #tpu.memory_space<hbm>> -> memref<16x128xf32, #tpu.memory_space<hbm>>
    %dma_start3A_434 = arith.constant 0 : i32
    %dma_start3A_435 = arith.constant 1536 : i32
    %dma_start3A_436 = tpu.memref_slice %arg8[%dma_start3A_434, %dma_start3A_435] : memref<16x2048xf32, #tpu.memory_space<vmem>> -> memref<16x128xf32, #tpu.memory_space<vmem>>
    %dma_start3A_437 = arith.constant 0 : i32
    %dma_start3A_438 = tpu.memref_slice %arg3[%dma_start3A_437, %multiple_of3A_428] : memref<16x1000001xf32, #tpu.memory_space<hbm>> -> memref<16x128xf32, #tpu.memory_space<hbm>>
    tpu.enqueue_dma source(%dma_start3A_438 : memref<16x128xf32, #tpu.memory_space<hbm>>) target(%dma_start3A_436 : memref<16x128xf32, #tpu.memory_space<vmem>>) target_semaphore(%arg11 : memref<!tpu.dma_semaphore, #tpu.memory_space<semaphore_mem>>)
    %slice3A_439 = vector.extract_strided_slice %mul3A_269 {offsets = [13], sizes = [1], strides = [1]} : vector<16xi32> to vector<1xi32>
    %squeeze3A_440 = vector.extract %slice3A_439[0] : i32 from vector<1xi32>
    %multiple_of3A_441 = tpu.assume_multiple %squeeze3A_440, 128 : i32
    %dma_start3A_442 = arith.constant 0 : i32
    %dma_start3A_443 = arith.constant 1664 : i32
    %dma_start3A_444 = tpu.memref_slice %arg8[%dma_start3A_442, %dma_start3A_443] : memref<16x2048xf32, #tpu.memory_space<vmem>> -> memref<16x128xf32, #tpu.memory_space<vmem>>
    %dma_start3A_445 = arith.constant 0 : i32
    %dma_start3A_446 = tpu.memref_slice %arg3[%dma_start3A_445, %multiple_of3A_441] : memref<16x1000001xf32, #tpu.memory_space<hbm>> -> memref<16x128xf32, #tpu.memory_space<hbm>>
    %dma_start3A_447 = arith.constant 0 : i32
    %dma_start3A_448 = arith.constant 1664 : i32
    %dma_start3A_449 = tpu.memref_slice %arg8[%dma_start3A_447, %dma_start3A_448] : memref<16x2048xf32, #tpu.memory_space<vmem>> -> memref<16x128xf32, #tpu.memory_space<vmem>>
    %dma_start3A_450 = arith.constant 0 : i32
    %dma_start3A_451 = tpu.memref_slice %arg3[%dma_start3A_450, %multiple_of3A_441] : memref<16x1000001xf32, #tpu.memory_space<hbm>> -> memref<16x128xf32, #tpu.memory_space<hbm>>
    tpu.enqueue_dma source(%dma_start3A_451 : memref<16x128xf32, #tpu.memory_space<hbm>>) target(%dma_start3A_449 : memref<16x128xf32, #tpu.memory_space<vmem>>) target_semaphore(%arg11 : memref<!tpu.dma_semaphore, #tpu.memory_space<semaphore_mem>>)
    %slice3A_452 = vector.extract_strided_slice %mul3A_269 {offsets = [14], sizes = [1], strides = [1]} : vector<16xi32> to vector<1xi32>
    %squeeze3A_453 = vector.extract %slice3A_452[0] : i32 from vector<1xi32>
    %multiple_of3A_454 = tpu.assume_multiple %squeeze3A_453, 128 : i32
    %dma_start3A_455 = arith.constant 0 : i32
    %dma_start3A_456 = arith.constant 1792 : i32
    %dma_start3A_457 = tpu.memref_slice %arg8[%dma_start3A_455, %dma_start3A_456] : memref<16x2048xf32, #tpu.memory_space<vmem>> -> memref<16x128xf32, #tpu.memory_space<vmem>>
    %dma_start3A_458 = arith.constant 0 : i32
    %dma_start3A_459 = tpu.memref_slice %arg3[%dma_start3A_458, %multiple_of3A_454] : memref<16x1000001xf32, #tpu.memory_space<hbm>> -> memref<16x128xf32, #tpu.memory_space<hbm>>
    %dma_start3A_460 = arith.constant 0 : i32
    %dma_start3A_461 = arith.constant 1792 : i32
    %dma_start3A_462 = tpu.memref_slice %arg8[%dma_start3A_460, %dma_start3A_461] : memref<16x2048xf32, #tpu.memory_space<vmem>> -> memref<16x128xf32, #tpu.memory_space<vmem>>
    %dma_start3A_463 = arith.constant 0 : i32
    %dma_start3A_464 = tpu.memref_slice %arg3[%dma_start3A_463, %multiple_of3A_454] : memref<16x1000001xf32, #tpu.memory_space<hbm>> -> memref<16x128xf32, #tpu.memory_space<hbm>>
    tpu.enqueue_dma source(%dma_start3A_464 : memref<16x128xf32, #tpu.memory_space<hbm>>) target(%dma_start3A_462 : memref<16x128xf32, #tpu.memory_space<vmem>>) target_semaphore(%arg11 : memref<!tpu.dma_semaphore, #tpu.memory_space<semaphore_mem>>)
    %slice3A_465 = vector.extract_strided_slice %mul3A_269 {offsets = [15], sizes = [1], strides = [1]} : vector<16xi32> to vector<1xi32>
    %squeeze3A_466 = vector.extract %slice3A_465[0] : i32 from vector<1xi32>
    %multiple_of3A_467 = tpu.assume_multiple %squeeze3A_466, 128 : i32
    %dma_start3A_468 = arith.constant 0 : i32
    %dma_start3A_469 = arith.constant 1920 : i32
    %dma_start3A_470 = tpu.memref_slice %arg8[%dma_start3A_468, %dma_start3A_469] : memref<16x2048xf32, #tpu.memory_space<vmem>> -> memref<16x128xf32, #tpu.memory_space<vmem>>
    %dma_start3A_471 = arith.constant 0 : i32
    %dma_start3A_472 = tpu.memref_slice %arg3[%dma_start3A_471, %multiple_of3A_467] : memref<16x1000001xf32, #tpu.memory_space<hbm>> -> memref<16x128xf32, #tpu.memory_space<hbm>>
    %dma_start3A_473 = arith.constant 0 : i32
    %dma_start3A_474 = arith.constant 1920 : i32
    %dma_start3A_475 = tpu.memref_slice %arg8[%dma_start3A_473, %dma_start3A_474] : memref<16x2048xf32, #tpu.memory_space<vmem>> -> memref<16x128xf32, #tpu.memory_space<vmem>>
    %dma_start3A_476 = arith.constant 0 : i32
    %dma_start3A_477 = tpu.memref_slice %arg3[%dma_start3A_476, %multiple_of3A_467] : memref<16x1000001xf32, #tpu.memory_space<hbm>> -> memref<16x128xf32, #tpu.memory_space<hbm>>
    tpu.enqueue_dma source(%dma_start3A_477 : memref<16x128xf32, #tpu.memory_space<hbm>>) target(%dma_start3A_475 : memref<16x128xf32, #tpu.memory_space<vmem>>) target_semaphore(%arg11 : memref<!tpu.dma_semaphore, #tpu.memory_space<semaphore_mem>>)
    %scan3A = arith.constant 0 : i32
    %scan3A_478 = arith.constant 10 : i32
    %scan3A_479 = arith.addi %scan3A, %scan3A_478 : i32
    %scan3A_480 = arith.constant 1 : i32
    scf.for %scan3A_737 = %scan3A to %scan3A_479 step %scan3A_480  : i32 {
      %mul3A_738 = arith.constant 1 : i32
      %mul3A_739 = arith.muli %scan3A_737, %mul3A_738 : i32
      %add3A_740 = arith.constant 0 : i32
      %add3A_741 = arith.addi %add3A_740, %mul3A_739 : i32
      %mul3A_742 = arith.constant 3 : i32
      %mul3A_743 = arith.muli %add3A_741, %mul3A_742 : i32
      %add3A_744 = arith.constant 0 : i32
      %add3A_745 = arith.addi %mul3A_743, %add3A_744 : i32
      %add3A_746 = arith.constant 2 : i32
      %add3A_747 = arith.addi %add3A_745, %add3A_746 : i32
      %mul3A_748 = arith.constant 16 : i32
      %mul3A_749 = arith.muli %add3A_747, %mul3A_748 : i32
      %get3A_750 = arith.index_cast %mul3A_749 : i32 to index
      %get3A_751 = tpu.vector_load %arg5[%get3A_750] {strides = array<i32>} : memref<512xi32, #tpu.memory_space<vmem>>, vector<16xi32>,
      %jit3A_752 = arith.constant 128 : i32
      %div3A_753 = vector.broadcast %jit3A_752 : i32 to vector<16xi32>
      %div3A_754 = arith.divsi %get3A_751, %div3A_753 : vector<16xi32>
      %sign3A_755 = arith.constant 0 : i32
      %sign3A_756 = vector.broadcast %sign3A_755 : i32 to vector<16xi32>
      %sign3A_757 = arith.cmpi sgt, %get3A_751, %sign3A_756 : vector<16xi32>
      %sign3A_758 = arith.extui %sign3A_757 : vector<16xi1> to vector<16xi32>
      %sign3A_759 = arith.constant 0 : i32
      %sign3A_760 = vector.broadcast %sign3A_759 : i32 to vector<16xi32>
      %sign3A_761 = arith.cmpi slt, %get3A_751, %sign3A_760 : vector<16xi32>
      %sign3A_762 = arith.extui %sign3A_761 : vector<16xi1> to vector<16xi32>
      %sign3A_763 = arith.subi %sign3A_758, %sign3A_762 : vector<16xi32>
      %sign3A_764 = arith.constant 0 : i32
      %sign3A_765 = arith.cmpi sgt, %jit3A_752, %sign3A_764 : i32
      %sign3A_766 = arith.extui %sign3A_765 : i1 to i32
      %sign3A_767 = arith.constant 0 : i32
      %sign3A_768 = arith.cmpi slt, %jit3A_752, %sign3A_767 : i32
      %sign3A_769 = arith.extui %sign3A_768 : i1 to i32
      %sign3A_770 = arith.subi %sign3A_766, %sign3A_769 : i32
      %ne3A_771 = vector.broadcast %sign3A_770 : i32 to vector<16xi32>
      %ne3A_772 = arith.cmpi ne, %sign3A_763, %ne3A_771 : vector<16xi32>
      %rem3A_773 = vector.broadcast %jit3A_752 : i32 to vector<16xi32>
      %rem3A_774 = arith.remsi %get3A_751, %rem3A_773 : vector<16xi32>
      %ne3A_775 = arith.constant 0 : i32
      %ne3A_776 = vector.broadcast %ne3A_775 : i32 to vector<16xi32>
      %ne3A_777 = arith.cmpi ne, %rem3A_774, %ne3A_776 : vector<16xi32>
      %and3A_778 = arith.andi %ne3A_772, %ne3A_777 : vector<16xi1>
      %sub3A_779 = arith.constant 1 : i32
      %sub3A_780 = vector.broadcast %sub3A_779 : i32 to vector<16xi32>
      %sub3A_781 = arith.subi %div3A_754, %sub3A_780 : vector<16xi32>
      %select_n3A_782 = arith.select %and3A_778, %sub3A_781, %div3A_754 : vector<16xi1>, vector<16xi32>
      %mul3A_783 = arith.constant 128 : i32
      %mul3A_784 = vector.broadcast %mul3A_783 : i32 to vector<16xi32>
      %mul3A_785 = arith.muli %select_n3A_782, %mul3A_784 : vector<16xi32>
      %slice3A_786 = vector.extract_strided_slice %mul3A_785 {offsets = [0], sizes = [1], strides = [1]} : vector<16xi32> to vector<1xi32>
      %squeeze3A_787 = vector.extract %slice3A_786[0] : i32 from vector<1xi32>
      %multiple_of3A_788 = tpu.assume_multiple %squeeze3A_787, 128 : i32
      %dma_start3A_789 = arith.constant 0 : i32
      %dma_start3A_790 = arith.constant 0 : i32
      %dma_start3A_791 = tpu.memref_slice %arg9[%dma_start3A_789, %dma_start3A_790] : memref<16x2048xf32, #tpu.memory_space<vmem>> -> memref<16x128xf32, #tpu.memory_space<vmem>>
      %dma_start3A_792 = arith.constant 0 : i32
      %dma_start3A_793 = tpu.memref_slice %arg3[%dma_start3A_792, %multiple_of3A_788] : memref<16x1000001xf32, #tpu.memory_space<hbm>> -> memref<16x128xf32, #tpu.memory_space<hbm>>
      %dma_start3A_794 = arith.constant 0 : i32
      %dma_start3A_795 = arith.constant 0 : i32
      %dma_start3A_796 = tpu.memref_slice %arg9[%dma_start3A_794, %dma_start3A_795] : memref<16x2048xf32, #tpu.memory_space<vmem>> -> memref<16x128xf32, #tpu.memory_space<vmem>>
      %dma_start3A_797 = arith.constant 0 : i32
      %dma_start3A_798 = tpu.memref_slice %arg3[%dma_start3A_797, %multiple_of3A_788] : memref<16x1000001xf32, #tpu.memory_space<hbm>> -> memref<16x128xf32, #tpu.memory_space<hbm>>
      tpu.enqueue_dma source(%dma_start3A_798 : memref<16x128xf32, #tpu.memory_space<hbm>>) target(%dma_start3A_796 : memref<16x128xf32, #tpu.memory_space<vmem>>) target_semaphore(%arg12 : memref<!tpu.dma_semaphore, #tpu.memory_space<semaphore_mem>>)
      %slice3A_799 = vector.extract_strided_slice %mul3A_785 {offsets = [1], sizes = [1], strides = [1]} : vector<16xi32> to vector<1xi32>
      %squeeze3A_800 = vector.extract %slice3A_799[0] : i32 from vector<1xi32>
      %multiple_of3A_801 = tpu.assume_multiple %squeeze3A_800, 128 : i32
      %dma_start3A_802 = arith.constant 0 : i32
      %dma_start3A_803 = arith.constant 128 : i32
      %dma_start3A_804 = tpu.memref_slice %arg9[%dma_start3A_802, %dma_start3A_803] : memref<16x2048xf32, #tpu.memory_space<vmem>> -> memref<16x128xf32, #tpu.memory_space<vmem>>
      %dma_start3A_805 = arith.constant 0 : i32
      %dma_start3A_806 = tpu.memref_slice %arg3[%dma_start3A_805, %multiple_of3A_801] : memref<16x1000001xf32, #tpu.memory_space<hbm>> -> memref<16x128xf32, #tpu.memory_space<hbm>>
      %dma_start3A_807 = arith.constant 0 : i32
      %dma_start3A_808 = arith.constant 128 : i32
      %dma_start3A_809 = tpu.memref_slice %arg9[%dma_start3A_807, %dma_start3A_808] : memref<16x2048xf32, #tpu.memory_space<vmem>> -> memref<16x128xf32, #tpu.memory_space<vmem>>
      %dma_start3A_810 = arith.constant 0 : i32
      %dma_start3A_811 = tpu.memref_slice %arg3[%dma_start3A_810, %multiple_of3A_801] : memref<16x1000001xf32, #tpu.memory_space<hbm>> -> memref<16x128xf32, #tpu.memory_space<hbm>>
      tpu.enqueue_dma source(%dma_start3A_811 : memref<16x128xf32, #tpu.memory_space<hbm>>) target(%dma_start3A_809 : memref<16x128xf32, #tpu.memory_space<vmem>>) target_semaphore(%arg12 : memref<!tpu.dma_semaphore, #tpu.memory_space<semaphore_mem>>)
      %slice3A_812 = vector.extract_strided_slice %mul3A_785 {offsets = [2], sizes = [1], strides = [1]} : vector<16xi32> to vector<1xi32>
      %squeeze3A_813 = vector.extract %slice3A_812[0] : i32 from vector<1xi32>
      %multiple_of3A_814 = tpu.assume_multiple %squeeze3A_813, 128 : i32
      %dma_start3A_815 = arith.constant 0 : i32
      %dma_start3A_816 = arith.constant 256 : i32
      %dma_start3A_817 = tpu.memref_slice %arg9[%dma_start3A_815, %dma_start3A_816] : memref<16x2048xf32, #tpu.memory_space<vmem>> -> memref<16x128xf32, #tpu.memory_space<vmem>>
      %dma_start3A_818 = arith.constant 0 : i32
      %dma_start3A_819 = tpu.memref_slice %arg3[%dma_start3A_818, %multiple_of3A_814] : memref<16x1000001xf32, #tpu.memory_space<hbm>> -> memref<16x128xf32, #tpu.memory_space<hbm>>
      %dma_start3A_820 = arith.constant 0 : i32
      %dma_start3A_821 = arith.constant 256 : i32
      %dma_start3A_822 = tpu.memref_slice %arg9[%dma_start3A_820, %dma_start3A_821] : memref<16x2048xf32, #tpu.memory_space<vmem>> -> memref<16x128xf32, #tpu.memory_space<vmem>>
      %dma_start3A_823 = arith.constant 0 : i32
      %dma_start3A_824 = tpu.memref_slice %arg3[%dma_start3A_823, %multiple_of3A_814] : memref<16x1000001xf32, #tpu.memory_space<hbm>> -> memref<16x128xf32, #tpu.memory_space<hbm>>
      tpu.enqueue_dma source(%dma_start3A_824 : memref<16x128xf32, #tpu.memory_space<hbm>>) target(%dma_start3A_822 : memref<16x128xf32, #tpu.memory_space<vmem>>) target_semaphore(%arg12 : memref<!tpu.dma_semaphore, #tpu.memory_space<semaphore_mem>>)
      %slice3A_825 = vector.extract_strided_slice %mul3A_785 {offsets = [3], sizes = [1], strides = [1]} : vector<16xi32> to vector<1xi32>
      %squeeze3A_826 = vector.extract %slice3A_825[0] : i32 from vector<1xi32>
      %multiple_of3A_827 = tpu.assume_multiple %squeeze3A_826, 128 : i32
      %dma_start3A_828 = arith.constant 0 : i32
      %dma_start3A_829 = arith.constant 384 : i32
      %dma_start3A_830 = tpu.memref_slice %arg9[%dma_start3A_828, %dma_start3A_829] : memref<16x2048xf32, #tpu.memory_space<vmem>> -> memref<16x128xf32, #tpu.memory_space<vmem>>
      %dma_start3A_831 = arith.constant 0 : i32
      %dma_start3A_832 = tpu.memref_slice %arg3[%dma_start3A_831, %multiple_of3A_827] : memref<16x1000001xf32, #tpu.memory_space<hbm>> -> memref<16x128xf32, #tpu.memory_space<hbm>>
      %dma_start3A_833 = arith.constant 0 : i32
      %dma_start3A_834 = arith.constant 384 : i32
      %dma_start3A_835 = tpu.memref_slice %arg9[%dma_start3A_833, %dma_start3A_834] : memref<16x2048xf32, #tpu.memory_space<vmem>> -> memref<16x128xf32, #tpu.memory_space<vmem>>
      %dma_start3A_836 = arith.constant 0 : i32
      %dma_start3A_837 = tpu.memref_slice %arg3[%dma_start3A_836, %multiple_of3A_827] : memref<16x1000001xf32, #tpu.memory_space<hbm>> -> memref<16x128xf32, #tpu.memory_space<hbm>>
      tpu.enqueue_dma source(%dma_start3A_837 : memref<16x128xf32, #tpu.memory_space<hbm>>) target(%dma_start3A_835 : memref<16x128xf32, #tpu.memory_space<vmem>>) target_semaphore(%arg12 : memref<!tpu.dma_semaphore, #tpu.memory_space<semaphore_mem>>)
      %slice3A_838 = vector.extract_strided_slice %mul3A_785 {offsets = [4], sizes = [1], strides = [1]} : vector<16xi32> to vector<1xi32>
      %squeeze3A_839 = vector.extract %slice3A_838[0] : i32 from vector<1xi32>
      %multiple_of3A_840 = tpu.assume_multiple %squeeze3A_839, 128 : i32
      %dma_start3A_841 = arith.constant 0 : i32
      %dma_start3A_842 = arith.constant 512 : i32
      %dma_start3A_843 = tpu.memref_slice %arg9[%dma_start3A_841, %dma_start3A_842] : memref<16x2048xf32, #tpu.memory_space<vmem>> -> memref<16x128xf32, #tpu.memory_space<vmem>>
      %dma_start3A_844 = arith.constant 0 : i32
      %dma_start3A_845 = tpu.memref_slice %arg3[%dma_start3A_844, %multiple_of3A_840] : memref<16x1000001xf32, #tpu.memory_space<hbm>> -> memref<16x128xf32, #tpu.memory_space<hbm>>
      %dma_start3A_846 = arith.constant 0 : i32
      %dma_start3A_847 = arith.constant 512 : i32
      %dma_start3A_848 = tpu.memref_slice %arg9[%dma_start3A_846, %dma_start3A_847] : memref<16x2048xf32, #tpu.memory_space<vmem>> -> memref<16x128xf32, #tpu.memory_space<vmem>>
      %dma_start3A_849 = arith.constant 0 : i32
      %dma_start3A_850 = tpu.memref_slice %arg3[%dma_start3A_849, %multiple_of3A_840] : memref<16x1000001xf32, #tpu.memory_space<hbm>> -> memref<16x128xf32, #tpu.memory_space<hbm>>
      tpu.enqueue_dma source(%dma_start3A_850 : memref<16x128xf32, #tpu.memory_space<hbm>>) target(%dma_start3A_848 : memref<16x128xf32, #tpu.memory_space<vmem>>) target_semaphore(%arg12 : memref<!tpu.dma_semaphore, #tpu.memory_space<semaphore_mem>>)
      %slice3A_851 = vector.extract_strided_slice %mul3A_785 {offsets = [5], sizes = [1], strides = [1]} : vector<16xi32> to vector<1xi32>
      %squeeze3A_852 = vector.extract %slice3A_851[0] : i32 from vector<1xi32>
      %multiple_of3A_853 = tpu.assume_multiple %squeeze3A_852, 128 : i32
      %dma_start3A_854 = arith.constant 0 : i32
      %dma_start3A_855 = arith.constant 640 : i32
      %dma_start3A_856 = tpu.memref_slice %arg9[%dma_start3A_854, %dma_start3A_855] : memref<16x2048xf32, #tpu.memory_space<vmem>> -> memref<16x128xf32, #tpu.memory_space<vmem>>
      %dma_start3A_857 = arith.constant 0 : i32
      %dma_start3A_858 = tpu.memref_slice %arg3[%dma_start3A_857, %multiple_of3A_853] : memref<16x1000001xf32, #tpu.memory_space<hbm>> -> memref<16x128xf32, #tpu.memory_space<hbm>>
      %dma_start3A_859 = arith.constant 0 : i32
      %dma_start3A_860 = arith.constant 640 : i32
      %dma_start3A_861 = tpu.memref_slice %arg9[%dma_start3A_859, %dma_start3A_860] : memref<16x2048xf32, #tpu.memory_space<vmem>> -> memref<16x128xf32, #tpu.memory_space<vmem>>
      %dma_start3A_862 = arith.constant 0 : i32
      %dma_start3A_863 = tpu.memref_slice %arg3[%dma_start3A_862, %multiple_of3A_853] : memref<16x1000001xf32, #tpu.memory_space<hbm>> -> memref<16x128xf32, #tpu.memory_space<hbm>>
      tpu.enqueue_dma source(%dma_start3A_863 : memref<16x128xf32, #tpu.memory_space<hbm>>) target(%dma_start3A_861 : memref<16x128xf32, #tpu.memory_space<vmem>>) target_semaphore(%arg12 : memref<!tpu.dma_semaphore, #tpu.memory_space<semaphore_mem>>)
      %slice3A_864 = vector.extract_strided_slice %mul3A_785 {offsets = [6], sizes = [1], strides = [1]} : vector<16xi32> to vector<1xi32>
      %squeeze3A_865 = vector.extract %slice3A_864[0] : i32 from vector<1xi32>
      %multiple_of3A_866 = tpu.assume_multiple %squeeze3A_865, 128 : i32
      %dma_start3A_867 = arith.constant 0 : i32
      %dma_start3A_868 = arith.constant 768 : i32
      %dma_start3A_869 = tpu.memref_slice %arg9[%dma_start3A_867, %dma_start3A_868] : memref<16x2048xf32, #tpu.memory_space<vmem>> -> memref<16x128xf32, #tpu.memory_space<vmem>>
      %dma_start3A_870 = arith.constant 0 : i32
      %dma_start3A_871 = tpu.memref_slice %arg3[%dma_start3A_870, %multiple_of3A_866] : memref<16x1000001xf32, #tpu.memory_space<hbm>> -> memref<16x128xf32, #tpu.memory_space<hbm>>
      %dma_start3A_872 = arith.constant 0 : i32
      %dma_start3A_873 = arith.constant 768 : i32
      %dma_start3A_874 = tpu.memref_slice %arg9[%dma_start3A_872, %dma_start3A_873] : memref<16x2048xf32, #tpu.memory_space<vmem>> -> memref<16x128xf32, #tpu.memory_space<vmem>>
      %dma_start3A_875 = arith.constant 0 : i32
      %dma_start3A_876 = tpu.memref_slice %arg3[%dma_start3A_875, %multiple_of3A_866] : memref<16x1000001xf32, #tpu.memory_space<hbm>> -> memref<16x128xf32, #tpu.memory_space<hbm>>
      tpu.enqueue_dma source(%dma_start3A_876 : memref<16x128xf32, #tpu.memory_space<hbm>>) target(%dma_start3A_874 : memref<16x128xf32, #tpu.memory_space<vmem>>) target_semaphore(%arg12 : memref<!tpu.dma_semaphore, #tpu.memory_space<semaphore_mem>>)
      %slice3A_877 = vector.extract_strided_slice %mul3A_785 {offsets = [7], sizes = [1], strides = [1]} : vector<16xi32> to vector<1xi32>
      %squeeze3A_878 = vector.extract %slice3A_877[0] : i32 from vector<1xi32>
      %multiple_of3A_879 = tpu.assume_multiple %squeeze3A_878, 128 : i32
      %dma_start3A_880 = arith.constant 0 : i32
      %dma_start3A_881 = arith.constant 896 : i32
      %dma_start3A_882 = tpu.memref_slice %arg9[%dma_start3A_880, %dma_start3A_881] : memref<16x2048xf32, #tpu.memory_space<vmem>> -> memref<16x128xf32, #tpu.memory_space<vmem>>
      %dma_start3A_883 = arith.constant 0 : i32
      %dma_start3A_884 = tpu.memref_slice %arg3[%dma_start3A_883, %multiple_of3A_879] : memref<16x1000001xf32, #tpu.memory_space<hbm>> -> memref<16x128xf32, #tpu.memory_space<hbm>>
      %dma_start3A_885 = arith.constant 0 : i32
      %dma_start3A_886 = arith.constant 896 : i32
      %dma_start3A_887 = tpu.memref_slice %arg9[%dma_start3A_885, %dma_start3A_886] : memref<16x2048xf32, #tpu.memory_space<vmem>> -> memref<16x128xf32, #tpu.memory_space<vmem>>
      %dma_start3A_888 = arith.constant 0 : i32
      %dma_start3A_889 = tpu.memref_slice %arg3[%dma_start3A_888, %multiple_of3A_879] : memref<16x1000001xf32, #tpu.memory_space<hbm>> -> memref<16x128xf32, #tpu.memory_space<hbm>>
      tpu.enqueue_dma source(%dma_start3A_889 : memref<16x128xf32, #tpu.memory_space<hbm>>) target(%dma_start3A_887 : memref<16x128xf32, #tpu.memory_space<vmem>>) target_semaphore(%arg12 : memref<!tpu.dma_semaphore, #tpu.memory_space<semaphore_mem>>)
      %slice3A_890 = vector.extract_strided_slice %mul3A_785 {offsets = [8], sizes = [1], strides = [1]} : vector<16xi32> to vector<1xi32>
      %squeeze3A_891 = vector.extract %slice3A_890[0] : i32 from vector<1xi32>
      %multiple_of3A_892 = tpu.assume_multiple %squeeze3A_891, 128 : i32
      %dma_start3A_893 = arith.constant 0 : i32
      %dma_start3A_894 = arith.constant 1024 : i32
      %dma_start3A_895 = tpu.memref_slice %arg9[%dma_start3A_893, %dma_start3A_894] : memref<16x2048xf32, #tpu.memory_space<vmem>> -> memref<16x128xf32, #tpu.memory_space<vmem>>
      %dma_start3A_896 = arith.constant 0 : i32
      %dma_start3A_897 = tpu.memref_slice %arg3[%dma_start3A_896, %multiple_of3A_892] : memref<16x1000001xf32, #tpu.memory_space<hbm>> -> memref<16x128xf32, #tpu.memory_space<hbm>>
      %dma_start3A_898 = arith.constant 0 : i32
      %dma_start3A_899 = arith.constant 1024 : i32
      %dma_start3A_900 = tpu.memref_slice %arg9[%dma_start3A_898, %dma_start3A_899] : memref<16x2048xf32, #tpu.memory_space<vmem>> -> memref<16x128xf32, #tpu.memory_space<vmem>>
      %dma_start3A_901 = arith.constant 0 : i32
      %dma_start3A_902 = tpu.memref_slice %arg3[%dma_start3A_901, %multiple_of3A_892] : memref<16x1000001xf32, #tpu.memory_space<hbm>> -> memref<16x128xf32, #tpu.memory_space<hbm>>
      tpu.enqueue_dma source(%dma_start3A_902 : memref<16x128xf32, #tpu.memory_space<hbm>>) target(%dma_start3A_900 : memref<16x128xf32, #tpu.memory_space<vmem>>) target_semaphore(%arg12 : memref<!tpu.dma_semaphore, #tpu.memory_space<semaphore_mem>>)
      %slice3A_903 = vector.extract_strided_slice %mul3A_785 {offsets = [9], sizes = [1], strides = [1]} : vector<16xi32> to vector<1xi32>
      %squeeze3A_904 = vector.extract %slice3A_903[0] : i32 from vector<1xi32>
      %multiple_of3A_905 = tpu.assume_multiple %squeeze3A_904, 128 : i32
      %dma_start3A_906 = arith.constant 0 : i32
      %dma_start3A_907 = arith.constant 1152 : i32
      %dma_start3A_908 = tpu.memref_slice %arg9[%dma_start3A_906, %dma_start3A_907] : memref<16x2048xf32, #tpu.memory_space<vmem>> -> memref<16x128xf32, #tpu.memory_space<vmem>>
      %dma_start3A_909 = arith.constant 0 : i32
      %dma_start3A_910 = tpu.memref_slice %arg3[%dma_start3A_909, %multiple_of3A_905] : memref<16x1000001xf32, #tpu.memory_space<hbm>> -> memref<16x128xf32, #tpu.memory_space<hbm>>
      %dma_start3A_911 = arith.constant 0 : i32
      %dma_start3A_912 = arith.constant 1152 : i32
      %dma_start3A_913 = tpu.memref_slice %arg9[%dma_start3A_911, %dma_start3A_912] : memref<16x2048xf32, #tpu.memory_space<vmem>> -> memref<16x128xf32, #tpu.memory_space<vmem>>
      %dma_start3A_914 = arith.constant 0 : i32
      %dma_start3A_915 = tpu.memref_slice %arg3[%dma_start3A_914, %multiple_of3A_905] : memref<16x1000001xf32, #tpu.memory_space<hbm>> -> memref<16x128xf32, #tpu.memory_space<hbm>>
      tpu.enqueue_dma source(%dma_start3A_915 : memref<16x128xf32, #tpu.memory_space<hbm>>) target(%dma_start3A_913 : memref<16x128xf32, #tpu.memory_space<vmem>>) target_semaphore(%arg12 : memref<!tpu.dma_semaphore, #tpu.memory_space<semaphore_mem>>)
      %slice3A_916 = vector.extract_strided_slice %mul3A_785 {offsets = [10], sizes = [1], strides = [1]} : vector<16xi32> to vector<1xi32>
      %squeeze3A_917 = vector.extract %slice3A_916[0] : i32 from vector<1xi32>
      %multiple_of3A_918 = tpu.assume_multiple %squeeze3A_917, 128 : i32
      %dma_start3A_919 = arith.constant 0 : i32
      %dma_start3A_920 = arith.constant 1280 : i32
      %dma_start3A_921 = tpu.memref_slice %arg9[%dma_start3A_919, %dma_start3A_920] : memref<16x2048xf32, #tpu.memory_space<vmem>> -> memref<16x128xf32, #tpu.memory_space<vmem>>
      %dma_start3A_922 = arith.constant 0 : i32
      %dma_start3A_923 = tpu.memref_slice %arg3[%dma_start3A_922, %multiple_of3A_918] : memref<16x1000001xf32, #tpu.memory_space<hbm>> -> memref<16x128xf32, #tpu.memory_space<hbm>>
      %dma_start3A_924 = arith.constant 0 : i32
      %dma_start3A_925 = arith.constant 1280 : i32
      %dma_start3A_926 = tpu.memref_slice %arg9[%dma_start3A_924, %dma_start3A_925] : memref<16x2048xf32, #tpu.memory_space<vmem>> -> memref<16x128xf32, #tpu.memory_space<vmem>>
      %dma_start3A_927 = arith.constant 0 : i32
      %dma_start3A_928 = tpu.memref_slice %arg3[%dma_start3A_927, %multiple_of3A_918] : memref<16x1000001xf32, #tpu.memory_space<hbm>> -> memref<16x128xf32, #tpu.memory_space<hbm>>
      tpu.enqueue_dma source(%dma_start3A_928 : memref<16x128xf32, #tpu.memory_space<hbm>>) target(%dma_start3A_926 : memref<16x128xf32, #tpu.memory_space<vmem>>) target_semaphore(%arg12 : memref<!tpu.dma_semaphore, #tpu.memory_space<semaphore_mem>>)
      %slice3A_929 = vector.extract_strided_slice %mul3A_785 {offsets = [11], sizes = [1], strides = [1]} : vector<16xi32> to vector<1xi32>
      %squeeze3A_930 = vector.extract %slice3A_929[0] : i32 from vector<1xi32>
      %multiple_of3A_931 = tpu.assume_multiple %squeeze3A_930, 128 : i32
      %dma_start3A_932 = arith.constant 0 : i32
      %dma_start3A_933 = arith.constant 1408 : i32
      %dma_start3A_934 = tpu.memref_slice %arg9[%dma_start3A_932, %dma_start3A_933] : memref<16x2048xf32, #tpu.memory_space<vmem>> -> memref<16x128xf32, #tpu.memory_space<vmem>>
      %dma_start3A_935 = arith.constant 0 : i32
      %dma_start3A_936 = tpu.memref_slice %arg3[%dma_start3A_935, %multiple_of3A_931] : memref<16x1000001xf32, #tpu.memory_space<hbm>> -> memref<16x128xf32, #tpu.memory_space<hbm>>
      %dma_start3A_937 = arith.constant 0 : i32
      %dma_start3A_938 = arith.constant 1408 : i32
      %dma_start3A_939 = tpu.memref_slice %arg9[%dma_start3A_937, %dma_start3A_938] : memref<16x2048xf32, #tpu.memory_space<vmem>> -> memref<16x128xf32, #tpu.memory_space<vmem>>
      %dma_start3A_940 = arith.constant 0 : i32
      %dma_start3A_941 = tpu.memref_slice %arg3[%dma_start3A_940, %multiple_of3A_931] : memref<16x1000001xf32, #tpu.memory_space<hbm>> -> memref<16x128xf32, #tpu.memory_space<hbm>>
      tpu.enqueue_dma source(%dma_start3A_941 : memref<16x128xf32, #tpu.memory_space<hbm>>) target(%dma_start3A_939 : memref<16x128xf32, #tpu.memory_space<vmem>>) target_semaphore(%arg12 : memref<!tpu.dma_semaphore, #tpu.memory_space<semaphore_mem>>)
      %slice3A_942 = vector.extract_strided_slice %mul3A_785 {offsets = [12], sizes = [1], strides = [1]} : vector<16xi32> to vector<1xi32>
      %squeeze3A_943 = vector.extract %slice3A_942[0] : i32 from vector<1xi32>
      %multiple_of3A_944 = tpu.assume_multiple %squeeze3A_943, 128 : i32
      %dma_start3A_945 = arith.constant 0 : i32
      %dma_start3A_946 = arith.constant 1536 : i32
      %dma_start3A_947 = tpu.memref_slice %arg9[%dma_start3A_945, %dma_start3A_946] : memref<16x2048xf32, #tpu.memory_space<vmem>> -> memref<16x128xf32, #tpu.memory_space<vmem>>
      %dma_start3A_948 = arith.constant 0 : i32
      %dma_start3A_949 = tpu.memref_slice %arg3[%dma_start3A_948, %multiple_of3A_944] : memref<16x1000001xf32, #tpu.memory_space<hbm>> -> memref<16x128xf32, #tpu.memory_space<hbm>>
      %dma_start3A_950 = arith.constant 0 : i32
      %dma_start3A_951 = arith.constant 1536 : i32
      %dma_start3A_952 = tpu.memref_slice %arg9[%dma_start3A_950, %dma_start3A_951] : memref<16x2048xf32, #tpu.memory_space<vmem>> -> memref<16x128xf32, #tpu.memory_space<vmem>>
      %dma_start3A_953 = arith.constant 0 : i32
      %dma_start3A_954 = tpu.memref_slice %arg3[%dma_start3A_953, %multiple_of3A_944] : memref<16x1000001xf32, #tpu.memory_space<hbm>> -> memref<16x128xf32, #tpu.memory_space<hbm>>
      tpu.enqueue_dma source(%dma_start3A_954 : memref<16x128xf32, #tpu.memory_space<hbm>>) target(%dma_start3A_952 : memref<16x128xf32, #tpu.memory_space<vmem>>) target_semaphore(%arg12 : memref<!tpu.dma_semaphore, #tpu.memory_space<semaphore_mem>>)
      %slice3A_955 = vector.extract_strided_slice %mul3A_785 {offsets = [13], sizes = [1], strides = [1]} : vector<16xi32> to vector<1xi32>
      %squeeze3A_956 = vector.extract %slice3A_955[0] : i32 from vector<1xi32>
      %multiple_of3A_957 = tpu.assume_multiple %squeeze3A_956, 128 : i32
      %dma_start3A_958 = arith.constant 0 : i32
      %dma_start3A_959 = arith.constant 1664 : i32
      %dma_start3A_960 = tpu.memref_slice %arg9[%dma_start3A_958, %dma_start3A_959] : memref<16x2048xf32, #tpu.memory_space<vmem>> -> memref<16x128xf32, #tpu.memory_space<vmem>>
      %dma_start3A_961 = arith.constant 0 : i32
      %dma_start3A_962 = tpu.memref_slice %arg3[%dma_start3A_961, %multiple_of3A_957] : memref<16x1000001xf32, #tpu.memory_space<hbm>> -> memref<16x128xf32, #tpu.memory_space<hbm>>
      %dma_start3A_963 = arith.constant 0 : i32
      %dma_start3A_964 = arith.constant 1664 : i32
      %dma_start3A_965 = tpu.memref_slice %arg9[%dma_start3A_963, %dma_start3A_964] : memref<16x2048xf32, #tpu.memory_space<vmem>> -> memref<16x128xf32, #tpu.memory_space<vmem>>
      %dma_start3A_966 = arith.constant 0 : i32
      %dma_start3A_967 = tpu.memref_slice %arg3[%dma_start3A_966, %multiple_of3A_957] : memref<16x1000001xf32, #tpu.memory_space<hbm>> -> memref<16x128xf32, #tpu.memory_space<hbm>>
      tpu.enqueue_dma source(%dma_start3A_967 : memref<16x128xf32, #tpu.memory_space<hbm>>) target(%dma_start3A_965 : memref<16x128xf32, #tpu.memory_space<vmem>>) target_semaphore(%arg12 : memref<!tpu.dma_semaphore, #tpu.memory_space<semaphore_mem>>)
      %slice3A_968 = vector.extract_strided_slice %mul3A_785 {offsets = [14], sizes = [1], strides = [1]} : vector<16xi32> to vector<1xi32>
      %squeeze3A_969 = vector.extract %slice3A_968[0] : i32 from vector<1xi32>
      %multiple_of3A_970 = tpu.assume_multiple %squeeze3A_969, 128 : i32
      %dma_start3A_971 = arith.constant 0 : i32
      %dma_start3A_972 = arith.constant 1792 : i32
      %dma_start3A_973 = tpu.memref_slice %arg9[%dma_start3A_971, %dma_start3A_972] : memref<16x2048xf32, #tpu.memory_space<vmem>> -> memref<16x128xf32, #tpu.memory_space<vmem>>
      %dma_start3A_974 = arith.constant 0 : i32
      %dma_start3A_975 = tpu.memref_slice %arg3[%dma_start3A_974, %multiple_of3A_970] : memref<16x1000001xf32, #tpu.memory_space<hbm>> -> memref<16x128xf32, #tpu.memory_space<hbm>>
      %dma_start3A_976 = arith.constant 0 : i32
      %dma_start3A_977 = arith.constant 1792 : i32
      %dma_start3A_978 = tpu.memref_slice %arg9[%dma_start3A_976, %dma_start3A_977] : memref<16x2048xf32, #tpu.memory_space<vmem>> -> memref<16x128xf32, #tpu.memory_space<vmem>>
      %dma_start3A_979 = arith.constant 0 : i32
      %dma_start3A_980 = tpu.memref_slice %arg3[%dma_start3A_979, %multiple_of3A_970] : memref<16x1000001xf32, #tpu.memory_space<hbm>> -> memref<16x128xf32, #tpu.memory_space<hbm>>
      tpu.enqueue_dma source(%dma_start3A_980 : memref<16x128xf32, #tpu.memory_space<hbm>>) target(%dma_start3A_978 : memref<16x128xf32, #tpu.memory_space<vmem>>) target_semaphore(%arg12 : memref<!tpu.dma_semaphore, #tpu.memory_space<semaphore_mem>>)
      %slice3A_981 = vector.extract_strided_slice %mul3A_785 {offsets = [15], sizes = [1], strides = [1]} : vector<16xi32> to vector<1xi32>
      %squeeze3A_982 = vector.extract %slice3A_981[0] : i32 from vector<1xi32>
      %multiple_of3A_983 = tpu.assume_multiple %squeeze3A_982, 128 : i32
      %dma_start3A_984 = arith.constant 0 : i32
      %dma_start3A_985 = arith.constant 1920 : i32
      %dma_start3A_986 = tpu.memref_slice %arg9[%dma_start3A_984, %dma_start3A_985] : memref<16x2048xf32, #tpu.memory_space<vmem>> -> memref<16x128xf32, #tpu.memory_space<vmem>>
      %dma_start3A_987 = arith.constant 0 : i32
      %dma_start3A_988 = tpu.memref_slice %arg3[%dma_start3A_987, %multiple_of3A_983] : memref<16x1000001xf32, #tpu.memory_space<hbm>> -> memref<16x128xf32, #tpu.memory_space<hbm>>
      %dma_start3A_989 = arith.constant 0 : i32
      %dma_start3A_990 = arith.constant 1920 : i32
      %dma_start3A_991 = tpu.memref_slice %arg9[%dma_start3A_989, %dma_start3A_990] : memref<16x2048xf32, #tpu.memory_space<vmem>> -> memref<16x128xf32, #tpu.memory_space<vmem>>
      %dma_start3A_992 = arith.constant 0 : i32
      %dma_start3A_993 = tpu.memref_slice %arg3[%dma_start3A_992, %multiple_of3A_983] : memref<16x1000001xf32, #tpu.memory_space<hbm>> -> memref<16x128xf32, #tpu.memory_space<hbm>>
      tpu.enqueue_dma source(%dma_start3A_993 : memref<16x128xf32, #tpu.memory_space<hbm>>) target(%dma_start3A_991 : memref<16x128xf32, #tpu.memory_space<vmem>>) target_semaphore(%arg12 : memref<!tpu.dma_semaphore, #tpu.memory_space<semaphore_mem>>)
      %dma_wait3A_994 = arith.constant 0 : i32
      %dma_wait3A_995 = arith.constant 0 : i32
      %dma_wait3A_996 = tpu.memref_slice %arg3[%dma_wait3A_994, %dma_wait3A_995] : memref<16x1000001xf32, #tpu.memory_space<hbm>> -> memref<16x2048xf32, #tpu.memory_space<hbm>>
      %dma_wait3A_997 = arith.constant 0 : i32
      %dma_wait3A_998 = arith.constant 0 : i32
      %dma_wait3A_999 = tpu.memref_slice %arg3[%dma_wait3A_997, %dma_wait3A_998] : memref<16x1000001xf32, #tpu.memory_space<hbm>> -> memref<16x2048xf32, #tpu.memory_space<hbm>>
      tpu.wait_dma2 semaphore(%arg10 : memref<!tpu.dma_semaphore, #tpu.memory_space<semaphore_mem>>) src(%dma_wait3A_999 : memref<16x2048xf32, #tpu.memory_space<hbm>>) dst(%arg7 : memref<16x2048xf32, #tpu.memory_space<vmem>>)
      %add3A_1000 = arith.constant 0 : i32
      %add3A_1001 = arith.addi %mul3A_743, %add3A_1000 : i32
      %mul3A_1002 = arith.constant 16 : i32
      %mul3A_1003 = arith.muli %add3A_1001, %mul3A_1002 : i32
      %get3A_1004 = arith.index_cast %mul3A_1003 : i32 to index
      %get3A_1005 = tpu.vector_load %arg5[%get3A_1004] {strides = array<i32>} : memref<512xi32, #tpu.memory_space<vmem>>, vector<16xi32>,
      %jit3A_1006 = arith.constant 128 : i32
      %eq3A_1007 = arith.constant 0 : i32
      %eq3A_1008 = arith.cmpi eq, %jit3A_1006, %eq3A_1007 : i32
      %jit3A_1009 = arith.constant 1 : i32
      %select_n3A_1010 = arith.select %eq3A_1008, %jit3A_1009, %jit3A_1006 : i32
      %rem3A_1011 = vector.broadcast %select_n3A_1010 : i32 to vector<16xi32>
      %rem3A_1012 = arith.remsi %get3A_1005, %rem3A_1011 : vector<16xi32>
      %ne3A_1013 = arith.constant 0 : i32
      %ne3A_1014 = vector.broadcast %ne3A_1013 : i32 to vector<16xi32>
      %ne3A_1015 = arith.cmpi ne, %rem3A_1012, %ne3A_1014 : vector<16xi32>
      %lt3A_1016 = arith.constant 0 : i32
      %lt3A_1017 = vector.broadcast %lt3A_1016 : i32 to vector<16xi32>
      %lt3A_1018 = arith.cmpi slt, %rem3A_1012, %lt3A_1017 : vector<16xi32>
      %lt3A_1019 = arith.constant 0 : i32
      %lt3A_1020 = arith.cmpi slt, %select_n3A_1010, %lt3A_1019 : i32
      %ne3A_1021 = vector.broadcast %lt3A_1020 : i1 to vector<16xi1>
      %ne3A_1022 = vector.broadcast %ne3A_1021 : vector<16xi1> to vector<16xi1>
      %ne3A_1023 = arith.xori %lt3A_1018, %ne3A_1022 : vector<16xi1>
      %and3A_1024 = arith.andi %ne3A_1023, %ne3A_1015 : vector<16xi1>
      %add3A_1025 = vector.broadcast %select_n3A_1010 : i32 to vector<16xi32>
      %add3A_1026 = arith.addi %rem3A_1012, %add3A_1025 : vector<16xi32>
      %select_n3A_1027 = arith.select %and3A_1024, %add3A_1026, %rem3A_1012 : vector<16xi1>, vector<16xi32>
      %mul3A_1028 = arith.constant 128 : i32
      %mul3A_1029 = vector.broadcast %mul3A_1028 : i32 to vector<16xi32>
      %mul3A_1030 = arith.muli %mul3A_1029, %iota3A : vector<16xi32>
      %add3A_1031 = arith.addi %select_n3A_1027, %mul3A_1030 : vector<16xi32>
      %broadcast_in_dim3A_1032 = arith.constant 0 : i32
      %broadcast_in_dim3A_1033 = vector.broadcast %broadcast_in_dim3A_1032 : i32 to vector<16xi32>
      %gather3A_1034 = tpu.vector_load_idx %arg7[%broadcast_in_dim3A_1033, %add3A_1031] : memref<16x2048xf32, #tpu.memory_space<vmem>>[vector<16xi32>, vector<16xi32>], vector<16xf32>,
      %mul3A_1035 = arith.constant 16 : i32
      %mul3A_1036 = arith.muli %add3A_1001, %mul3A_1035 : i32
      %add3A_1037 = vector.broadcast %mul3A_1036 : i32 to vector<16xi32>
      %add3A_1038 = arith.addi %add3A_1037, %iota3A : vector<16xi32>
      tpu.vector_store_idx %arg6[%broadcast_in_dim3A_1033, %add3A_1038], %gather3A_1034 : memref<16x512xf32, #tpu.memory_space<vmem>>[vector<16xi32>, vector<16xi32>], vector<16xf32>,
      %broadcast_in_dim3A_1039 = arith.constant 1 : i32
      %broadcast_in_dim3A_1040 = vector.broadcast %broadcast_in_dim3A_1039 : i32 to vector<16xi32>
      %gather3A_1041 = tpu.vector_load_idx %arg7[%broadcast_in_dim3A_1040, %add3A_1031] : memref<16x2048xf32, #tpu.memory_space<vmem>>[vector<16xi32>, vector<16xi32>], vector<16xf32>,
      %mul3A_1042 = arith.constant 16 : i32
      %mul3A_1043 = arith.muli %add3A_1001, %mul3A_1042 : i32
      %add3A_1044 = vector.broadcast %mul3A_1043 : i32 to vector<16xi32>
      %add3A_1045 = arith.addi %add3A_1044, %iota3A : vector<16xi32>
      tpu.vector_store_idx %arg6[%broadcast_in_dim3A_1040, %add3A_1045], %gather3A_1041 : memref<16x512xf32, #tpu.memory_space<vmem>>[vector<16xi32>, vector<16xi32>], vector<16xf32>,
      %broadcast_in_dim3A_1046 = arith.constant 2 : i32
      %broadcast_in_dim3A_1047 = vector.broadcast %broadcast_in_dim3A_1046 : i32 to vector<16xi32>
      %gather3A_1048 = tpu.vector_load_idx %arg7[%broadcast_in_dim3A_1047, %add3A_1031] : memref<16x2048xf32, #tpu.memory_space<vmem>>[vector<16xi32>, vector<16xi32>], vector<16xf32>,
      %mul3A_1049 = arith.constant 16 : i32
      %mul3A_1050 = arith.muli %add3A_1001, %mul3A_1049 : i32
      %add3A_1051 = vector.broadcast %mul3A_1050 : i32 to vector<16xi32>
      %add3A_1052 = arith.addi %add3A_1051, %iota3A : vector<16xi32>
      tpu.vector_store_idx %arg6[%broadcast_in_dim3A_1047, %add3A_1052], %gather3A_1048 : memref<16x512xf32, #tpu.memory_space<vmem>>[vector<16xi32>, vector<16xi32>], vector<16xf32>,
      %broadcast_in_dim3A_1053 = arith.constant 3 : i32
      %broadcast_in_dim3A_1054 = vector.broadcast %broadcast_in_dim3A_1053 : i32 to vector<16xi32>
      %gather3A_1055 = tpu.vector_load_idx %arg7[%broadcast_in_dim3A_1054, %add3A_1031] : memref<16x2048xf32, #tpu.memory_space<vmem>>[vector<16xi32>, vector<16xi32>], vector<16xf32>,
      %mul3A_1056 = arith.constant 16 : i32
      %mul3A_1057 = arith.muli %add3A_1001, %mul3A_1056 : i32
      %add3A_1058 = vector.broadcast %mul3A_1057 : i32 to vector<16xi32>
      %add3A_1059 = arith.addi %add3A_1058, %iota3A : vector<16xi32>
      tpu.vector_store_idx %arg6[%broadcast_in_dim3A_1054, %add3A_1059], %gather3A_1055 : memref<16x512xf32, #tpu.memory_space<vmem>>[vector<16xi32>, vector<16xi32>], vector<16xf32>,
      %broadcast_in_dim3A_1060 = arith.constant 4 : i32
      %broadcast_in_dim3A_1061 = vector.broadcast %broadcast_in_dim3A_1060 : i32 to vector<16xi32>
      %gather3A_1062 = tpu.vector_load_idx %arg7[%broadcast_in_dim3A_1061, %add3A_1031] : memref<16x2048xf32, #tpu.memory_space<vmem>>[vector<16xi32>, vector<16xi32>], vector<16xf32>,
      %mul3A_1063 = arith.constant 16 : i32
      %mul3A_1064 = arith.muli %add3A_1001, %mul3A_1063 : i32
      %add3A_1065 = vector.broadcast %mul3A_1064 : i32 to vector<16xi32>
      %add3A_1066 = arith.addi %add3A_1065, %iota3A : vector<16xi32>
      tpu.vector_store_idx %arg6[%broadcast_in_dim3A_1061, %add3A_1066], %gather3A_1062 : memref<16x512xf32, #tpu.memory_space<vmem>>[vector<16xi32>, vector<16xi32>], vector<16xf32>,
      %broadcast_in_dim3A_1067 = arith.constant 5 : i32
      %broadcast_in_dim3A_1068 = vector.broadcast %broadcast_in_dim3A_1067 : i32 to vector<16xi32>
      %gather3A_1069 = tpu.vector_load_idx %arg7[%broadcast_in_dim3A_1068, %add3A_1031] : memref<16x2048xf32, #tpu.memory_space<vmem>>[vector<16xi32>, vector<16xi32>], vector<16xf32>,
      %mul3A_1070 = arith.constant 16 : i32
      %mul3A_1071 = arith.muli %add3A_1001, %mul3A_1070 : i32
      %add3A_1072 = vector.broadcast %mul3A_1071 : i32 to vector<16xi32>
      %add3A_1073 = arith.addi %add3A_1072, %iota3A : vector<16xi32>
      tpu.vector_store_idx %arg6[%broadcast_in_dim3A_1068, %add3A_1073], %gather3A_1069 : memref<16x512xf32, #tpu.memory_space<vmem>>[vector<16xi32>, vector<16xi32>], vector<16xf32>,
      %broadcast_in_dim3A_1074 = arith.constant 6 : i32
      %broadcast_in_dim3A_1075 = vector.broadcast %broadcast_in_dim3A_1074 : i32 to vector<16xi32>
      %gather3A_1076 = tpu.vector_load_idx %arg7[%broadcast_in_dim3A_1075, %add3A_1031] : memref<16x2048xf32, #tpu.memory_space<vmem>>[vector<16xi32>, vector<16xi32>], vector<16xf32>,
      %mul3A_1077 = arith.constant 16 : i32
      %mul3A_1078 = arith.muli %add3A_1001, %mul3A_1077 : i32
      %add3A_1079 = vector.broadcast %mul3A_1078 : i32 to vector<16xi32>
      %add3A_1080 = arith.addi %add3A_1079, %iota3A : vector<16xi32>
      tpu.vector_store_idx %arg6[%broadcast_in_dim3A_1075, %add3A_1080], %gather3A_1076 : memref<16x512xf32, #tpu.memory_space<vmem>>[vector<16xi32>, vector<16xi32>], vector<16xf32>,
      %broadcast_in_dim3A_1081 = arith.constant 7 : i32
      %broadcast_in_dim3A_1082 = vector.broadcast %broadcast_in_dim3A_1081 : i32 to vector<16xi32>
      %gather3A_1083 = tpu.vector_load_idx %arg7[%broadcast_in_dim3A_1082, %add3A_1031] : memref<16x2048xf32, #tpu.memory_space<vmem>>[vector<16xi32>, vector<16xi32>], vector<16xf32>,
      %mul3A_1084 = arith.constant 16 : i32
      %mul3A_1085 = arith.muli %add3A_1001, %mul3A_1084 : i32
      %add3A_1086 = vector.broadcast %mul3A_1085 : i32 to vector<16xi32>
      %add3A_1087 = arith.addi %add3A_1086, %iota3A : vector<16xi32>
      tpu.vector_store_idx %arg6[%broadcast_in_dim3A_1082, %add3A_1087], %gather3A_1083 : memref<16x512xf32, #tpu.memory_space<vmem>>[vector<16xi32>, vector<16xi32>], vector<16xf32>,
      %broadcast_in_dim3A_1088 = arith.constant 8 : i32
      %broadcast_in_dim3A_1089 = vector.broadcast %broadcast_in_dim3A_1088 : i32 to vector<16xi32>
      %gather3A_1090 = tpu.vector_load_idx %arg7[%broadcast_in_dim3A_1089, %add3A_1031] : memref<16x2048xf32, #tpu.memory_space<vmem>>[vector<16xi32>, vector<16xi32>], vector<16xf32>,
      %mul3A_1091 = arith.constant 16 : i32
      %mul3A_1092 = arith.muli %add3A_1001, %mul3A_1091 : i32
      %add3A_1093 = vector.broadcast %mul3A_1092 : i32 to vector<16xi32>
      %add3A_1094 = arith.addi %add3A_1093, %iota3A : vector<16xi32>
      tpu.vector_store_idx %arg6[%broadcast_in_dim3A_1089, %add3A_1094], %gather3A_1090 : memref<16x512xf32, #tpu.memory_space<vmem>>[vector<16xi32>, vector<16xi32>], vector<16xf32>,
      %broadcast_in_dim3A_1095 = arith.constant 9 : i32
      %broadcast_in_dim3A_1096 = vector.broadcast %broadcast_in_dim3A_1095 : i32 to vector<16xi32>
      %gather3A_1097 = tpu.vector_load_idx %arg7[%broadcast_in_dim3A_1096, %add3A_1031] : memref<16x2048xf32, #tpu.memory_space<vmem>>[vector<16xi32>, vector<16xi32>], vector<16xf32>,
      %mul3A_1098 = arith.constant 16 : i32
      %mul3A_1099 = arith.muli %add3A_1001, %mul3A_1098 : i32
      %add3A_1100 = vector.broadcast %mul3A_1099 : i32 to vector<16xi32>
      %add3A_1101 = arith.addi %add3A_1100, %iota3A : vector<16xi32>
      tpu.vector_store_idx %arg6[%broadcast_in_dim3A_1096, %add3A_1101], %gather3A_1097 : memref<16x512xf32, #tpu.memory_space<vmem>>[vector<16xi32>, vector<16xi32>], vector<16xf32>,
      %broadcast_in_dim3A_1102 = arith.constant 10 : i32
      %broadcast_in_dim3A_1103 = vector.broadcast %broadcast_in_dim3A_1102 : i32 to vector<16xi32>
      %gather3A_1104 = tpu.vector_load_idx %arg7[%broadcast_in_dim3A_1103, %add3A_1031] : memref<16x2048xf32, #tpu.memory_space<vmem>>[vector<16xi32>, vector<16xi32>], vector<16xf32>,
      %mul3A_1105 = arith.constant 16 : i32
      %mul3A_1106 = arith.muli %add3A_1001, %mul3A_1105 : i32
      %add3A_1107 = vector.broadcast %mul3A_1106 : i32 to vector<16xi32>
      %add3A_1108 = arith.addi %add3A_1107, %iota3A : vector<16xi32>
      tpu.vector_store_idx %arg6[%broadcast_in_dim3A_1103, %add3A_1108], %gather3A_1104 : memref<16x512xf32, #tpu.memory_space<vmem>>[vector<16xi32>, vector<16xi32>], vector<16xf32>,
      %broadcast_in_dim3A_1109 = arith.constant 11 : i32
      %broadcast_in_dim3A_1110 = vector.broadcast %broadcast_in_dim3A_1109 : i32 to vector<16xi32>
      %gather3A_1111 = tpu.vector_load_idx %arg7[%broadcast_in_dim3A_1110, %add3A_1031] : memref<16x2048xf32, #tpu.memory_space<vmem>>[vector<16xi32>, vector<16xi32>], vector<16xf32>,
      %mul3A_1112 = arith.constant 16 : i32
      %mul3A_1113 = arith.muli %add3A_1001, %mul3A_1112 : i32
      %add3A_1114 = vector.broadcast %mul3A_1113 : i32 to vector<16xi32>
      %add3A_1115 = arith.addi %add3A_1114, %iota3A : vector<16xi32>
      tpu.vector_store_idx %arg6[%broadcast_in_dim3A_1110, %add3A_1115], %gather3A_1111 : memref<16x512xf32, #tpu.memory_space<vmem>>[vector<16xi32>, vector<16xi32>], vector<16xf32>,
      %broadcast_in_dim3A_1116 = arith.constant 12 : i32
      %broadcast_in_dim3A_1117 = vector.broadcast %broadcast_in_dim3A_1116 : i32 to vector<16xi32>
      %gather3A_1118 = tpu.vector_load_idx %arg7[%broadcast_in_dim3A_1117, %add3A_1031] : memref<16x2048xf32, #tpu.memory_space<vmem>>[vector<16xi32>, vector<16xi32>], vector<16xf32>,
      %mul3A_1119 = arith.constant 16 : i32
      %mul3A_1120 = arith.muli %add3A_1001, %mul3A_1119 : i32
      %add3A_1121 = vector.broadcast %mul3A_1120 : i32 to vector<16xi32>
      %add3A_1122 = arith.addi %add3A_1121, %iota3A : vector<16xi32>
      tpu.vector_store_idx %arg6[%broadcast_in_dim3A_1117, %add3A_1122], %gather3A_1118 : memref<16x512xf32, #tpu.memory_space<vmem>>[vector<16xi32>, vector<16xi32>], vector<16xf32>,
      %broadcast_in_dim3A_1123 = arith.constant 13 : i32
      %broadcast_in_dim3A_1124 = vector.broadcast %broadcast_in_dim3A_1123 : i32 to vector<16xi32>
      %gather3A_1125 = tpu.vector_load_idx %arg7[%broadcast_in_dim3A_1124, %add3A_1031] : memref<16x2048xf32, #tpu.memory_space<vmem>>[vector<16xi32>, vector<16xi32>], vector<16xf32>,
      %mul3A_1126 = arith.constant 16 : i32
      %mul3A_1127 = arith.muli %add3A_1001, %mul3A_1126 : i32
      %add3A_1128 = vector.broadcast %mul3A_1127 : i32 to vector<16xi32>
      %add3A_1129 = arith.addi %add3A_1128, %iota3A : vector<16xi32>
      tpu.vector_store_idx %arg6[%broadcast_in_dim3A_1124, %add3A_1129], %gather3A_1125 : memref<16x512xf32, #tpu.memory_space<vmem>>[vector<16xi32>, vector<16xi32>], vector<16xf32>,
      %broadcast_in_dim3A_1130 = arith.constant 14 : i32
      %broadcast_in_dim3A_1131 = vector.broadcast %broadcast_in_dim3A_1130 : i32 to vector<16xi32>
      %gather3A_1132 = tpu.vector_load_idx %arg7[%broadcast_in_dim3A_1131, %add3A_1031] : memref<16x2048xf32, #tpu.memory_space<vmem>>[vector<16xi32>, vector<16xi32>], vector<16xf32>,
      %mul3A_1133 = arith.constant 16 : i32
      %mul3A_1134 = arith.muli %add3A_1001, %mul3A_1133 : i32
      %add3A_1135 = vector.broadcast %mul3A_1134 : i32 to vector<16xi32>
      %add3A_1136 = arith.addi %add3A_1135, %iota3A : vector<16xi32>
      tpu.vector_store_idx %arg6[%broadcast_in_dim3A_1131, %add3A_1136], %gather3A_1132 : memref<16x512xf32, #tpu.memory_space<vmem>>[vector<16xi32>, vector<16xi32>], vector<16xf32>,
      %broadcast_in_dim3A_1137 = arith.constant 15 : i32
      %broadcast_in_dim3A_1138 = vector.broadcast %broadcast_in_dim3A_1137 : i32 to vector<16xi32>
      %gather3A_1139 = tpu.vector_load_idx %arg7[%broadcast_in_dim3A_1138, %add3A_1031] : memref<16x2048xf32, #tpu.memory_space<vmem>>[vector<16xi32>, vector<16xi32>], vector<16xf32>,
      %mul3A_1140 = arith.constant 16 : i32
      %mul3A_1141 = arith.muli %add3A_1001, %mul3A_1140 : i32
      %add3A_1142 = vector.broadcast %mul3A_1141 : i32 to vector<16xi32>
      %add3A_1143 = arith.addi %add3A_1142, %iota3A : vector<16xi32>
      tpu.vector_store_idx %arg6[%broadcast_in_dim3A_1138, %add3A_1143], %gather3A_1139 : memref<16x512xf32, #tpu.memory_space<vmem>>[vector<16xi32>, vector<16xi32>], vector<16xf32>,
      %add3A_1144 = arith.constant 1 : i32
      %add3A_1145 = arith.addi %mul3A_743, %add3A_1144 : i32
      %add3A_1146 = arith.constant 2 : i32
      %add3A_1147 = arith.addi %add3A_1145, %add3A_1146 : i32
      %mul3A_1148 = arith.constant 16 : i32
      %mul3A_1149 = arith.muli %add3A_1147, %mul3A_1148 : i32
      %get3A_1150 = arith.index_cast %mul3A_1149 : i32 to index
      %get3A_1151 = tpu.vector_load %arg5[%get3A_1150] {strides = array<i32>} : memref<512xi32, #tpu.memory_space<vmem>>, vector<16xi32>,
      %jit3A_1152 = arith.constant 128 : i32
      %div3A_1153 = vector.broadcast %jit3A_1152 : i32 to vector<16xi32>
      %div3A_1154 = arith.divsi %get3A_1151, %div3A_1153 : vector<16xi32>
      %sign3A_1155 = arith.constant 0 : i32
      %sign3A_1156 = vector.broadcast %sign3A_1155 : i32 to vector<16xi32>
      %sign3A_1157 = arith.cmpi sgt, %get3A_1151, %sign3A_1156 : vector<16xi32>
      %sign3A_1158 = arith.extui %sign3A_1157 : vector<16xi1> to vector<16xi32>
      %sign3A_1159 = arith.constant 0 : i32
      %sign3A_1160 = vector.broadcast %sign3A_1159 : i32 to vector<16xi32>
      %sign3A_1161 = arith.cmpi slt, %get3A_1151, %sign3A_1160 : vector<16xi32>
      %sign3A_1162 = arith.extui %sign3A_1161 : vector<16xi1> to vector<16xi32>
      %sign3A_1163 = arith.subi %sign3A_1158, %sign3A_1162 : vector<16xi32>
      %sign3A_1164 = arith.constant 0 : i32
      %sign3A_1165 = arith.cmpi sgt, %jit3A_1152, %sign3A_1164 : i32
      %sign3A_1166 = arith.extui %sign3A_1165 : i1 to i32
      %sign3A_1167 = arith.constant 0 : i32
      %sign3A_1168 = arith.cmpi slt, %jit3A_1152, %sign3A_1167 : i32
      %sign3A_1169 = arith.extui %sign3A_1168 : i1 to i32
      %sign3A_1170 = arith.subi %sign3A_1166, %sign3A_1169 : i32
      %ne3A_1171 = vector.broadcast %sign3A_1170 : i32 to vector<16xi32>
      %ne3A_1172 = arith.cmpi ne, %sign3A_1163, %ne3A_1171 : vector<16xi32>
      %rem3A_1173 = vector.broadcast %jit3A_1152 : i32 to vector<16xi32>
      %rem3A_1174 = arith.remsi %get3A_1151, %rem3A_1173 : vector<16xi32>
      %ne3A_1175 = arith.constant 0 : i32
      %ne3A_1176 = vector.broadcast %ne3A_1175 : i32 to vector<16xi32>
      %ne3A_1177 = arith.cmpi ne, %rem3A_1174, %ne3A_1176 : vector<16xi32>
      %and3A_1178 = arith.andi %ne3A_1172, %ne3A_1177 : vector<16xi1>
      %sub3A_1179 = arith.constant 1 : i32
      %sub3A_1180 = vector.broadcast %sub3A_1179 : i32 to vector<16xi32>
      %sub3A_1181 = arith.subi %div3A_1154, %sub3A_1180 : vector<16xi32>
      %select_n3A_1182 = arith.select %and3A_1178, %sub3A_1181, %div3A_1154 : vector<16xi1>, vector<16xi32>
      %mul3A_1183 = arith.constant 128 : i32
      %mul3A_1184 = vector.broadcast %mul3A_1183 : i32 to vector<16xi32>
      %mul3A_1185 = arith.muli %select_n3A_1182, %mul3A_1184 : vector<16xi32>
      %slice3A_1186 = vector.extract_strided_slice %mul3A_1185 {offsets = [0], sizes = [1], strides = [1]} : vector<16xi32> to vector<1xi32>
      %squeeze3A_1187 = vector.extract %slice3A_1186[0] : i32 from vector<1xi32>
      %multiple_of3A_1188 = tpu.assume_multiple %squeeze3A_1187, 128 : i32
      %dma_start3A_1189 = arith.constant 0 : i32
      %dma_start3A_1190 = arith.constant 0 : i32
      %dma_start3A_1191 = tpu.memref_slice %arg7[%dma_start3A_1189, %dma_start3A_1190] : memref<16x2048xf32, #tpu.memory_space<vmem>> -> memref<16x128xf32, #tpu.memory_space<vmem>>
      %dma_start3A_1192 = arith.constant 0 : i32
      %dma_start3A_1193 = tpu.memref_slice %arg3[%dma_start3A_1192, %multiple_of3A_1188] : memref<16x1000001xf32, #tpu.memory_space<hbm>> -> memref<16x128xf32, #tpu.memory_space<hbm>>
      %dma_start3A_1194 = arith.constant 0 : i32
      %dma_start3A_1195 = arith.constant 0 : i32
      %dma_start3A_1196 = tpu.memref_slice %arg7[%dma_start3A_1194, %dma_start3A_1195] : memref<16x2048xf32, #tpu.memory_space<vmem>> -> memref<16x128xf32, #tpu.memory_space<vmem>>
      %dma_start3A_1197 = arith.constant 0 : i32
      %dma_start3A_1198 = tpu.memref_slice %arg3[%dma_start3A_1197, %multiple_of3A_1188] : memref<16x1000001xf32, #tpu.memory_space<hbm>> -> memref<16x128xf32, #tpu.memory_space<hbm>>
      tpu.enqueue_dma source(%dma_start3A_1198 : memref<16x128xf32, #tpu.memory_space<hbm>>) target(%dma_start3A_1196 : memref<16x128xf32, #tpu.memory_space<vmem>>) target_semaphore(%arg10 : memref<!tpu.dma_semaphore, #tpu.memory_space<semaphore_mem>>)
      %slice3A_1199 = vector.extract_strided_slice %mul3A_1185 {offsets = [1], sizes = [1], strides = [1]} : vector<16xi32> to vector<1xi32>
      %squeeze3A_1200 = vector.extract %slice3A_1199[0] : i32 from vector<1xi32>
      %multiple_of3A_1201 = tpu.assume_multiple %squeeze3A_1200, 128 : i32
      %dma_start3A_1202 = arith.constant 0 : i32
      %dma_start3A_1203 = arith.constant 128 : i32
      %dma_start3A_1204 = tpu.memref_slice %arg7[%dma_start3A_1202, %dma_start3A_1203] : memref<16x2048xf32, #tpu.memory_space<vmem>> -> memref<16x128xf32, #tpu.memory_space<vmem>>
      %dma_start3A_1205 = arith.constant 0 : i32
      %dma_start3A_1206 = tpu.memref_slice %arg3[%dma_start3A_1205, %multiple_of3A_1201] : memref<16x1000001xf32, #tpu.memory_space<hbm>> -> memref<16x128xf32, #tpu.memory_space<hbm>>
      %dma_start3A_1207 = arith.constant 0 : i32
      %dma_start3A_1208 = arith.constant 128 : i32
      %dma_start3A_1209 = tpu.memref_slice %arg7[%dma_start3A_1207, %dma_start3A_1208] : memref<16x2048xf32, #tpu.memory_space<vmem>> -> memref<16x128xf32, #tpu.memory_space<vmem>>
      %dma_start3A_1210 = arith.constant 0 : i32
      %dma_start3A_1211 = tpu.memref_slice %arg3[%dma_start3A_1210, %multiple_of3A_1201] : memref<16x1000001xf32, #tpu.memory_space<hbm>> -> memref<16x128xf32, #tpu.memory_space<hbm>>
      tpu.enqueue_dma source(%dma_start3A_1211 : memref<16x128xf32, #tpu.memory_space<hbm>>) target(%dma_start3A_1209 : memref<16x128xf32, #tpu.memory_space<vmem>>) target_semaphore(%arg10 : memref<!tpu.dma_semaphore, #tpu.memory_space<semaphore_mem>>)
      %slice3A_1212 = vector.extract_strided_slice %mul3A_1185 {offsets = [2], sizes = [1], strides = [1]} : vector<16xi32> to vector<1xi32>
      %squeeze3A_1213 = vector.extract %slice3A_1212[0] : i32 from vector<1xi32>
      %multiple_of3A_1214 = tpu.assume_multiple %squeeze3A_1213, 128 : i32
      %dma_start3A_1215 = arith.constant 0 : i32
      %dma_start3A_1216 = arith.constant 256 : i32
      %dma_start3A_1217 = tpu.memref_slice %arg7[%dma_start3A_1215, %dma_start3A_1216] : memref<16x2048xf32, #tpu.memory_space<vmem>> -> memref<16x128xf32, #tpu.memory_space<vmem>>
      %dma_start3A_1218 = arith.constant 0 : i32
      %dma_start3A_1219 = tpu.memref_slice %arg3[%dma_start3A_1218, %multiple_of3A_1214] : memref<16x1000001xf32, #tpu.memory_space<hbm>> -> memref<16x128xf32, #tpu.memory_space<hbm>>
      %dma_start3A_1220 = arith.constant 0 : i32
      %dma_start3A_1221 = arith.constant 256 : i32
      %dma_start3A_1222 = tpu.memref_slice %arg7[%dma_start3A_1220, %dma_start3A_1221] : memref<16x2048xf32, #tpu.memory_space<vmem>> -> memref<16x128xf32, #tpu.memory_space<vmem>>
      %dma_start3A_1223 = arith.constant 0 : i32
      %dma_start3A_1224 = tpu.memref_slice %arg3[%dma_start3A_1223, %multiple_of3A_1214] : memref<16x1000001xf32, #tpu.memory_space<hbm>> -> memref<16x128xf32, #tpu.memory_space<hbm>>
      tpu.enqueue_dma source(%dma_start3A_1224 : memref<16x128xf32, #tpu.memory_space<hbm>>) target(%dma_start3A_1222 : memref<16x128xf32, #tpu.memory_space<vmem>>) target_semaphore(%arg10 : memref<!tpu.dma_semaphore, #tpu.memory_space<semaphore_mem>>)
      %slice3A_1225 = vector.extract_strided_slice %mul3A_1185 {offsets = [3], sizes = [1], strides = [1]} : vector<16xi32> to vector<1xi32>
      %squeeze3A_1226 = vector.extract %slice3A_1225[0] : i32 from vector<1xi32>
      %multiple_of3A_1227 = tpu.assume_multiple %squeeze3A_1226, 128 : i32
      %dma_start3A_1228 = arith.constant 0 : i32
      %dma_start3A_1229 = arith.constant 384 : i32
      %dma_start3A_1230 = tpu.memref_slice %arg7[%dma_start3A_1228, %dma_start3A_1229] : memref<16x2048xf32, #tpu.memory_space<vmem>> -> memref<16x128xf32, #tpu.memory_space<vmem>>
      %dma_start3A_1231 = arith.constant 0 : i32
      %dma_start3A_1232 = tpu.memref_slice %arg3[%dma_start3A_1231, %multiple_of3A_1227] : memref<16x1000001xf32, #tpu.memory_space<hbm>> -> memref<16x128xf32, #tpu.memory_space<hbm>>
      %dma_start3A_1233 = arith.constant 0 : i32
      %dma_start3A_1234 = arith.constant 384 : i32
      %dma_start3A_1235 = tpu.memref_slice %arg7[%dma_start3A_1233, %dma_start3A_1234] : memref<16x2048xf32, #tpu.memory_space<vmem>> -> memref<16x128xf32, #tpu.memory_space<vmem>>
      %dma_start3A_1236 = arith.constant 0 : i32
      %dma_start3A_1237 = tpu.memref_slice %arg3[%dma_start3A_1236, %multiple_of3A_1227] : memref<16x1000001xf32, #tpu.memory_space<hbm>> -> memref<16x128xf32, #tpu.memory_space<hbm>>
      tpu.enqueue_dma source(%dma_start3A_1237 : memref<16x128xf32, #tpu.memory_space<hbm>>) target(%dma_start3A_1235 : memref<16x128xf32, #tpu.memory_space<vmem>>) target_semaphore(%arg10 : memref<!tpu.dma_semaphore, #tpu.memory_space<semaphore_mem>>)
      %slice3A_1238 = vector.extract_strided_slice %mul3A_1185 {offsets = [4], sizes = [1], strides = [1]} : vector<16xi32> to vector<1xi32>
      %squeeze3A_1239 = vector.extract %slice3A_1238[0] : i32 from vector<1xi32>
      %multiple_of3A_1240 = tpu.assume_multiple %squeeze3A_1239, 128 : i32
      %dma_start3A_1241 = arith.constant 0 : i32
      %dma_start3A_1242 = arith.constant 512 : i32
      %dma_start3A_1243 = tpu.memref_slice %arg7[%dma_start3A_1241, %dma_start3A_1242] : memref<16x2048xf32, #tpu.memory_space<vmem>> -> memref<16x128xf32, #tpu.memory_space<vmem>>
      %dma_start3A_1244 = arith.constant 0 : i32
      %dma_start3A_1245 = tpu.memref_slice %arg3[%dma_start3A_1244, %multiple_of3A_1240] : memref<16x1000001xf32, #tpu.memory_space<hbm>> -> memref<16x128xf32, #tpu.memory_space<hbm>>
      %dma_start3A_1246 = arith.constant 0 : i32
      %dma_start3A_1247 = arith.constant 512 : i32
      %dma_start3A_1248 = tpu.memref_slice %arg7[%dma_start3A_1246, %dma_start3A_1247] : memref<16x2048xf32, #tpu.memory_space<vmem>> -> memref<16x128xf32, #tpu.memory_space<vmem>>
      %dma_start3A_1249 = arith.constant 0 : i32
      %dma_start3A_1250 = tpu.memref_slice %arg3[%dma_start3A_1249, %multiple_of3A_1240] : memref<16x1000001xf32, #tpu.memory_space<hbm>> -> memref<16x128xf32, #tpu.memory_space<hbm>>
      tpu.enqueue_dma source(%dma_start3A_1250 : memref<16x128xf32, #tpu.memory_space<hbm>>) target(%dma_start3A_1248 : memref<16x128xf32, #tpu.memory_space<vmem>>) target_semaphore(%arg10 : memref<!tpu.dma_semaphore, #tpu.memory_space<semaphore_mem>>)
      %slice3A_1251 = vector.extract_strided_slice %mul3A_1185 {offsets = [5], sizes = [1], strides = [1]} : vector<16xi32> to vector<1xi32>
      %squeeze3A_1252 = vector.extract %slice3A_1251[0] : i32 from vector<1xi32>
      %multiple_of3A_1253 = tpu.assume_multiple %squeeze3A_1252, 128 : i32
      %dma_start3A_1254 = arith.constant 0 : i32
      %dma_start3A_1255 = arith.constant 640 : i32
      %dma_start3A_1256 = tpu.memref_slice %arg7[%dma_start3A_1254, %dma_start3A_1255] : memref<16x2048xf32, #tpu.memory_space<vmem>> -> memref<16x128xf32, #tpu.memory_space<vmem>>
      %dma_start3A_1257 = arith.constant 0 : i32
      %dma_start3A_1258 = tpu.memref_slice %arg3[%dma_start3A_1257, %multiple_of3A_1253] : memref<16x1000001xf32, #tpu.memory_space<hbm>> -> memref<16x128xf32, #tpu.memory_space<hbm>>
      %dma_start3A_1259 = arith.constant 0 : i32
      %dma_start3A_1260 = arith.constant 640 : i32
      %dma_start3A_1261 = tpu.memref_slice %arg7[%dma_start3A_1259, %dma_start3A_1260] : memref<16x2048xf32, #tpu.memory_space<vmem>> -> memref<16x128xf32, #tpu.memory_space<vmem>>
      %dma_start3A_1262 = arith.constant 0 : i32
      %dma_start3A_1263 = tpu.memref_slice %arg3[%dma_start3A_1262, %multiple_of3A_1253] : memref<16x1000001xf32, #tpu.memory_space<hbm>> -> memref<16x128xf32, #tpu.memory_space<hbm>>
      tpu.enqueue_dma source(%dma_start3A_1263 : memref<16x128xf32, #tpu.memory_space<hbm>>) target(%dma_start3A_1261 : memref<16x128xf32, #tpu.memory_space<vmem>>) target_semaphore(%arg10 : memref<!tpu.dma_semaphore, #tpu.memory_space<semaphore_mem>>)
      %slice3A_1264 = vector.extract_strided_slice %mul3A_1185 {offsets = [6], sizes = [1], strides = [1]} : vector<16xi32> to vector<1xi32>
      %squeeze3A_1265 = vector.extract %slice3A_1264[0] : i32 from vector<1xi32>
      %multiple_of3A_1266 = tpu.assume_multiple %squeeze3A_1265, 128 : i32
      %dma_start3A_1267 = arith.constant 0 : i32
      %dma_start3A_1268 = arith.constant 768 : i32
      %dma_start3A_1269 = tpu.memref_slice %arg7[%dma_start3A_1267, %dma_start3A_1268] : memref<16x2048xf32, #tpu.memory_space<vmem>> -> memref<16x128xf32, #tpu.memory_space<vmem>>
      %dma_start3A_1270 = arith.constant 0 : i32
      %dma_start3A_1271 = tpu.memref_slice %arg3[%dma_start3A_1270, %multiple_of3A_1266] : memref<16x1000001xf32, #tpu.memory_space<hbm>> -> memref<16x128xf32, #tpu.memory_space<hbm>>
      %dma_start3A_1272 = arith.constant 0 : i32
      %dma_start3A_1273 = arith.constant 768 : i32
      %dma_start3A_1274 = tpu.memref_slice %arg7[%dma_start3A_1272, %dma_start3A_1273] : memref<16x2048xf32, #tpu.memory_space<vmem>> -> memref<16x128xf32, #tpu.memory_space<vmem>>
      %dma_start3A_1275 = arith.constant 0 : i32
      %dma_start3A_1276 = tpu.memref_slice %arg3[%dma_start3A_1275, %multiple_of3A_1266] : memref<16x1000001xf32, #tpu.memory_space<hbm>> -> memref<16x128xf32, #tpu.memory_space<hbm>>
      tpu.enqueue_dma source(%dma_start3A_1276 : memref<16x128xf32, #tpu.memory_space<hbm>>) target(%dma_start3A_1274 : memref<16x128xf32, #tpu.memory_space<vmem>>) target_semaphore(%arg10 : memref<!tpu.dma_semaphore, #tpu.memory_space<semaphore_mem>>)
      %slice3A_1277 = vector.extract_strided_slice %mul3A_1185 {offsets = [7], sizes = [1], strides = [1]} : vector<16xi32> to vector<1xi32>
      %squeeze3A_1278 = vector.extract %slice3A_1277[0] : i32 from vector<1xi32>
      %multiple_of3A_1279 = tpu.assume_multiple %squeeze3A_1278, 128 : i32
      %dma_start3A_1280 = arith.constant 0 : i32
      %dma_start3A_1281 = arith.constant 896 : i32
      %dma_start3A_1282 = tpu.memref_slice %arg7[%dma_start3A_1280, %dma_start3A_1281] : memref<16x2048xf32, #tpu.memory_space<vmem>> -> memref<16x128xf32, #tpu.memory_space<vmem>>
      %dma_start3A_1283 = arith.constant 0 : i32
      %dma_start3A_1284 = tpu.memref_slice %arg3[%dma_start3A_1283, %multiple_of3A_1279] : memref<16x1000001xf32, #tpu.memory_space<hbm>> -> memref<16x128xf32, #tpu.memory_space<hbm>>
      %dma_start3A_1285 = arith.constant 0 : i32
      %dma_start3A_1286 = arith.constant 896 : i32
      %dma_start3A_1287 = tpu.memref_slice %arg7[%dma_start3A_1285, %dma_start3A_1286] : memref<16x2048xf32, #tpu.memory_space<vmem>> -> memref<16x128xf32, #tpu.memory_space<vmem>>
      %dma_start3A_1288 = arith.constant 0 : i32
      %dma_start3A_1289 = tpu.memref_slice %arg3[%dma_start3A_1288, %multiple_of3A_1279] : memref<16x1000001xf32, #tpu.memory_space<hbm>> -> memref<16x128xf32, #tpu.memory_space<hbm>>
      tpu.enqueue_dma source(%dma_start3A_1289 : memref<16x128xf32, #tpu.memory_space<hbm>>) target(%dma_start3A_1287 : memref<16x128xf32, #tpu.memory_space<vmem>>) target_semaphore(%arg10 : memref<!tpu.dma_semaphore, #tpu.memory_space<semaphore_mem>>)
      %slice3A_1290 = vector.extract_strided_slice %mul3A_1185 {offsets = [8], sizes = [1], strides = [1]} : vector<16xi32> to vector<1xi32>
      %squeeze3A_1291 = vector.extract %slice3A_1290[0] : i32 from vector<1xi32>
      %multiple_of3A_1292 = tpu.assume_multiple %squeeze3A_1291, 128 : i32
      %dma_start3A_1293 = arith.constant 0 : i32
      %dma_start3A_1294 = arith.constant 1024 : i32
      %dma_start3A_1295 = tpu.memref_slice %arg7[%dma_start3A_1293, %dma_start3A_1294] : memref<16x2048xf32, #tpu.memory_space<vmem>> -> memref<16x128xf32, #tpu.memory_space<vmem>>
      %dma_start3A_1296 = arith.constant 0 : i32
      %dma_start3A_1297 = tpu.memref_slice %arg3[%dma_start3A_1296, %multiple_of3A_1292] : memref<16x1000001xf32, #tpu.memory_space<hbm>> -> memref<16x128xf32, #tpu.memory_space<hbm>>
      %dma_start3A_1298 = arith.constant 0 : i32
      %dma_start3A_1299 = arith.constant 1024 : i32
      %dma_start3A_1300 = tpu.memref_slice %arg7[%dma_start3A_1298, %dma_start3A_1299] : memref<16x2048xf32, #tpu.memory_space<vmem>> -> memref<16x128xf32, #tpu.memory_space<vmem>>
      %dma_start3A_1301 = arith.constant 0 : i32
      %dma_start3A_1302 = tpu.memref_slice %arg3[%dma_start3A_1301, %multiple_of3A_1292] : memref<16x1000001xf32, #tpu.memory_space<hbm>> -> memref<16x128xf32, #tpu.memory_space<hbm>>
      tpu.enqueue_dma source(%dma_start3A_1302 : memref<16x128xf32, #tpu.memory_space<hbm>>) target(%dma_start3A_1300 : memref<16x128xf32, #tpu.memory_space<vmem>>) target_semaphore(%arg10 : memref<!tpu.dma_semaphore, #tpu.memory_space<semaphore_mem>>)
      %slice3A_1303 = vector.extract_strided_slice %mul3A_1185 {offsets = [9], sizes = [1], strides = [1]} : vector<16xi32> to vector<1xi32>
      %squeeze3A_1304 = vector.extract %slice3A_1303[0] : i32 from vector<1xi32>
      %multiple_of3A_1305 = tpu.assume_multiple %squeeze3A_1304, 128 : i32
      %dma_start3A_1306 = arith.constant 0 : i32
      %dma_start3A_1307 = arith.constant 1152 : i32
      %dma_start3A_1308 = tpu.memref_slice %arg7[%dma_start3A_1306, %dma_start3A_1307] : memref<16x2048xf32, #tpu.memory_space<vmem>> -> memref<16x128xf32, #tpu.memory_space<vmem>>
      %dma_start3A_1309 = arith.constant 0 : i32
      %dma_start3A_1310 = tpu.memref_slice %arg3[%dma_start3A_1309, %multiple_of3A_1305] : memref<16x1000001xf32, #tpu.memory_space<hbm>> -> memref<16x128xf32, #tpu.memory_space<hbm>>
      %dma_start3A_1311 = arith.constant 0 : i32
      %dma_start3A_1312 = arith.constant 1152 : i32
      %dma_start3A_1313 = tpu.memref_slice %arg7[%dma_start3A_1311, %dma_start3A_1312] : memref<16x2048xf32, #tpu.memory_space<vmem>> -> memref<16x128xf32, #tpu.memory_space<vmem>>
      %dma_start3A_1314 = arith.constant 0 : i32
      %dma_start3A_1315 = tpu.memref_slice %arg3[%dma_start3A_1314, %multiple_of3A_1305] : memref<16x1000001xf32, #tpu.memory_space<hbm>> -> memref<16x128xf32, #tpu.memory_space<hbm>>
      tpu.enqueue_dma source(%dma_start3A_1315 : memref<16x128xf32, #tpu.memory_space<hbm>>) target(%dma_start3A_1313 : memref<16x128xf32, #tpu.memory_space<vmem>>) target_semaphore(%arg10 : memref<!tpu.dma_semaphore, #tpu.memory_space<semaphore_mem>>)
      %slice3A_1316 = vector.extract_strided_slice %mul3A_1185 {offsets = [10], sizes = [1], strides = [1]} : vector<16xi32> to vector<1xi32>
      %squeeze3A_1317 = vector.extract %slice3A_1316[0] : i32 from vector<1xi32>
      %multiple_of3A_1318 = tpu.assume_multiple %squeeze3A_1317, 128 : i32
      %dma_start3A_1319 = arith.constant 0 : i32
      %dma_start3A_1320 = arith.constant 1280 : i32
      %dma_start3A_1321 = tpu.memref_slice %arg7[%dma_start3A_1319, %dma_start3A_1320] : memref<16x2048xf32, #tpu.memory_space<vmem>> -> memref<16x128xf32, #tpu.memory_space<vmem>>
      %dma_start3A_1322 = arith.constant 0 : i32
      %dma_start3A_1323 = tpu.memref_slice %arg3[%dma_start3A_1322, %multiple_of3A_1318] : memref<16x1000001xf32, #tpu.memory_space<hbm>> -> memref<16x128xf32, #tpu.memory_space<hbm>>
      %dma_start3A_1324 = arith.constant 0 : i32
      %dma_start3A_1325 = arith.constant 1280 : i32
      %dma_start3A_1326 = tpu.memref_slice %arg7[%dma_start3A_1324, %dma_start3A_1325] : memref<16x2048xf32, #tpu.memory_space<vmem>> -> memref<16x128xf32, #tpu.memory_space<vmem>>
      %dma_start3A_1327 = arith.constant 0 : i32
      %dma_start3A_1328 = tpu.memref_slice %arg3[%dma_start3A_1327, %multiple_of3A_1318] : memref<16x1000001xf32, #tpu.memory_space<hbm>> -> memref<16x128xf32, #tpu.memory_space<hbm>>
      tpu.enqueue_dma source(%dma_start3A_1328 : memref<16x128xf32, #tpu.memory_space<hbm>>) target(%dma_start3A_1326 : memref<16x128xf32, #tpu.memory_space<vmem>>) target_semaphore(%arg10 : memref<!tpu.dma_semaphore, #tpu.memory_space<semaphore_mem>>)
      %slice3A_1329 = vector.extract_strided_slice %mul3A_1185 {offsets = [11], sizes = [1], strides = [1]} : vector<16xi32> to vector<1xi32>
      %squeeze3A_1330 = vector.extract %slice3A_1329[0] : i32 from vector<1xi32>
      %multiple_of3A_1331 = tpu.assume_multiple %squeeze3A_1330, 128 : i32
      %dma_start3A_1332 = arith.constant 0 : i32
      %dma_start3A_1333 = arith.constant 1408 : i32
      %dma_start3A_1334 = tpu.memref_slice %arg7[%dma_start3A_1332, %dma_start3A_1333] : memref<16x2048xf32, #tpu.memory_space<vmem>> -> memref<16x128xf32, #tpu.memory_space<vmem>>
      %dma_start3A_1335 = arith.constant 0 : i32
      %dma_start3A_1336 = tpu.memref_slice %arg3[%dma_start3A_1335, %multiple_of3A_1331] : memref<16x1000001xf32, #tpu.memory_space<hbm>> -> memref<16x128xf32, #tpu.memory_space<hbm>>
      %dma_start3A_1337 = arith.constant 0 : i32
      %dma_start3A_1338 = arith.constant 1408 : i32
      %dma_start3A_1339 = tpu.memref_slice %arg7[%dma_start3A_1337, %dma_start3A_1338] : memref<16x2048xf32, #tpu.memory_space<vmem>> -> memref<16x128xf32, #tpu.memory_space<vmem>>
      %dma_start3A_1340 = arith.constant 0 : i32
      %dma_start3A_1341 = tpu.memref_slice %arg3[%dma_start3A_1340, %multiple_of3A_1331] : memref<16x1000001xf32, #tpu.memory_space<hbm>> -> memref<16x128xf32, #tpu.memory_space<hbm>>
      tpu.enqueue_dma source(%dma_start3A_1341 : memref<16x128xf32, #tpu.memory_space<hbm>>) target(%dma_start3A_1339 : memref<16x128xf32, #tpu.memory_space<vmem>>) target_semaphore(%arg10 : memref<!tpu.dma_semaphore, #tpu.memory_space<semaphore_mem>>)
      %slice3A_1342 = vector.extract_strided_slice %mul3A_1185 {offsets = [12], sizes = [1], strides = [1]} : vector<16xi32> to vector<1xi32>
      %squeeze3A_1343 = vector.extract %slice3A_1342[0] : i32 from vector<1xi32>
      %multiple_of3A_1344 = tpu.assume_multiple %squeeze3A_1343, 128 : i32
      %dma_start3A_1345 = arith.constant 0 : i32
      %dma_start3A_1346 = arith.constant 1536 : i32
      %dma_start3A_1347 = tpu.memref_slice %arg7[%dma_start3A_1345, %dma_start3A_1346] : memref<16x2048xf32, #tpu.memory_space<vmem>> -> memref<16x128xf32, #tpu.memory_space<vmem>>
      %dma_start3A_1348 = arith.constant 0 : i32
      %dma_start3A_1349 = tpu.memref_slice %arg3[%dma_start3A_1348, %multiple_of3A_1344] : memref<16x1000001xf32, #tpu.memory_space<hbm>> -> memref<16x128xf32, #tpu.memory_space<hbm>>
      %dma_start3A_1350 = arith.constant 0 : i32
      %dma_start3A_1351 = arith.constant 1536 : i32
      %dma_start3A_1352 = tpu.memref_slice %arg7[%dma_start3A_1350, %dma_start3A_1351] : memref<16x2048xf32, #tpu.memory_space<vmem>> -> memref<16x128xf32, #tpu.memory_space<vmem>>
      %dma_start3A_1353 = arith.constant 0 : i32
      %dma_start3A_1354 = tpu.memref_slice %arg3[%dma_start3A_1353, %multiple_of3A_1344] : memref<16x1000001xf32, #tpu.memory_space<hbm>> -> memref<16x128xf32, #tpu.memory_space<hbm>>
      tpu.enqueue_dma source(%dma_start3A_1354 : memref<16x128xf32, #tpu.memory_space<hbm>>) target(%dma_start3A_1352 : memref<16x128xf32, #tpu.memory_space<vmem>>) target_semaphore(%arg10 : memref<!tpu.dma_semaphore, #tpu.memory_space<semaphore_mem>>)
      %slice3A_1355 = vector.extract_strided_slice %mul3A_1185 {offsets = [13], sizes = [1], strides = [1]} : vector<16xi32> to vector<1xi32>
      %squeeze3A_1356 = vector.extract %slice3A_1355[0] : i32 from vector<1xi32>
      %multiple_of3A_1357 = tpu.assume_multiple %squeeze3A_1356, 128 : i32
      %dma_start3A_1358 = arith.constant 0 : i32
      %dma_start3A_1359 = arith.constant 1664 : i32
      %dma_start3A_1360 = tpu.memref_slice %arg7[%dma_start3A_1358, %dma_start3A_1359] : memref<16x2048xf32, #tpu.memory_space<vmem>> -> memref<16x128xf32, #tpu.memory_space<vmem>>
      %dma_start3A_1361 = arith.constant 0 : i32
      %dma_start3A_1362 = tpu.memref_slice %arg3[%dma_start3A_1361, %multiple_of3A_1357] : memref<16x1000001xf32, #tpu.memory_space<hbm>> -> memref<16x128xf32, #tpu.memory_space<hbm>>
      %dma_start3A_1363 = arith.constant 0 : i32
      %dma_start3A_1364 = arith.constant 1664 : i32
      %dma_start3A_1365 = tpu.memref_slice %arg7[%dma_start3A_1363, %dma_start3A_1364] : memref<16x2048xf32, #tpu.memory_space<vmem>> -> memref<16x128xf32, #tpu.memory_space<vmem>>
      %dma_start3A_1366 = arith.constant 0 : i32
      %dma_start3A_1367 = tpu.memref_slice %arg3[%dma_start3A_1366, %multiple_of3A_1357] : memref<16x1000001xf32, #tpu.memory_space<hbm>> -> memref<16x128xf32, #tpu.memory_space<hbm>>
      tpu.enqueue_dma source(%dma_start3A_1367 : memref<16x128xf32, #tpu.memory_space<hbm>>) target(%dma_start3A_1365 : memref<16x128xf32, #tpu.memory_space<vmem>>) target_semaphore(%arg10 : memref<!tpu.dma_semaphore, #tpu.memory_space<semaphore_mem>>)
      %slice3A_1368 = vector.extract_strided_slice %mul3A_1185 {offsets = [14], sizes = [1], strides = [1]} : vector<16xi32> to vector<1xi32>
      %squeeze3A_1369 = vector.extract %slice3A_1368[0] : i32 from vector<1xi32>
      %multiple_of3A_1370 = tpu.assume_multiple %squeeze3A_1369, 128 : i32
      %dma_start3A_1371 = arith.constant 0 : i32
      %dma_start3A_1372 = arith.constant 1792 : i32
      %dma_start3A_1373 = tpu.memref_slice %arg7[%dma_start3A_1371, %dma_start3A_1372] : memref<16x2048xf32, #tpu.memory_space<vmem>> -> memref<16x128xf32, #tpu.memory_space<vmem>>
      %dma_start3A_1374 = arith.constant 0 : i32
      %dma_start3A_1375 = tpu.memref_slice %arg3[%dma_start3A_1374, %multiple_of3A_1370] : memref<16x1000001xf32, #tpu.memory_space<hbm>> -> memref<16x128xf32, #tpu.memory_space<hbm>>
      %dma_start3A_1376 = arith.constant 0 : i32
      %dma_start3A_1377 = arith.constant 1792 : i32
      %dma_start3A_1378 = tpu.memref_slice %arg7[%dma_start3A_1376, %dma_start3A_1377] : memref<16x2048xf32, #tpu.memory_space<vmem>> -> memref<16x128xf32, #tpu.memory_space<vmem>>
      %dma_start3A_1379 = arith.constant 0 : i32
      %dma_start3A_1380 = tpu.memref_slice %arg3[%dma_start3A_1379, %multiple_of3A_1370] : memref<16x1000001xf32, #tpu.memory_space<hbm>> -> memref<16x128xf32, #tpu.memory_space<hbm>>
      tpu.enqueue_dma source(%dma_start3A_1380 : memref<16x128xf32, #tpu.memory_space<hbm>>) target(%dma_start3A_1378 : memref<16x128xf32, #tpu.memory_space<vmem>>) target_semaphore(%arg10 : memref<!tpu.dma_semaphore, #tpu.memory_space<semaphore_mem>>)
      %slice3A_1381 = vector.extract_strided_slice %mul3A_1185 {offsets = [15], sizes = [1], strides = [1]} : vector<16xi32> to vector<1xi32>
      %squeeze3A_1382 = vector.extract %slice3A_1381[0] : i32 from vector<1xi32>
      %multiple_of3A_1383 = tpu.assume_multiple %squeeze3A_1382, 128 : i32
      %dma_start3A_1384 = arith.constant 0 : i32
      %dma_start3A_1385 = arith.constant 1920 : i32
      %dma_start3A_1386 = tpu.memref_slice %arg7[%dma_start3A_1384, %dma_start3A_1385] : memref<16x2048xf32, #tpu.memory_space<vmem>> -> memref<16x128xf32, #tpu.memory_space<vmem>>
      %dma_start3A_1387 = arith.constant 0 : i32
      %dma_start3A_1388 = tpu.memref_slice %arg3[%dma_start3A_1387, %multiple_of3A_1383] : memref<16x1000001xf32, #tpu.memory_space<hbm>> -> memref<16x128xf32, #tpu.memory_space<hbm>>
      %dma_start3A_1389 = arith.constant 0 : i32
      %dma_start3A_1390 = arith.constant 1920 : i32
      %dma_start3A_1391 = tpu.memref_slice %arg7[%dma_start3A_1389, %dma_start3A_1390] : memref<16x2048xf32, #tpu.memory_space<vmem>> -> memref<16x128xf32, #tpu.memory_space<vmem>>
      %dma_start3A_1392 = arith.constant 0 : i32
      %dma_start3A_1393 = tpu.memref_slice %arg3[%dma_start3A_1392, %multiple_of3A_1383] : memref<16x1000001xf32, #tpu.memory_space<hbm>> -> memref<16x128xf32, #tpu.memory_space<hbm>>
      tpu.enqueue_dma source(%dma_start3A_1393 : memref<16x128xf32, #tpu.memory_space<hbm>>) target(%dma_start3A_1391 : memref<16x128xf32, #tpu.memory_space<vmem>>) target_semaphore(%arg10 : memref<!tpu.dma_semaphore, #tpu.memory_space<semaphore_mem>>)
      %dma_wait3A_1394 = arith.constant 0 : i32
      %dma_wait3A_1395 = arith.constant 0 : i32
      %dma_wait3A_1396 = tpu.memref_slice %arg3[%dma_wait3A_1394, %dma_wait3A_1395] : memref<16x1000001xf32, #tpu.memory_space<hbm>> -> memref<16x2048xf32, #tpu.memory_space<hbm>>
      %dma_wait3A_1397 = arith.constant 0 : i32
      %dma_wait3A_1398 = arith.constant 0 : i32
      %dma_wait3A_1399 = tpu.memref_slice %arg3[%dma_wait3A_1397, %dma_wait3A_1398] : memref<16x1000001xf32, #tpu.memory_space<hbm>> -> memref<16x2048xf32, #tpu.memory_space<hbm>>
      tpu.wait_dma2 semaphore(%arg11 : memref<!tpu.dma_semaphore, #tpu.memory_space<semaphore_mem>>) src(%dma_wait3A_1399 : memref<16x2048xf32, #tpu.memory_space<hbm>>) dst(%arg8 : memref<16x2048xf32, #tpu.memory_space<vmem>>)
      %add3A_1400 = arith.constant 1 : i32
      %add3A_1401 = arith.addi %mul3A_743, %add3A_1400 : i32
      %mul3A_1402 = arith.constant 16 : i32
      %mul3A_1403 = arith.muli %add3A_1401, %mul3A_1402 : i32
      %get3A_1404 = arith.index_cast %mul3A_1403 : i32 to index
      %get3A_1405 = tpu.vector_load %arg5[%get3A_1404] {strides = array<i32>} : memref<512xi32, #tpu.memory_space<vmem>>, vector<16xi32>,
      %jit3A_1406 = arith.constant 128 : i32
      %eq3A_1407 = arith.constant 0 : i32
      %eq3A_1408 = arith.cmpi eq, %jit3A_1406, %eq3A_1407 : i32
      %jit3A_1409 = arith.constant 1 : i32
      %select_n3A_1410 = arith.select %eq3A_1408, %jit3A_1409, %jit3A_1406 : i32
      %rem3A_1411 = vector.broadcast %select_n3A_1410 : i32 to vector<16xi32>
      %rem3A_1412 = arith.remsi %get3A_1405, %rem3A_1411 : vector<16xi32>
      %ne3A_1413 = arith.constant 0 : i32
      %ne3A_1414 = vector.broadcast %ne3A_1413 : i32 to vector<16xi32>
      %ne3A_1415 = arith.cmpi ne, %rem3A_1412, %ne3A_1414 : vector<16xi32>
      %lt3A_1416 = arith.constant 0 : i32
      %lt3A_1417 = vector.broadcast %lt3A_1416 : i32 to vector<16xi32>
      %lt3A_1418 = arith.cmpi slt, %rem3A_1412, %lt3A_1417 : vector<16xi32>
      %lt3A_1419 = arith.constant 0 : i32
      %lt3A_1420 = arith.cmpi slt, %select_n3A_1410, %lt3A_1419 : i32
      %ne3A_1421 = vector.broadcast %lt3A_1420 : i1 to vector<16xi1>
      %ne3A_1422 = vector.broadcast %ne3A_1421 : vector<16xi1> to vector<16xi1>
      %ne3A_1423 = arith.xori %lt3A_1418, %ne3A_1422 : vector<16xi1>
      %and3A_1424 = arith.andi %ne3A_1423, %ne3A_1415 : vector<16xi1>
      %add3A_1425 = vector.broadcast %select_n3A_1410 : i32 to vector<16xi32>
      %add3A_1426 = arith.addi %rem3A_1412, %add3A_1425 : vector<16xi32>
      %select_n3A_1427 = arith.select %and3A_1424, %add3A_1426, %rem3A_1412 : vector<16xi1>, vector<16xi32>
      %mul3A_1428 = arith.constant 128 : i32
      %mul3A_1429 = vector.broadcast %mul3A_1428 : i32 to vector<16xi32>
      %mul3A_1430 = arith.muli %mul3A_1429, %iota3A : vector<16xi32>
      %add3A_1431 = arith.addi %select_n3A_1427, %mul3A_1430 : vector<16xi32>
      %broadcast_in_dim3A_1432 = arith.constant 0 : i32
      %broadcast_in_dim3A_1433 = vector.broadcast %broadcast_in_dim3A_1432 : i32 to vector<16xi32>
      %gather3A_1434 = tpu.vector_load_idx %arg8[%broadcast_in_dim3A_1433, %add3A_1431] : memref<16x2048xf32, #tpu.memory_space<vmem>>[vector<16xi32>, vector<16xi32>], vector<16xf32>,
      %mul3A_1435 = arith.constant 16 : i32
      %mul3A_1436 = arith.muli %add3A_1401, %mul3A_1435 : i32
      %add3A_1437 = vector.broadcast %mul3A_1436 : i32 to vector<16xi32>
      %add3A_1438 = arith.addi %add3A_1437, %iota3A : vector<16xi32>
      tpu.vector_store_idx %arg6[%broadcast_in_dim3A_1433, %add3A_1438], %gather3A_1434 : memref<16x512xf32, #tpu.memory_space<vmem>>[vector<16xi32>, vector<16xi32>], vector<16xf32>,
      %broadcast_in_dim3A_1439 = arith.constant 1 : i32
      %broadcast_in_dim3A_1440 = vector.broadcast %broadcast_in_dim3A_1439 : i32 to vector<16xi32>
      %gather3A_1441 = tpu.vector_load_idx %arg8[%broadcast_in_dim3A_1440, %add3A_1431] : memref<16x2048xf32, #tpu.memory_space<vmem>>[vector<16xi32>, vector<16xi32>], vector<16xf32>,
      %mul3A_1442 = arith.constant 16 : i32
      %mul3A_1443 = arith.muli %add3A_1401, %mul3A_1442 : i32
      %add3A_1444 = vector.broadcast %mul3A_1443 : i32 to vector<16xi32>
      %add3A_1445 = arith.addi %add3A_1444, %iota3A : vector<16xi32>
      tpu.vector_store_idx %arg6[%broadcast_in_dim3A_1440, %add3A_1445], %gather3A_1441 : memref<16x512xf32, #tpu.memory_space<vmem>>[vector<16xi32>, vector<16xi32>], vector<16xf32>,
      %broadcast_in_dim3A_1446 = arith.constant 2 : i32
      %broadcast_in_dim3A_1447 = vector.broadcast %broadcast_in_dim3A_1446 : i32 to vector<16xi32>
      %gather3A_1448 = tpu.vector_load_idx %arg8[%broadcast_in_dim3A_1447, %add3A_1431] : memref<16x2048xf32, #tpu.memory_space<vmem>>[vector<16xi32>, vector<16xi32>], vector<16xf32>,
      %mul3A_1449 = arith.constant 16 : i32
      %mul3A_1450 = arith.muli %add3A_1401, %mul3A_1449 : i32
      %add3A_1451 = vector.broadcast %mul3A_1450 : i32 to vector<16xi32>
      %add3A_1452 = arith.addi %add3A_1451, %iota3A : vector<16xi32>
      tpu.vector_store_idx %arg6[%broadcast_in_dim3A_1447, %add3A_1452], %gather3A_1448 : memref<16x512xf32, #tpu.memory_space<vmem>>[vector<16xi32>, vector<16xi32>], vector<16xf32>,
      %broadcast_in_dim3A_1453 = arith.constant 3 : i32
      %broadcast_in_dim3A_1454 = vector.broadcast %broadcast_in_dim3A_1453 : i32 to vector<16xi32>
      %gather3A_1455 = tpu.vector_load_idx %arg8[%broadcast_in_dim3A_1454, %add3A_1431] : memref<16x2048xf32, #tpu.memory_space<vmem>>[vector<16xi32>, vector<16xi32>], vector<16xf32>,
      %mul3A_1456 = arith.constant 16 : i32
      %mul3A_1457 = arith.muli %add3A_1401, %mul3A_1456 : i32
      %add3A_1458 = vector.broadcast %mul3A_1457 : i32 to vector<16xi32>
      %add3A_1459 = arith.addi %add3A_1458, %iota3A : vector<16xi32>
      tpu.vector_store_idx %arg6[%broadcast_in_dim3A_1454, %add3A_1459], %gather3A_1455 : memref<16x512xf32, #tpu.memory_space<vmem>>[vector<16xi32>, vector<16xi32>], vector<16xf32>,
      %broadcast_in_dim3A_1460 = arith.constant 4 : i32
      %broadcast_in_dim3A_1461 = vector.broadcast %broadcast_in_dim3A_1460 : i32 to vector<16xi32>
      %gather3A_1462 = tpu.vector_load_idx %arg8[%broadcast_in_dim3A_1461, %add3A_1431] : memref<16x2048xf32, #tpu.memory_space<vmem>>[vector<16xi32>, vector<16xi32>], vector<16xf32>,
      %mul3A_1463 = arith.constant 16 : i32
      %mul3A_1464 = arith.muli %add3A_1401, %mul3A_1463 : i32
      %add3A_1465 = vector.broadcast %mul3A_1464 : i32 to vector<16xi32>
      %add3A_1466 = arith.addi %add3A_1465, %iota3A : vector<16xi32>
      tpu.vector_store_idx %arg6[%broadcast_in_dim3A_1461, %add3A_1466], %gather3A_1462 : memref<16x512xf32, #tpu.memory_space<vmem>>[vector<16xi32>, vector<16xi32>], vector<16xf32>,
      %broadcast_in_dim3A_1467 = arith.constant 5 : i32
      %broadcast_in_dim3A_1468 = vector.broadcast %broadcast_in_dim3A_1467 : i32 to vector<16xi32>
      %gather3A_1469 = tpu.vector_load_idx %arg8[%broadcast_in_dim3A_1468, %add3A_1431] : memref<16x2048xf32, #tpu.memory_space<vmem>>[vector<16xi32>, vector<16xi32>], vector<16xf32>,
      %mul3A_1470 = arith.constant 16 : i32
      %mul3A_1471 = arith.muli %add3A_1401, %mul3A_1470 : i32
      %add3A_1472 = vector.broadcast %mul3A_1471 : i32 to vector<16xi32>
      %add3A_1473 = arith.addi %add3A_1472, %iota3A : vector<16xi32>
      tpu.vector_store_idx %arg6[%broadcast_in_dim3A_1468, %add3A_1473], %gather3A_1469 : memref<16x512xf32, #tpu.memory_space<vmem>>[vector<16xi32>, vector<16xi32>], vector<16xf32>,
      %broadcast_in_dim3A_1474 = arith.constant 6 : i32
      %broadcast_in_dim3A_1475 = vector.broadcast %broadcast_in_dim3A_1474 : i32 to vector<16xi32>
      %gather3A_1476 = tpu.vector_load_idx %arg8[%broadcast_in_dim3A_1475, %add3A_1431] : memref<16x2048xf32, #tpu.memory_space<vmem>>[vector<16xi32>, vector<16xi32>], vector<16xf32>,
      %mul3A_1477 = arith.constant 16 : i32
      %mul3A_1478 = arith.muli %add3A_1401, %mul3A_1477 : i32
      %add3A_1479 = vector.broadcast %mul3A_1478 : i32 to vector<16xi32>
      %add3A_1480 = arith.addi %add3A_1479, %iota3A : vector<16xi32>
      tpu.vector_store_idx %arg6[%broadcast_in_dim3A_1475, %add3A_1480], %gather3A_1476 : memref<16x512xf32, #tpu.memory_space<vmem>>[vector<16xi32>, vector<16xi32>], vector<16xf32>,
      %broadcast_in_dim3A_1481 = arith.constant 7 : i32
      %broadcast_in_dim3A_1482 = vector.broadcast %broadcast_in_dim3A_1481 : i32 to vector<16xi32>
      %gather3A_1483 = tpu.vector_load_idx %arg8[%broadcast_in_dim3A_1482, %add3A_1431] : memref<16x2048xf32, #tpu.memory_space<vmem>>[vector<16xi32>, vector<16xi32>], vector<16xf32>,
      %mul3A_1484 = arith.constant 16 : i32
      %mul3A_1485 = arith.muli %add3A_1401, %mul3A_1484 : i32
      %add3A_1486 = vector.broadcast %mul3A_1485 : i32 to vector<16xi32>
      %add3A_1487 = arith.addi %add3A_1486, %iota3A : vector<16xi32>
      tpu.vector_store_idx %arg6[%broadcast_in_dim3A_1482, %add3A_1487], %gather3A_1483 : memref<16x512xf32, #tpu.memory_space<vmem>>[vector<16xi32>, vector<16xi32>], vector<16xf32>,
      %broadcast_in_dim3A_1488 = arith.constant 8 : i32
      %broadcast_in_dim3A_1489 = vector.broadcast %broadcast_in_dim3A_1488 : i32 to vector<16xi32>
      %gather3A_1490 = tpu.vector_load_idx %arg8[%broadcast_in_dim3A_1489, %add3A_1431] : memref<16x2048xf32, #tpu.memory_space<vmem>>[vector<16xi32>, vector<16xi32>], vector<16xf32>,
      %mul3A_1491 = arith.constant 16 : i32
      %mul3A_1492 = arith.muli %add3A_1401, %mul3A_1491 : i32
      %add3A_1493 = vector.broadcast %mul3A_1492 : i32 to vector<16xi32>
      %add3A_1494 = arith.addi %add3A_1493, %iota3A : vector<16xi32>
      tpu.vector_store_idx %arg6[%broadcast_in_dim3A_1489, %add3A_1494], %gather3A_1490 : memref<16x512xf32, #tpu.memory_space<vmem>>[vector<16xi32>, vector<16xi32>], vector<16xf32>,
      %broadcast_in_dim3A_1495 = arith.constant 9 : i32
      %broadcast_in_dim3A_1496 = vector.broadcast %broadcast_in_dim3A_1495 : i32 to vector<16xi32>
      %gather3A_1497 = tpu.vector_load_idx %arg8[%broadcast_in_dim3A_1496, %add3A_1431] : memref<16x2048xf32, #tpu.memory_space<vmem>>[vector<16xi32>, vector<16xi32>], vector<16xf32>,
      %mul3A_1498 = arith.constant 16 : i32
      %mul3A_1499 = arith.muli %add3A_1401, %mul3A_1498 : i32
      %add3A_1500 = vector.broadcast %mul3A_1499 : i32 to vector<16xi32>
      %add3A_1501 = arith.addi %add3A_1500, %iota3A : vector<16xi32>
      tpu.vector_store_idx %arg6[%broadcast_in_dim3A_1496, %add3A_1501], %gather3A_1497 : memref<16x512xf32, #tpu.memory_space<vmem>>[vector<16xi32>, vector<16xi32>], vector<16xf32>,
      %broadcast_in_dim3A_1502 = arith.constant 10 : i32
      %broadcast_in_dim3A_1503 = vector.broadcast %broadcast_in_dim3A_1502 : i32 to vector<16xi32>
      %gather3A_1504 = tpu.vector_load_idx %arg8[%broadcast_in_dim3A_1503, %add3A_1431] : memref<16x2048xf32, #tpu.memory_space<vmem>>[vector<16xi32>, vector<16xi32>], vector<16xf32>,
      %mul3A_1505 = arith.constant 16 : i32
      %mul3A_1506 = arith.muli %add3A_1401, %mul3A_1505 : i32
      %add3A_1507 = vector.broadcast %mul3A_1506 : i32 to vector<16xi32>
      %add3A_1508 = arith.addi %add3A_1507, %iota3A : vector<16xi32>
      tpu.vector_store_idx %arg6[%broadcast_in_dim3A_1503, %add3A_1508], %gather3A_1504 : memref<16x512xf32, #tpu.memory_space<vmem>>[vector<16xi32>, vector<16xi32>], vector<16xf32>,
      %broadcast_in_dim3A_1509 = arith.constant 11 : i32
      %broadcast_in_dim3A_1510 = vector.broadcast %broadcast_in_dim3A_1509 : i32 to vector<16xi32>
      %gather3A_1511 = tpu.vector_load_idx %arg8[%broadcast_in_dim3A_1510, %add3A_1431] : memref<16x2048xf32, #tpu.memory_space<vmem>>[vector<16xi32>, vector<16xi32>], vector<16xf32>,
      %mul3A_1512 = arith.constant 16 : i32
      %mul3A_1513 = arith.muli %add3A_1401, %mul3A_1512 : i32
      %add3A_1514 = vector.broadcast %mul3A_1513 : i32 to vector<16xi32>
      %add3A_1515 = arith.addi %add3A_1514, %iota3A : vector<16xi32>
      tpu.vector_store_idx %arg6[%broadcast_in_dim3A_1510, %add3A_1515], %gather3A_1511 : memref<16x512xf32, #tpu.memory_space<vmem>>[vector<16xi32>, vector<16xi32>], vector<16xf32>,
      %broadcast_in_dim3A_1516 = arith.constant 12 : i32
      %broadcast_in_dim3A_1517 = vector.broadcast %broadcast_in_dim3A_1516 : i32 to vector<16xi32>
      %gather3A_1518 = tpu.vector_load_idx %arg8[%broadcast_in_dim3A_1517, %add3A_1431] : memref<16x2048xf32, #tpu.memory_space<vmem>>[vector<16xi32>, vector<16xi32>], vector<16xf32>,
      %mul3A_1519 = arith.constant 16 : i32
      %mul3A_1520 = arith.muli %add3A_1401, %mul3A_1519 : i32
      %add3A_1521 = vector.broadcast %mul3A_1520 : i32 to vector<16xi32>
      %add3A_1522 = arith.addi %add3A_1521, %iota3A : vector<16xi32>
      tpu.vector_store_idx %arg6[%broadcast_in_dim3A_1517, %add3A_1522], %gather3A_1518 : memref<16x512xf32, #tpu.memory_space<vmem>>[vector<16xi32>, vector<16xi32>], vector<16xf32>,
      %broadcast_in_dim3A_1523 = arith.constant 13 : i32
      %broadcast_in_dim3A_1524 = vector.broadcast %broadcast_in_dim3A_1523 : i32 to vector<16xi32>
      %gather3A_1525 = tpu.vector_load_idx %arg8[%broadcast_in_dim3A_1524, %add3A_1431] : memref<16x2048xf32, #tpu.memory_space<vmem>>[vector<16xi32>, vector<16xi32>], vector<16xf32>,
      %mul3A_1526 = arith.constant 16 : i32
      %mul3A_1527 = arith.muli %add3A_1401, %mul3A_1526 : i32
      %add3A_1528 = vector.broadcast %mul3A_1527 : i32 to vector<16xi32>
      %add3A_1529 = arith.addi %add3A_1528, %iota3A : vector<16xi32>
      tpu.vector_store_idx %arg6[%broadcast_in_dim3A_1524, %add3A_1529], %gather3A_1525 : memref<16x512xf32, #tpu.memory_space<vmem>>[vector<16xi32>, vector<16xi32>], vector<16xf32>,
      %broadcast_in_dim3A_1530 = arith.constant 14 : i32
      %broadcast_in_dim3A_1531 = vector.broadcast %broadcast_in_dim3A_1530 : i32 to vector<16xi32>
      %gather3A_1532 = tpu.vector_load_idx %arg8[%broadcast_in_dim3A_1531, %add3A_1431] : memref<16x2048xf32, #tpu.memory_space<vmem>>[vector<16xi32>, vector<16xi32>], vector<16xf32>,
      %mul3A_1533 = arith.constant 16 : i32
      %mul3A_1534 = arith.muli %add3A_1401, %mul3A_1533 : i32
      %add3A_1535 = vector.broadcast %mul3A_1534 : i32 to vector<16xi32>
      %add3A_1536 = arith.addi %add3A_1535, %iota3A : vector<16xi32>
      tpu.vector_store_idx %arg6[%broadcast_in_dim3A_1531, %add3A_1536], %gather3A_1532 : memref<16x512xf32, #tpu.memory_space<vmem>>[vector<16xi32>, vector<16xi32>], vector<16xf32>,
      %broadcast_in_dim3A_1537 = arith.constant 15 : i32
      %broadcast_in_dim3A_1538 = vector.broadcast %broadcast_in_dim3A_1537 : i32 to vector<16xi32>
      %gather3A_1539 = tpu.vector_load_idx %arg8[%broadcast_in_dim3A_1538, %add3A_1431] : memref<16x2048xf32, #tpu.memory_space<vmem>>[vector<16xi32>, vector<16xi32>], vector<16xf32>,
      %mul3A_1540 = arith.constant 16 : i32
      %mul3A_1541 = arith.muli %add3A_1401, %mul3A_1540 : i32
      %add3A_1542 = vector.broadcast %mul3A_1541 : i32 to vector<16xi32>
      %add3A_1543 = arith.addi %add3A_1542, %iota3A : vector<16xi32>
      tpu.vector_store_idx %arg6[%broadcast_in_dim3A_1538, %add3A_1543], %gather3A_1539 : memref<16x512xf32, #tpu.memory_space<vmem>>[vector<16xi32>, vector<16xi32>], vector<16xf32>,
      %add3A_1544 = arith.constant 2 : i32
      %add3A_1545 = arith.addi %mul3A_743, %add3A_1544 : i32
      %add3A_1546 = arith.constant 2 : i32
      %add3A_1547 = arith.addi %add3A_1545, %add3A_1546 : i32
      %mul3A_1548 = arith.constant 16 : i32
      %mul3A_1549 = arith.muli %add3A_1547, %mul3A_1548 : i32
      %get3A_1550 = arith.index_cast %mul3A_1549 : i32 to index
      %get3A_1551 = tpu.vector_load %arg5[%get3A_1550] {strides = array<i32>} : memref<512xi32, #tpu.memory_space<vmem>>, vector<16xi32>,
      %jit3A_1552 = arith.constant 128 : i32
      %div3A_1553 = vector.broadcast %jit3A_1552 : i32 to vector<16xi32>
      %div3A_1554 = arith.divsi %get3A_1551, %div3A_1553 : vector<16xi32>
      %sign3A_1555 = arith.constant 0 : i32
      %sign3A_1556 = vector.broadcast %sign3A_1555 : i32 to vector<16xi32>
      %sign3A_1557 = arith.cmpi sgt, %get3A_1551, %sign3A_1556 : vector<16xi32>
      %sign3A_1558 = arith.extui %sign3A_1557 : vector<16xi1> to vector<16xi32>
      %sign3A_1559 = arith.constant 0 : i32
      %sign3A_1560 = vector.broadcast %sign3A_1559 : i32 to vector<16xi32>
      %sign3A_1561 = arith.cmpi slt, %get3A_1551, %sign3A_1560 : vector<16xi32>
      %sign3A_1562 = arith.extui %sign3A_1561 : vector<16xi1> to vector<16xi32>
      %sign3A_1563 = arith.subi %sign3A_1558, %sign3A_1562 : vector<16xi32>
      %sign3A_1564 = arith.constant 0 : i32
      %sign3A_1565 = arith.cmpi sgt, %jit3A_1552, %sign3A_1564 : i32
      %sign3A_1566 = arith.extui %sign3A_1565 : i1 to i32
      %sign3A_1567 = arith.constant 0 : i32
      %sign3A_1568 = arith.cmpi slt, %jit3A_1552, %sign3A_1567 : i32
      %sign3A_1569 = arith.extui %sign3A_1568 : i1 to i32
      %sign3A_1570 = arith.subi %sign3A_1566, %sign3A_1569 : i32
      %ne3A_1571 = vector.broadcast %sign3A_1570 : i32 to vector<16xi32>
      %ne3A_1572 = arith.cmpi ne, %sign3A_1563, %ne3A_1571 : vector<16xi32>
      %rem3A_1573 = vector.broadcast %jit3A_1552 : i32 to vector<16xi32>
      %rem3A_1574 = arith.remsi %get3A_1551, %rem3A_1573 : vector<16xi32>
      %ne3A_1575 = arith.constant 0 : i32
      %ne3A_1576 = vector.broadcast %ne3A_1575 : i32 to vector<16xi32>
      %ne3A_1577 = arith.cmpi ne, %rem3A_1574, %ne3A_1576 : vector<16xi32>
      %and3A_1578 = arith.andi %ne3A_1572, %ne3A_1577 : vector<16xi1>
      %sub3A_1579 = arith.constant 1 : i32
      %sub3A_1580 = vector.broadcast %sub3A_1579 : i32 to vector<16xi32>
      %sub3A_1581 = arith.subi %div3A_1554, %sub3A_1580 : vector<16xi32>
      %select_n3A_1582 = arith.select %and3A_1578, %sub3A_1581, %div3A_1554 : vector<16xi1>, vector<16xi32>
      %mul3A_1583 = arith.constant 128 : i32
      %mul3A_1584 = vector.broadcast %mul3A_1583 : i32 to vector<16xi32>
      %mul3A_1585 = arith.muli %select_n3A_1582, %mul3A_1584 : vector<16xi32>
      %slice3A_1586 = vector.extract_strided_slice %mul3A_1585 {offsets = [0], sizes = [1], strides = [1]} : vector<16xi32> to vector<1xi32>
      %squeeze3A_1587 = vector.extract %slice3A_1586[0] : i32 from vector<1xi32>
      %multiple_of3A_1588 = tpu.assume_multiple %squeeze3A_1587, 128 : i32
      %dma_start3A_1589 = arith.constant 0 : i32
      %dma_start3A_1590 = arith.constant 0 : i32
      %dma_start3A_1591 = tpu.memref_slice %arg8[%dma_start3A_1589, %dma_start3A_1590] : memref<16x2048xf32, #tpu.memory_space<vmem>> -> memref<16x128xf32, #tpu.memory_space<vmem>>
      %dma_start3A_1592 = arith.constant 0 : i32
      %dma_start3A_1593 = tpu.memref_slice %arg3[%dma_start3A_1592, %multiple_of3A_1588] : memref<16x1000001xf32, #tpu.memory_space<hbm>> -> memref<16x128xf32, #tpu.memory_space<hbm>>
      %dma_start3A_1594 = arith.constant 0 : i32
      %dma_start3A_1595 = arith.constant 0 : i32
      %dma_start3A_1596 = tpu.memref_slice %arg8[%dma_start3A_1594, %dma_start3A_1595] : memref<16x2048xf32, #tpu.memory_space<vmem>> -> memref<16x128xf32, #tpu.memory_space<vmem>>
      %dma_start3A_1597 = arith.constant 0 : i32
      %dma_start3A_1598 = tpu.memref_slice %arg3[%dma_start3A_1597, %multiple_of3A_1588] : memref<16x1000001xf32, #tpu.memory_space<hbm>> -> memref<16x128xf32, #tpu.memory_space<hbm>>
      tpu.enqueue_dma source(%dma_start3A_1598 : memref<16x128xf32, #tpu.memory_space<hbm>>) target(%dma_start3A_1596 : memref<16x128xf32, #tpu.memory_space<vmem>>) target_semaphore(%arg11 : memref<!tpu.dma_semaphore, #tpu.memory_space<semaphore_mem>>)
      %slice3A_1599 = vector.extract_strided_slice %mul3A_1585 {offsets = [1], sizes = [1], strides = [1]} : vector<16xi32> to vector<1xi32>
      %squeeze3A_1600 = vector.extract %slice3A_1599[0] : i32 from vector<1xi32>
      %multiple_of3A_1601 = tpu.assume_multiple %squeeze3A_1600, 128 : i32
      %dma_start3A_1602 = arith.constant 0 : i32
      %dma_start3A_1603 = arith.constant 128 : i32
      %dma_start3A_1604 = tpu.memref_slice %arg8[%dma_start3A_1602, %dma_start3A_1603] : memref<16x2048xf32, #tpu.memory_space<vmem>> -> memref<16x128xf32, #tpu.memory_space<vmem>>
      %dma_start3A_1605 = arith.constant 0 : i32
      %dma_start3A_1606 = tpu.memref_slice %arg3[%dma_start3A_1605, %multiple_of3A_1601] : memref<16x1000001xf32, #tpu.memory_space<hbm>> -> memref<16x128xf32, #tpu.memory_space<hbm>>
      %dma_start3A_1607 = arith.constant 0 : i32
      %dma_start3A_1608 = arith.constant 128 : i32
      %dma_start3A_1609 = tpu.memref_slice %arg8[%dma_start3A_1607, %dma_start3A_1608] : memref<16x2048xf32, #tpu.memory_space<vmem>> -> memref<16x128xf32, #tpu.memory_space<vmem>>
      %dma_start3A_1610 = arith.constant 0 : i32
      %dma_start3A_1611 = tpu.memref_slice %arg3[%dma_start3A_1610, %multiple_of3A_1601] : memref<16x1000001xf32, #tpu.memory_space<hbm>> -> memref<16x128xf32, #tpu.memory_space<hbm>>
      tpu.enqueue_dma source(%dma_start3A_1611 : memref<16x128xf32, #tpu.memory_space<hbm>>) target(%dma_start3A_1609 : memref<16x128xf32, #tpu.memory_space<vmem>>) target_semaphore(%arg11 : memref<!tpu.dma_semaphore, #tpu.memory_space<semaphore_mem>>)
      %slice3A_1612 = vector.extract_strided_slice %mul3A_1585 {offsets = [2], sizes = [1], strides = [1]} : vector<16xi32> to vector<1xi32>
      %squeeze3A_1613 = vector.extract %slice3A_1612[0] : i32 from vector<1xi32>
      %multiple_of3A_1614 = tpu.assume_multiple %squeeze3A_1613, 128 : i32
      %dma_start3A_1615 = arith.constant 0 : i32
      %dma_start3A_1616 = arith.constant 256 : i32
      %dma_start3A_1617 = tpu.memref_slice %arg8[%dma_start3A_1615, %dma_start3A_1616] : memref<16x2048xf32, #tpu.memory_space<vmem>> -> memref<16x128xf32, #tpu.memory_space<vmem>>
      %dma_start3A_1618 = arith.constant 0 : i32
      %dma_start3A_1619 = tpu.memref_slice %arg3[%dma_start3A_1618, %multiple_of3A_1614] : memref<16x1000001xf32, #tpu.memory_space<hbm>> -> memref<16x128xf32, #tpu.memory_space<hbm>>
      %dma_start3A_1620 = arith.constant 0 : i32
      %dma_start3A_1621 = arith.constant 256 : i32
      %dma_start3A_1622 = tpu.memref_slice %arg8[%dma_start3A_1620, %dma_start3A_1621] : memref<16x2048xf32, #tpu.memory_space<vmem>> -> memref<16x128xf32, #tpu.memory_space<vmem>>
      %dma_start3A_1623 = arith.constant 0 : i32
      %dma_start3A_1624 = tpu.memref_slice %arg3[%dma_start3A_1623, %multiple_of3A_1614] : memref<16x1000001xf32, #tpu.memory_space<hbm>> -> memref<16x128xf32, #tpu.memory_space<hbm>>
      tpu.enqueue_dma source(%dma_start3A_1624 : memref<16x128xf32, #tpu.memory_space<hbm>>) target(%dma_start3A_1622 : memref<16x128xf32, #tpu.memory_space<vmem>>) target_semaphore(%arg11 : memref<!tpu.dma_semaphore, #tpu.memory_space<semaphore_mem>>)
      %slice3A_1625 = vector.extract_strided_slice %mul3A_1585 {offsets = [3], sizes = [1], strides = [1]} : vector<16xi32> to vector<1xi32>
      %squeeze3A_1626 = vector.extract %slice3A_1625[0] : i32 from vector<1xi32>
      %multiple_of3A_1627 = tpu.assume_multiple %squeeze3A_1626, 128 : i32
      %dma_start3A_1628 = arith.constant 0 : i32
      %dma_start3A_1629 = arith.constant 384 : i32
      %dma_start3A_1630 = tpu.memref_slice %arg8[%dma_start3A_1628, %dma_start3A_1629] : memref<16x2048xf32, #tpu.memory_space<vmem>> -> memref<16x128xf32, #tpu.memory_space<vmem>>
      %dma_start3A_1631 = arith.constant 0 : i32
      %dma_start3A_1632 = tpu.memref_slice %arg3[%dma_start3A_1631, %multiple_of3A_1627] : memref<16x1000001xf32, #tpu.memory_space<hbm>> -> memref<16x128xf32, #tpu.memory_space<hbm>>
      %dma_start3A_1633 = arith.constant 0 : i32
      %dma_start3A_1634 = arith.constant 384 : i32
      %dma_start3A_1635 = tpu.memref_slice %arg8[%dma_start3A_1633, %dma_start3A_1634] : memref<16x2048xf32, #tpu.memory_space<vmem>> -> memref<16x128xf32, #tpu.memory_space<vmem>>
      %dma_start3A_1636 = arith.constant 0 : i32
      %dma_start3A_1637 = tpu.memref_slice %arg3[%dma_start3A_1636, %multiple_of3A_1627] : memref<16x1000001xf32, #tpu.memory_space<hbm>> -> memref<16x128xf32, #tpu.memory_space<hbm>>
      tpu.enqueue_dma source(%dma_start3A_1637 : memref<16x128xf32, #tpu.memory_space<hbm>>) target(%dma_start3A_1635 : memref<16x128xf32, #tpu.memory_space<vmem>>) target_semaphore(%arg11 : memref<!tpu.dma_semaphore, #tpu.memory_space<semaphore_mem>>)
      %slice3A_1638 = vector.extract_strided_slice %mul3A_1585 {offsets = [4], sizes = [1], strides = [1]} : vector<16xi32> to vector<1xi32>
      %squeeze3A_1639 = vector.extract %slice3A_1638[0] : i32 from vector<1xi32>
      %multiple_of3A_1640 = tpu.assume_multiple %squeeze3A_1639, 128 : i32
      %dma_start3A_1641 = arith.constant 0 : i32
      %dma_start3A_1642 = arith.constant 512 : i32
      %dma_start3A_1643 = tpu.memref_slice %arg8[%dma_start3A_1641, %dma_start3A_1642] : memref<16x2048xf32, #tpu.memory_space<vmem>> -> memref<16x128xf32, #tpu.memory_space<vmem>>
      %dma_start3A_1644 = arith.constant 0 : i32
      %dma_start3A_1645 = tpu.memref_slice %arg3[%dma_start3A_1644, %multiple_of3A_1640] : memref<16x1000001xf32, #tpu.memory_space<hbm>> -> memref<16x128xf32, #tpu.memory_space<hbm>>
      %dma_start3A_1646 = arith.constant 0 : i32
      %dma_start3A_1647 = arith.constant 512 : i32
      %dma_start3A_1648 = tpu.memref_slice %arg8[%dma_start3A_1646, %dma_start3A_1647] : memref<16x2048xf32, #tpu.memory_space<vmem>> -> memref<16x128xf32, #tpu.memory_space<vmem>>
      %dma_start3A_1649 = arith.constant 0 : i32
      %dma_start3A_1650 = tpu.memref_slice %arg3[%dma_start3A_1649, %multiple_of3A_1640] : memref<16x1000001xf32, #tpu.memory_space<hbm>> -> memref<16x128xf32, #tpu.memory_space<hbm>>
      tpu.enqueue_dma source(%dma_start3A_1650 : memref<16x128xf32, #tpu.memory_space<hbm>>) target(%dma_start3A_1648 : memref<16x128xf32, #tpu.memory_space<vmem>>) target_semaphore(%arg11 : memref<!tpu.dma_semaphore, #tpu.memory_space<semaphore_mem>>)
      %slice3A_1651 = vector.extract_strided_slice %mul3A_1585 {offsets = [5], sizes = [1], strides = [1]} : vector<16xi32> to vector<1xi32>
      %squeeze3A_1652 = vector.extract %slice3A_1651[0] : i32 from vector<1xi32>
      %multiple_of3A_1653 = tpu.assume_multiple %squeeze3A_1652, 128 : i32
      %dma_start3A_1654 = arith.constant 0 : i32
      %dma_start3A_1655 = arith.constant 640 : i32
      %dma_start3A_1656 = tpu.memref_slice %arg8[%dma_start3A_1654, %dma_start3A_1655] : memref<16x2048xf32, #tpu.memory_space<vmem>> -> memref<16x128xf32, #tpu.memory_space<vmem>>
      %dma_start3A_1657 = arith.constant 0 : i32
      %dma_start3A_1658 = tpu.memref_slice %arg3[%dma_start3A_1657, %multiple_of3A_1653] : memref<16x1000001xf32, #tpu.memory_space<hbm>> -> memref<16x128xf32, #tpu.memory_space<hbm>>
      %dma_start3A_1659 = arith.constant 0 : i32
      %dma_start3A_1660 = arith.constant 640 : i32
      %dma_start3A_1661 = tpu.memref_slice %arg8[%dma_start3A_1659, %dma_start3A_1660] : memref<16x2048xf32, #tpu.memory_space<vmem>> -> memref<16x128xf32, #tpu.memory_space<vmem>>
      %dma_start3A_1662 = arith.constant 0 : i32
      %dma_start3A_1663 = tpu.memref_slice %arg3[%dma_start3A_1662, %multiple_of3A_1653] : memref<16x1000001xf32, #tpu.memory_space<hbm>> -> memref<16x128xf32, #tpu.memory_space<hbm>>
      tpu.enqueue_dma source(%dma_start3A_1663 : memref<16x128xf32, #tpu.memory_space<hbm>>) target(%dma_start3A_1661 : memref<16x128xf32, #tpu.memory_space<vmem>>) target_semaphore(%arg11 : memref<!tpu.dma_semaphore, #tpu.memory_space<semaphore_mem>>)
      %slice3A_1664 = vector.extract_strided_slice %mul3A_1585 {offsets = [6], sizes = [1], strides = [1]} : vector<16xi32> to vector<1xi32>
      %squeeze3A_1665 = vector.extract %slice3A_1664[0] : i32 from vector<1xi32>
      %multiple_of3A_1666 = tpu.assume_multiple %squeeze3A_1665, 128 : i32
      %dma_start3A_1667 = arith.constant 0 : i32
      %dma_start3A_1668 = arith.constant 768 : i32
      %dma_start3A_1669 = tpu.memref_slice %arg8[%dma_start3A_1667, %dma_start3A_1668] : memref<16x2048xf32, #tpu.memory_space<vmem>> -> memref<16x128xf32, #tpu.memory_space<vmem>>
      %dma_start3A_1670 = arith.constant 0 : i32
      %dma_start3A_1671 = tpu.memref_slice %arg3[%dma_start3A_1670, %multiple_of3A_1666] : memref<16x1000001xf32, #tpu.memory_space<hbm>> -> memref<16x128xf32, #tpu.memory_space<hbm>>
      %dma_start3A_1672 = arith.constant 0 : i32
      %dma_start3A_1673 = arith.constant 768 : i32
      %dma_start3A_1674 = tpu.memref_slice %arg8[%dma_start3A_1672, %dma_start3A_1673] : memref<16x2048xf32, #tpu.memory_space<vmem>> -> memref<16x128xf32, #tpu.memory_space<vmem>>
      %dma_start3A_1675 = arith.constant 0 : i32
      %dma_start3A_1676 = tpu.memref_slice %arg3[%dma_start3A_1675, %multiple_of3A_1666] : memref<16x1000001xf32, #tpu.memory_space<hbm>> -> memref<16x128xf32, #tpu.memory_space<hbm>>
      tpu.enqueue_dma source(%dma_start3A_1676 : memref<16x128xf32, #tpu.memory_space<hbm>>) target(%dma_start3A_1674 : memref<16x128xf32, #tpu.memory_space<vmem>>) target_semaphore(%arg11 : memref<!tpu.dma_semaphore, #tpu.memory_space<semaphore_mem>>)
      %slice3A_1677 = vector.extract_strided_slice %mul3A_1585 {offsets = [7], sizes = [1], strides = [1]} : vector<16xi32> to vector<1xi32>
      %squeeze3A_1678 = vector.extract %slice3A_1677[0] : i32 from vector<1xi32>
      %multiple_of3A_1679 = tpu.assume_multiple %squeeze3A_1678, 128 : i32
      %dma_start3A_1680 = arith.constant 0 : i32
      %dma_start3A_1681 = arith.constant 896 : i32
      %dma_start3A_1682 = tpu.memref_slice %arg8[%dma_start3A_1680, %dma_start3A_1681] : memref<16x2048xf32, #tpu.memory_space<vmem>> -> memref<16x128xf32, #tpu.memory_space<vmem>>
      %dma_start3A_1683 = arith.constant 0 : i32
      %dma_start3A_1684 = tpu.memref_slice %arg3[%dma_start3A_1683, %multiple_of3A_1679] : memref<16x1000001xf32, #tpu.memory_space<hbm>> -> memref<16x128xf32, #tpu.memory_space<hbm>>
      %dma_start3A_1685 = arith.constant 0 : i32
      %dma_start3A_1686 = arith.constant 896 : i32
      %dma_start3A_1687 = tpu.memref_slice %arg8[%dma_start3A_1685, %dma_start3A_1686] : memref<16x2048xf32, #tpu.memory_space<vmem>> -> memref<16x128xf32, #tpu.memory_space<vmem>>
      %dma_start3A_1688 = arith.constant 0 : i32
      %dma_start3A_1689 = tpu.memref_slice %arg3[%dma_start3A_1688, %multiple_of3A_1679] : memref<16x1000001xf32, #tpu.memory_space<hbm>> -> memref<16x128xf32, #tpu.memory_space<hbm>>
      tpu.enqueue_dma source(%dma_start3A_1689 : memref<16x128xf32, #tpu.memory_space<hbm>>) target(%dma_start3A_1687 : memref<16x128xf32, #tpu.memory_space<vmem>>) target_semaphore(%arg11 : memref<!tpu.dma_semaphore, #tpu.memory_space<semaphore_mem>>)
      %slice3A_1690 = vector.extract_strided_slice %mul3A_1585 {offsets = [8], sizes = [1], strides = [1]} : vector<16xi32> to vector<1xi32>
      %squeeze3A_1691 = vector.extract %slice3A_1690[0] : i32 from vector<1xi32>
      %multiple_of3A_1692 = tpu.assume_multiple %squeeze3A_1691, 128 : i32
      %dma_start3A_1693 = arith.constant 0 : i32
      %dma_start3A_1694 = arith.constant 1024 : i32
      %dma_start3A_1695 = tpu.memref_slice %arg8[%dma_start3A_1693, %dma_start3A_1694] : memref<16x2048xf32, #tpu.memory_space<vmem>> -> memref<16x128xf32, #tpu.memory_space<vmem>>
      %dma_start3A_1696 = arith.constant 0 : i32
      %dma_start3A_1697 = tpu.memref_slice %arg3[%dma_start3A_1696, %multiple_of3A_1692] : memref<16x1000001xf32, #tpu.memory_space<hbm>> -> memref<16x128xf32, #tpu.memory_space<hbm>>
      %dma_start3A_1698 = arith.constant 0 : i32
      %dma_start3A_1699 = arith.constant 1024 : i32
      %dma_start3A_1700 = tpu.memref_slice %arg8[%dma_start3A_1698, %dma_start3A_1699] : memref<16x2048xf32, #tpu.memory_space<vmem>> -> memref<16x128xf32, #tpu.memory_space<vmem>>
      %dma_start3A_1701 = arith.constant 0 : i32
      %dma_start3A_1702 = tpu.memref_slice %arg3[%dma_start3A_1701, %multiple_of3A_1692] : memref<16x1000001xf32, #tpu.memory_space<hbm>> -> memref<16x128xf32, #tpu.memory_space<hbm>>
      tpu.enqueue_dma source(%dma_start3A_1702 : memref<16x128xf32, #tpu.memory_space<hbm>>) target(%dma_start3A_1700 : memref<16x128xf32, #tpu.memory_space<vmem>>) target_semaphore(%arg11 : memref<!tpu.dma_semaphore, #tpu.memory_space<semaphore_mem>>)
      %slice3A_1703 = vector.extract_strided_slice %mul3A_1585 {offsets = [9], sizes = [1], strides = [1]} : vector<16xi32> to vector<1xi32>
      %squeeze3A_1704 = vector.extract %slice3A_1703[0] : i32 from vector<1xi32>
      %multiple_of3A_1705 = tpu.assume_multiple %squeeze3A_1704, 128 : i32
      %dma_start3A_1706 = arith.constant 0 : i32
      %dma_start3A_1707 = arith.constant 1152 : i32
      %dma_start3A_1708 = tpu.memref_slice %arg8[%dma_start3A_1706, %dma_start3A_1707] : memref<16x2048xf32, #tpu.memory_space<vmem>> -> memref<16x128xf32, #tpu.memory_space<vmem>>
      %dma_start3A_1709 = arith.constant 0 : i32
      %dma_start3A_1710 = tpu.memref_slice %arg3[%dma_start3A_1709, %multiple_of3A_1705] : memref<16x1000001xf32, #tpu.memory_space<hbm>> -> memref<16x128xf32, #tpu.memory_space<hbm>>
      %dma_start3A_1711 = arith.constant 0 : i32
      %dma_start3A_1712 = arith.constant 1152 : i32
      %dma_start3A_1713 = tpu.memref_slice %arg8[%dma_start3A_1711, %dma_start3A_1712] : memref<16x2048xf32, #tpu.memory_space<vmem>> -> memref<16x128xf32, #tpu.memory_space<vmem>>
      %dma_start3A_1714 = arith.constant 0 : i32
      %dma_start3A_1715 = tpu.memref_slice %arg3[%dma_start3A_1714, %multiple_of3A_1705] : memref<16x1000001xf32, #tpu.memory_space<hbm>> -> memref<16x128xf32, #tpu.memory_space<hbm>>
      tpu.enqueue_dma source(%dma_start3A_1715 : memref<16x128xf32, #tpu.memory_space<hbm>>) target(%dma_start3A_1713 : memref<16x128xf32, #tpu.memory_space<vmem>>) target_semaphore(%arg11 : memref<!tpu.dma_semaphore, #tpu.memory_space<semaphore_mem>>)
      %slice3A_1716 = vector.extract_strided_slice %mul3A_1585 {offsets = [10], sizes = [1], strides = [1]} : vector<16xi32> to vector<1xi32>
      %squeeze3A_1717 = vector.extract %slice3A_1716[0] : i32 from vector<1xi32>
      %multiple_of3A_1718 = tpu.assume_multiple %squeeze3A_1717, 128 : i32
      %dma_start3A_1719 = arith.constant 0 : i32
      %dma_start3A_1720 = arith.constant 1280 : i32
      %dma_start3A_1721 = tpu.memref_slice %arg8[%dma_start3A_1719, %dma_start3A_1720] : memref<16x2048xf32, #tpu.memory_space<vmem>> -> memref<16x128xf32, #tpu.memory_space<vmem>>
      %dma_start3A_1722 = arith.constant 0 : i32
      %dma_start3A_1723 = tpu.memref_slice %arg3[%dma_start3A_1722, %multiple_of3A_1718] : memref<16x1000001xf32, #tpu.memory_space<hbm>> -> memref<16x128xf32, #tpu.memory_space<hbm>>
      %dma_start3A_1724 = arith.constant 0 : i32
      %dma_start3A_1725 = arith.constant 1280 : i32
      %dma_start3A_1726 = tpu.memref_slice %arg8[%dma_start3A_1724, %dma_start3A_1725] : memref<16x2048xf32, #tpu.memory_space<vmem>> -> memref<16x128xf32, #tpu.memory_space<vmem>>
      %dma_start3A_1727 = arith.constant 0 : i32
      %dma_start3A_1728 = tpu.memref_slice %arg3[%dma_start3A_1727, %multiple_of3A_1718] : memref<16x1000001xf32, #tpu.memory_space<hbm>> -> memref<16x128xf32, #tpu.memory_space<hbm>>
      tpu.enqueue_dma source(%dma_start3A_1728 : memref<16x128xf32, #tpu.memory_space<hbm>>) target(%dma_start3A_1726 : memref<16x128xf32, #tpu.memory_space<vmem>>) target_semaphore(%arg11 : memref<!tpu.dma_semaphore, #tpu.memory_space<semaphore_mem>>)
      %slice3A_1729 = vector.extract_strided_slice %mul3A_1585 {offsets = [11], sizes = [1], strides = [1]} : vector<16xi32> to vector<1xi32>
      %squeeze3A_1730 = vector.extract %slice3A_1729[0] : i32 from vector<1xi32>
      %multiple_of3A_1731 = tpu.assume_multiple %squeeze3A_1730, 128 : i32
      %dma_start3A_1732 = arith.constant 0 : i32
      %dma_start3A_1733 = arith.constant 1408 : i32
      %dma_start3A_1734 = tpu.memref_slice %arg8[%dma_start3A_1732, %dma_start3A_1733] : memref<16x2048xf32, #tpu.memory_space<vmem>> -> memref<16x128xf32, #tpu.memory_space<vmem>>
      %dma_start3A_1735 = arith.constant 0 : i32
      %dma_start3A_1736 = tpu.memref_slice %arg3[%dma_start3A_1735, %multiple_of3A_1731] : memref<16x1000001xf32, #tpu.memory_space<hbm>> -> memref<16x128xf32, #tpu.memory_space<hbm>>
      %dma_start3A_1737 = arith.constant 0 : i32
      %dma_start3A_1738 = arith.constant 1408 : i32
      %dma_start3A_1739 = tpu.memref_slice %arg8[%dma_start3A_1737, %dma_start3A_1738] : memref<16x2048xf32, #tpu.memory_space<vmem>> -> memref<16x128xf32, #tpu.memory_space<vmem>>
      %dma_start3A_1740 = arith.constant 0 : i32
      %dma_start3A_1741 = tpu.memref_slice %arg3[%dma_start3A_1740, %multiple_of3A_1731] : memref<16x1000001xf32, #tpu.memory_space<hbm>> -> memref<16x128xf32, #tpu.memory_space<hbm>>
      tpu.enqueue_dma source(%dma_start3A_1741 : memref<16x128xf32, #tpu.memory_space<hbm>>) target(%dma_start3A_1739 : memref<16x128xf32, #tpu.memory_space<vmem>>) target_semaphore(%arg11 : memref<!tpu.dma_semaphore, #tpu.memory_space<semaphore_mem>>)
      %slice3A_1742 = vector.extract_strided_slice %mul3A_1585 {offsets = [12], sizes = [1], strides = [1]} : vector<16xi32> to vector<1xi32>
      %squeeze3A_1743 = vector.extract %slice3A_1742[0] : i32 from vector<1xi32>
      %multiple_of3A_1744 = tpu.assume_multiple %squeeze3A_1743, 128 : i32
      %dma_start3A_1745 = arith.constant 0 : i32
      %dma_start3A_1746 = arith.constant 1536 : i32
      %dma_start3A_1747 = tpu.memref_slice %arg8[%dma_start3A_1745, %dma_start3A_1746] : memref<16x2048xf32, #tpu.memory_space<vmem>> -> memref<16x128xf32, #tpu.memory_space<vmem>>
      %dma_start3A_1748 = arith.constant 0 : i32
      %dma_start3A_1749 = tpu.memref_slice %arg3[%dma_start3A_1748, %multiple_of3A_1744] : memref<16x1000001xf32, #tpu.memory_space<hbm>> -> memref<16x128xf32, #tpu.memory_space<hbm>>
      %dma_start3A_1750 = arith.constant 0 : i32
      %dma_start3A_1751 = arith.constant 1536 : i32
      %dma_start3A_1752 = tpu.memref_slice %arg8[%dma_start3A_1750, %dma_start3A_1751] : memref<16x2048xf32, #tpu.memory_space<vmem>> -> memref<16x128xf32, #tpu.memory_space<vmem>>
      %dma_start3A_1753 = arith.constant 0 : i32
      %dma_start3A_1754 = tpu.memref_slice %arg3[%dma_start3A_1753, %multiple_of3A_1744] : memref<16x1000001xf32, #tpu.memory_space<hbm>> -> memref<16x128xf32, #tpu.memory_space<hbm>>
      tpu.enqueue_dma source(%dma_start3A_1754 : memref<16x128xf32, #tpu.memory_space<hbm>>) target(%dma_start3A_1752 : memref<16x128xf32, #tpu.memory_space<vmem>>) target_semaphore(%arg11 : memref<!tpu.dma_semaphore, #tpu.memory_space<semaphore_mem>>)
      %slice3A_1755 = vector.extract_strided_slice %mul3A_1585 {offsets = [13], sizes = [1], strides = [1]} : vector<16xi32> to vector<1xi32>
      %squeeze3A_1756 = vector.extract %slice3A_1755[0] : i32 from vector<1xi32>
      %multiple_of3A_1757 = tpu.assume_multiple %squeeze3A_1756, 128 : i32
      %dma_start3A_1758 = arith.constant 0 : i32
      %dma_start3A_1759 = arith.constant 1664 : i32
      %dma_start3A_1760 = tpu.memref_slice %arg8[%dma_start3A_1758, %dma_start3A_1759] : memref<16x2048xf32, #tpu.memory_space<vmem>> -> memref<16x128xf32, #tpu.memory_space<vmem>>
      %dma_start3A_1761 = arith.constant 0 : i32
      %dma_start3A_1762 = tpu.memref_slice %arg3[%dma_start3A_1761, %multiple_of3A_1757] : memref<16x1000001xf32, #tpu.memory_space<hbm>> -> memref<16x128xf32, #tpu.memory_space<hbm>>
      %dma_start3A_1763 = arith.constant 0 : i32
      %dma_start3A_1764 = arith.constant 1664 : i32
      %dma_start3A_1765 = tpu.memref_slice %arg8[%dma_start3A_1763, %dma_start3A_1764] : memref<16x2048xf32, #tpu.memory_space<vmem>> -> memref<16x128xf32, #tpu.memory_space<vmem>>
      %dma_start3A_1766 = arith.constant 0 : i32
      %dma_start3A_1767 = tpu.memref_slice %arg3[%dma_start3A_1766, %multiple_of3A_1757] : memref<16x1000001xf32, #tpu.memory_space<hbm>> -> memref<16x128xf32, #tpu.memory_space<hbm>>
      tpu.enqueue_dma source(%dma_start3A_1767 : memref<16x128xf32, #tpu.memory_space<hbm>>) target(%dma_start3A_1765 : memref<16x128xf32, #tpu.memory_space<vmem>>) target_semaphore(%arg11 : memref<!tpu.dma_semaphore, #tpu.memory_space<semaphore_mem>>)
      %slice3A_1768 = vector.extract_strided_slice %mul3A_1585 {offsets = [14], sizes = [1], strides = [1]} : vector<16xi32> to vector<1xi32>
      %squeeze3A_1769 = vector.extract %slice3A_1768[0] : i32 from vector<1xi32>
      %multiple_of3A_1770 = tpu.assume_multiple %squeeze3A_1769, 128 : i32
      %dma_start3A_1771 = arith.constant 0 : i32
      %dma_start3A_1772 = arith.constant 1792 : i32
      %dma_start3A_1773 = tpu.memref_slice %arg8[%dma_start3A_1771, %dma_start3A_1772] : memref<16x2048xf32, #tpu.memory_space<vmem>> -> memref<16x128xf32, #tpu.memory_space<vmem>>
      %dma_start3A_1774 = arith.constant 0 : i32
      %dma_start3A_1775 = tpu.memref_slice %arg3[%dma_start3A_1774, %multiple_of3A_1770] : memref<16x1000001xf32, #tpu.memory_space<hbm>> -> memref<16x128xf32, #tpu.memory_space<hbm>>
      %dma_start3A_1776 = arith.constant 0 : i32
      %dma_start3A_1777 = arith.constant 1792 : i32
      %dma_start3A_1778 = tpu.memref_slice %arg8[%dma_start3A_1776, %dma_start3A_1777] : memref<16x2048xf32, #tpu.memory_space<vmem>> -> memref<16x128xf32, #tpu.memory_space<vmem>>
      %dma_start3A_1779 = arith.constant 0 : i32
      %dma_start3A_1780 = tpu.memref_slice %arg3[%dma_start3A_1779, %multiple_of3A_1770] : memref<16x1000001xf32, #tpu.memory_space<hbm>> -> memref<16x128xf32, #tpu.memory_space<hbm>>
      tpu.enqueue_dma source(%dma_start3A_1780 : memref<16x128xf32, #tpu.memory_space<hbm>>) target(%dma_start3A_1778 : memref<16x128xf32, #tpu.memory_space<vmem>>) target_semaphore(%arg11 : memref<!tpu.dma_semaphore, #tpu.memory_space<semaphore_mem>>)
      %slice3A_1781 = vector.extract_strided_slice %mul3A_1585 {offsets = [15], sizes = [1], strides = [1]} : vector<16xi32> to vector<1xi32>
      %squeeze3A_1782 = vector.extract %slice3A_1781[0] : i32 from vector<1xi32>
      %multiple_of3A_1783 = tpu.assume_multiple %squeeze3A_1782, 128 : i32
      %dma_start3A_1784 = arith.constant 0 : i32
      %dma_start3A_1785 = arith.constant 1920 : i32
      %dma_start3A_1786 = tpu.memref_slice %arg8[%dma_start3A_1784, %dma_start3A_1785] : memref<16x2048xf32, #tpu.memory_space<vmem>> -> memref<16x128xf32, #tpu.memory_space<vmem>>
      %dma_start3A_1787 = arith.constant 0 : i32
      %dma_start3A_1788 = tpu.memref_slice %arg3[%dma_start3A_1787, %multiple_of3A_1783] : memref<16x1000001xf32, #tpu.memory_space<hbm>> -> memref<16x128xf32, #tpu.memory_space<hbm>>
      %dma_start3A_1789 = arith.constant 0 : i32
      %dma_start3A_1790 = arith.constant 1920 : i32
      %dma_start3A_1791 = tpu.memref_slice %arg8[%dma_start3A_1789, %dma_start3A_1790] : memref<16x2048xf32, #tpu.memory_space<vmem>> -> memref<16x128xf32, #tpu.memory_space<vmem>>
      %dma_start3A_1792 = arith.constant 0 : i32
      %dma_start3A_1793 = tpu.memref_slice %arg3[%dma_start3A_1792, %multiple_of3A_1783] : memref<16x1000001xf32, #tpu.memory_space<hbm>> -> memref<16x128xf32, #tpu.memory_space<hbm>>
      tpu.enqueue_dma source(%dma_start3A_1793 : memref<16x128xf32, #tpu.memory_space<hbm>>) target(%dma_start3A_1791 : memref<16x128xf32, #tpu.memory_space<vmem>>) target_semaphore(%arg11 : memref<!tpu.dma_semaphore, #tpu.memory_space<semaphore_mem>>)
      %dma_wait3A_1794 = arith.constant 0 : i32
      %dma_wait3A_1795 = arith.constant 0 : i32
      %dma_wait3A_1796 = tpu.memref_slice %arg3[%dma_wait3A_1794, %dma_wait3A_1795] : memref<16x1000001xf32, #tpu.memory_space<hbm>> -> memref<16x2048xf32, #tpu.memory_space<hbm>>
      %dma_wait3A_1797 = arith.constant 0 : i32
      %dma_wait3A_1798 = arith.constant 0 : i32
      %dma_wait3A_1799 = tpu.memref_slice %arg3[%dma_wait3A_1797, %dma_wait3A_1798] : memref<16x1000001xf32, #tpu.memory_space<hbm>> -> memref<16x2048xf32, #tpu.memory_space<hbm>>
      tpu.wait_dma2 semaphore(%arg12 : memref<!tpu.dma_semaphore, #tpu.memory_space<semaphore_mem>>) src(%dma_wait3A_1799 : memref<16x2048xf32, #tpu.memory_space<hbm>>) dst(%arg9 : memref<16x2048xf32, #tpu.memory_space<vmem>>)
      %add3A_1800 = arith.constant 2 : i32
      %add3A_1801 = arith.addi %mul3A_743, %add3A_1800 : i32
      %mul3A_1802 = arith.constant 16 : i32
      %mul3A_1803 = arith.muli %add3A_1801, %mul3A_1802 : i32
      %get3A_1804 = arith.index_cast %mul3A_1803 : i32 to index
      %get3A_1805 = tpu.vector_load %arg5[%get3A_1804] {strides = array<i32>} : memref<512xi32, #tpu.memory_space<vmem>>, vector<16xi32>,
      %jit3A_1806 = arith.constant 128 : i32
      %eq3A_1807 = arith.constant 0 : i32
      %eq3A_1808 = arith.cmpi eq, %jit3A_1806, %eq3A_1807 : i32
      %jit3A_1809 = arith.constant 1 : i32
      %select_n3A_1810 = arith.select %eq3A_1808, %jit3A_1809, %jit3A_1806 : i32
      %rem3A_1811 = vector.broadcast %select_n3A_1810 : i32 to vector<16xi32>
      %rem3A_1812 = arith.remsi %get3A_1805, %rem3A_1811 : vector<16xi32>
      %ne3A_1813 = arith.constant 0 : i32
      %ne3A_1814 = vector.broadcast %ne3A_1813 : i32 to vector<16xi32>
      %ne3A_1815 = arith.cmpi ne, %rem3A_1812, %ne3A_1814 : vector<16xi32>
      %lt3A_1816 = arith.constant 0 : i32
      %lt3A_1817 = vector.broadcast %lt3A_1816 : i32 to vector<16xi32>
      %lt3A_1818 = arith.cmpi slt, %rem3A_1812, %lt3A_1817 : vector<16xi32>
      %lt3A_1819 = arith.constant 0 : i32
      %lt3A_1820 = arith.cmpi slt, %select_n3A_1810, %lt3A_1819 : i32
      %ne3A_1821 = vector.broadcast %lt3A_1820 : i1 to vector<16xi1>
      %ne3A_1822 = vector.broadcast %ne3A_1821 : vector<16xi1> to vector<16xi1>
      %ne3A_1823 = arith.xori %lt3A_1818, %ne3A_1822 : vector<16xi1>
      %and3A_1824 = arith.andi %ne3A_1823, %ne3A_1815 : vector<16xi1>
      %add3A_1825 = vector.broadcast %select_n3A_1810 : i32 to vector<16xi32>
      %add3A_1826 = arith.addi %rem3A_1812, %add3A_1825 : vector<16xi32>
      %select_n3A_1827 = arith.select %and3A_1824, %add3A_1826, %rem3A_1812 : vector<16xi1>, vector<16xi32>
      %mul3A_1828 = arith.constant 128 : i32
      %mul3A_1829 = vector.broadcast %mul3A_1828 : i32 to vector<16xi32>
      %mul3A_1830 = arith.muli %mul3A_1829, %iota3A : vector<16xi32>
      %add3A_1831 = arith.addi %select_n3A_1827, %mul3A_1830 : vector<16xi32>
      %broadcast_in_dim3A_1832 = arith.constant 0 : i32
      %broadcast_in_dim3A_1833 = vector.broadcast %broadcast_in_dim3A_1832 : i32 to vector<16xi32>
      %gather3A_1834 = tpu.vector_load_idx %arg9[%broadcast_in_dim3A_1833, %add3A_1831] : memref<16x2048xf32, #tpu.memory_space<vmem>>[vector<16xi32>, vector<16xi32>], vector<16xf32>,
      %mul3A_1835 = arith.constant 16 : i32
      %mul3A_1836 = arith.muli %add3A_1801, %mul3A_1835 : i32
      %add3A_1837 = vector.broadcast %mul3A_1836 : i32 to vector<16xi32>
      %add3A_1838 = arith.addi %add3A_1837, %iota3A : vector<16xi32>
      tpu.vector_store_idx %arg6[%broadcast_in_dim3A_1833, %add3A_1838], %gather3A_1834 : memref<16x512xf32, #tpu.memory_space<vmem>>[vector<16xi32>, vector<16xi32>], vector<16xf32>,
      %broadcast_in_dim3A_1839 = arith.constant 1 : i32
      %broadcast_in_dim3A_1840 = vector.broadcast %broadcast_in_dim3A_1839 : i32 to vector<16xi32>
      %gather3A_1841 = tpu.vector_load_idx %arg9[%broadcast_in_dim3A_1840, %add3A_1831] : memref<16x2048xf32, #tpu.memory_space<vmem>>[vector<16xi32>, vector<16xi32>], vector<16xf32>,
      %mul3A_1842 = arith.constant 16 : i32
      %mul3A_1843 = arith.muli %add3A_1801, %mul3A_1842 : i32
      %add3A_1844 = vector.broadcast %mul3A_1843 : i32 to vector<16xi32>
      %add3A_1845 = arith.addi %add3A_1844, %iota3A : vector<16xi32>
      tpu.vector_store_idx %arg6[%broadcast_in_dim3A_1840, %add3A_1845], %gather3A_1841 : memref<16x512xf32, #tpu.memory_space<vmem>>[vector<16xi32>, vector<16xi32>], vector<16xf32>,
      %broadcast_in_dim3A_1846 = arith.constant 2 : i32
      %broadcast_in_dim3A_1847 = vector.broadcast %broadcast_in_dim3A_1846 : i32 to vector<16xi32>
      %gather3A_1848 = tpu.vector_load_idx %arg9[%broadcast_in_dim3A_1847, %add3A_1831] : memref<16x2048xf32, #tpu.memory_space<vmem>>[vector<16xi32>, vector<16xi32>], vector<16xf32>,
      %mul3A_1849 = arith.constant 16 : i32
      %mul3A_1850 = arith.muli %add3A_1801, %mul3A_1849 : i32
      %add3A_1851 = vector.broadcast %mul3A_1850 : i32 to vector<16xi32>
      %add3A_1852 = arith.addi %add3A_1851, %iota3A : vector<16xi32>
      tpu.vector_store_idx %arg6[%broadcast_in_dim3A_1847, %add3A_1852], %gather3A_1848 : memref<16x512xf32, #tpu.memory_space<vmem>>[vector<16xi32>, vector<16xi32>], vector<16xf32>,
      %broadcast_in_dim3A_1853 = arith.constant 3 : i32
      %broadcast_in_dim3A_1854 = vector.broadcast %broadcast_in_dim3A_1853 : i32 to vector<16xi32>
      %gather3A_1855 = tpu.vector_load_idx %arg9[%broadcast_in_dim3A_1854, %add3A_1831] : memref<16x2048xf32, #tpu.memory_space<vmem>>[vector<16xi32>, vector<16xi32>], vector<16xf32>,
      %mul3A_1856 = arith.constant 16 : i32
      %mul3A_1857 = arith.muli %add3A_1801, %mul3A_1856 : i32
      %add3A_1858 = vector.broadcast %mul3A_1857 : i32 to vector<16xi32>
      %add3A_1859 = arith.addi %add3A_1858, %iota3A : vector<16xi32>
      tpu.vector_store_idx %arg6[%broadcast_in_dim3A_1854, %add3A_1859], %gather3A_1855 : memref<16x512xf32, #tpu.memory_space<vmem>>[vector<16xi32>, vector<16xi32>], vector<16xf32>,
      %broadcast_in_dim3A_1860 = arith.constant 4 : i32
      %broadcast_in_dim3A_1861 = vector.broadcast %broadcast_in_dim3A_1860 : i32 to vector<16xi32>
      %gather3A_1862 = tpu.vector_load_idx %arg9[%broadcast_in_dim3A_1861, %add3A_1831] : memref<16x2048xf32, #tpu.memory_space<vmem>>[vector<16xi32>, vector<16xi32>], vector<16xf32>,
      %mul3A_1863 = arith.constant 16 : i32
      %mul3A_1864 = arith.muli %add3A_1801, %mul3A_1863 : i32
      %add3A_1865 = vector.broadcast %mul3A_1864 : i32 to vector<16xi32>
      %add3A_1866 = arith.addi %add3A_1865, %iota3A : vector<16xi32>
      tpu.vector_store_idx %arg6[%broadcast_in_dim3A_1861, %add3A_1866], %gather3A_1862 : memref<16x512xf32, #tpu.memory_space<vmem>>[vector<16xi32>, vector<16xi32>], vector<16xf32>,
      %broadcast_in_dim3A_1867 = arith.constant 5 : i32
      %broadcast_in_dim3A_1868 = vector.broadcast %broadcast_in_dim3A_1867 : i32 to vector<16xi32>
      %gather3A_1869 = tpu.vector_load_idx %arg9[%broadcast_in_dim3A_1868, %add3A_1831] : memref<16x2048xf32, #tpu.memory_space<vmem>>[vector<16xi32>, vector<16xi32>], vector<16xf32>,
      %mul3A_1870 = arith.constant 16 : i32
      %mul3A_1871 = arith.muli %add3A_1801, %mul3A_1870 : i32
      %add3A_1872 = vector.broadcast %mul3A_1871 : i32 to vector<16xi32>
      %add3A_1873 = arith.addi %add3A_1872, %iota3A : vector<16xi32>
      tpu.vector_store_idx %arg6[%broadcast_in_dim3A_1868, %add3A_1873], %gather3A_1869 : memref<16x512xf32, #tpu.memory_space<vmem>>[vector<16xi32>, vector<16xi32>], vector<16xf32>,
      %broadcast_in_dim3A_1874 = arith.constant 6 : i32
      %broadcast_in_dim3A_1875 = vector.broadcast %broadcast_in_dim3A_1874 : i32 to vector<16xi32>
      %gather3A_1876 = tpu.vector_load_idx %arg9[%broadcast_in_dim3A_1875, %add3A_1831] : memref<16x2048xf32, #tpu.memory_space<vmem>>[vector<16xi32>, vector<16xi32>], vector<16xf32>,
      %mul3A_1877 = arith.constant 16 : i32
      %mul3A_1878 = arith.muli %add3A_1801, %mul3A_1877 : i32
      %add3A_1879 = vector.broadcast %mul3A_1878 : i32 to vector<16xi32>
      %add3A_1880 = arith.addi %add3A_1879, %iota3A : vector<16xi32>
      tpu.vector_store_idx %arg6[%broadcast_in_dim3A_1875, %add3A_1880], %gather3A_1876 : memref<16x512xf32, #tpu.memory_space<vmem>>[vector<16xi32>, vector<16xi32>], vector<16xf32>,
      %broadcast_in_dim3A_1881 = arith.constant 7 : i32
      %broadcast_in_dim3A_1882 = vector.broadcast %broadcast_in_dim3A_1881 : i32 to vector<16xi32>
      %gather3A_1883 = tpu.vector_load_idx %arg9[%broadcast_in_dim3A_1882, %add3A_1831] : memref<16x2048xf32, #tpu.memory_space<vmem>>[vector<16xi32>, vector<16xi32>], vector<16xf32>,
      %mul3A_1884 = arith.constant 16 : i32
      %mul3A_1885 = arith.muli %add3A_1801, %mul3A_1884 : i32
      %add3A_1886 = vector.broadcast %mul3A_1885 : i32 to vector<16xi32>
      %add3A_1887 = arith.addi %add3A_1886, %iota3A : vector<16xi32>
      tpu.vector_store_idx %arg6[%broadcast_in_dim3A_1882, %add3A_1887], %gather3A_1883 : memref<16x512xf32, #tpu.memory_space<vmem>>[vector<16xi32>, vector<16xi32>], vector<16xf32>,
      %broadcast_in_dim3A_1888 = arith.constant 8 : i32
      %broadcast_in_dim3A_1889 = vector.broadcast %broadcast_in_dim3A_1888 : i32 to vector<16xi32>
      %gather3A_1890 = tpu.vector_load_idx %arg9[%broadcast_in_dim3A_1889, %add3A_1831] : memref<16x2048xf32, #tpu.memory_space<vmem>>[vector<16xi32>, vector<16xi32>], vector<16xf32>,
      %mul3A_1891 = arith.constant 16 : i32
      %mul3A_1892 = arith.muli %add3A_1801, %mul3A_1891 : i32
      %add3A_1893 = vector.broadcast %mul3A_1892 : i32 to vector<16xi32>
      %add3A_1894 = arith.addi %add3A_1893, %iota3A : vector<16xi32>
      tpu.vector_store_idx %arg6[%broadcast_in_dim3A_1889, %add3A_1894], %gather3A_1890 : memref<16x512xf32, #tpu.memory_space<vmem>>[vector<16xi32>, vector<16xi32>], vector<16xf32>,
      %broadcast_in_dim3A_1895 = arith.constant 9 : i32
      %broadcast_in_dim3A_1896 = vector.broadcast %broadcast_in_dim3A_1895 : i32 to vector<16xi32>
      %gather3A_1897 = tpu.vector_load_idx %arg9[%broadcast_in_dim3A_1896, %add3A_1831] : memref<16x2048xf32, #tpu.memory_space<vmem>>[vector<16xi32>, vector<16xi32>], vector<16xf32>,
      %mul3A_1898 = arith.constant 16 : i32
      %mul3A_1899 = arith.muli %add3A_1801, %mul3A_1898 : i32
      %add3A_1900 = vector.broadcast %mul3A_1899 : i32 to vector<16xi32>
      %add3A_1901 = arith.addi %add3A_1900, %iota3A : vector<16xi32>
      tpu.vector_store_idx %arg6[%broadcast_in_dim3A_1896, %add3A_1901], %gather3A_1897 : memref<16x512xf32, #tpu.memory_space<vmem>>[vector<16xi32>, vector<16xi32>], vector<16xf32>,
      %broadcast_in_dim3A_1902 = arith.constant 10 : i32
      %broadcast_in_dim3A_1903 = vector.broadcast %broadcast_in_dim3A_1902 : i32 to vector<16xi32>
      %gather3A_1904 = tpu.vector_load_idx %arg9[%broadcast_in_dim3A_1903, %add3A_1831] : memref<16x2048xf32, #tpu.memory_space<vmem>>[vector<16xi32>, vector<16xi32>], vector<16xf32>,
      %mul3A_1905 = arith.constant 16 : i32
      %mul3A_1906 = arith.muli %add3A_1801, %mul3A_1905 : i32
      %add3A_1907 = vector.broadcast %mul3A_1906 : i32 to vector<16xi32>
      %add3A_1908 = arith.addi %add3A_1907, %iota3A : vector<16xi32>
      tpu.vector_store_idx %arg6[%broadcast_in_dim3A_1903, %add3A_1908], %gather3A_1904 : memref<16x512xf32, #tpu.memory_space<vmem>>[vector<16xi32>, vector<16xi32>], vector<16xf32>,
      %broadcast_in_dim3A_1909 = arith.constant 11 : i32
      %broadcast_in_dim3A_1910 = vector.broadcast %broadcast_in_dim3A_1909 : i32 to vector<16xi32>
      %gather3A_1911 = tpu.vector_load_idx %arg9[%broadcast_in_dim3A_1910, %add3A_1831] : memref<16x2048xf32, #tpu.memory_space<vmem>>[vector<16xi32>, vector<16xi32>], vector<16xf32>,
      %mul3A_1912 = arith.constant 16 : i32
      %mul3A_1913 = arith.muli %add3A_1801, %mul3A_1912 : i32
      %add3A_1914 = vector.broadcast %mul3A_1913 : i32 to vector<16xi32>
      %add3A_1915 = arith.addi %add3A_1914, %iota3A : vector<16xi32>
      tpu.vector_store_idx %arg6[%broadcast_in_dim3A_1910, %add3A_1915], %gather3A_1911 : memref<16x512xf32, #tpu.memory_space<vmem>>[vector<16xi32>, vector<16xi32>], vector<16xf32>,
      %broadcast_in_dim3A_1916 = arith.constant 12 : i32
      %broadcast_in_dim3A_1917 = vector.broadcast %broadcast_in_dim3A_1916 : i32 to vector<16xi32>
      %gather3A_1918 = tpu.vector_load_idx %arg9[%broadcast_in_dim3A_1917, %add3A_1831] : memref<16x2048xf32, #tpu.memory_space<vmem>>[vector<16xi32>, vector<16xi32>], vector<16xf32>,
      %mul3A_1919 = arith.constant 16 : i32
      %mul3A_1920 = arith.muli %add3A_1801, %mul3A_1919 : i32
      %add3A_1921 = vector.broadcast %mul3A_1920 : i32 to vector<16xi32>
      %add3A_1922 = arith.addi %add3A_1921, %iota3A : vector<16xi32>
      tpu.vector_store_idx %arg6[%broadcast_in_dim3A_1917, %add3A_1922], %gather3A_1918 : memref<16x512xf32, #tpu.memory_space<vmem>>[vector<16xi32>, vector<16xi32>], vector<16xf32>,
      %broadcast_in_dim3A_1923 = arith.constant 13 : i32
      %broadcast_in_dim3A_1924 = vector.broadcast %broadcast_in_dim3A_1923 : i32 to vector<16xi32>
      %gather3A_1925 = tpu.vector_load_idx %arg9[%broadcast_in_dim3A_1924, %add3A_1831] : memref<16x2048xf32, #tpu.memory_space<vmem>>[vector<16xi32>, vector<16xi32>], vector<16xf32>,
      %mul3A_1926 = arith.constant 16 : i32
      %mul3A_1927 = arith.muli %add3A_1801, %mul3A_1926 : i32
      %add3A_1928 = vector.broadcast %mul3A_1927 : i32 to vector<16xi32>
      %add3A_1929 = arith.addi %add3A_1928, %iota3A : vector<16xi32>
      tpu.vector_store_idx %arg6[%broadcast_in_dim3A_1924, %add3A_1929], %gather3A_1925 : memref<16x512xf32, #tpu.memory_space<vmem>>[vector<16xi32>, vector<16xi32>], vector<16xf32>,
      %broadcast_in_dim3A_1930 = arith.constant 14 : i32
      %broadcast_in_dim3A_1931 = vector.broadcast %broadcast_in_dim3A_1930 : i32 to vector<16xi32>
      %gather3A_1932 = tpu.vector_load_idx %arg9[%broadcast_in_dim3A_1931, %add3A_1831] : memref<16x2048xf32, #tpu.memory_space<vmem>>[vector<16xi32>, vector<16xi32>], vector<16xf32>,
      %mul3A_1933 = arith.constant 16 : i32
      %mul3A_1934 = arith.muli %add3A_1801, %mul3A_1933 : i32
      %add3A_1935 = vector.broadcast %mul3A_1934 : i32 to vector<16xi32>
      %add3A_1936 = arith.addi %add3A_1935, %iota3A : vector<16xi32>
      tpu.vector_store_idx %arg6[%broadcast_in_dim3A_1931, %add3A_1936], %gather3A_1932 : memref<16x512xf32, #tpu.memory_space<vmem>>[vector<16xi32>, vector<16xi32>], vector<16xf32>,
      %broadcast_in_dim3A_1937 = arith.constant 15 : i32
      %broadcast_in_dim3A_1938 = vector.broadcast %broadcast_in_dim3A_1937 : i32 to vector<16xi32>
      %gather3A_1939 = tpu.vector_load_idx %arg9[%broadcast_in_dim3A_1938, %add3A_1831] : memref<16x2048xf32, #tpu.memory_space<vmem>>[vector<16xi32>, vector<16xi32>], vector<16xf32>,
      %mul3A_1940 = arith.constant 16 : i32
      %mul3A_1941 = arith.muli %add3A_1801, %mul3A_1940 : i32
      %add3A_1942 = vector.broadcast %mul3A_1941 : i32 to vector<16xi32>
      %add3A_1943 = arith.addi %add3A_1942, %iota3A : vector<16xi32>
      tpu.vector_store_idx %arg6[%broadcast_in_dim3A_1938, %add3A_1943], %gather3A_1939 : memref<16x512xf32, #tpu.memory_space<vmem>>[vector<16xi32>, vector<16xi32>], vector<16xf32>,
    }
    %scan3A_481 = arith.constant 10 : i32
    %dma_wait3A = arith.constant 0 : i32
    %dma_wait3A_482 = arith.constant 0 : i32
    %dma_wait3A_483 = tpu.memref_slice %arg3[%dma_wait3A, %dma_wait3A_482] : memref<16x1000001xf32, #tpu.memory_space<hbm>> -> memref<16x2048xf32, #tpu.memory_space<hbm>>
    %dma_wait3A_484 = arith.constant 0 : i32
    %dma_wait3A_485 = arith.constant 0 : i32
    %dma_wait3A_486 = tpu.memref_slice %arg3[%dma_wait3A_484, %dma_wait3A_485] : memref<16x1000001xf32, #tpu.memory_space<hbm>> -> memref<16x2048xf32, #tpu.memory_space<hbm>>
    tpu.wait_dma2 semaphore(%arg10 : memref<!tpu.dma_semaphore, #tpu.memory_space<semaphore_mem>>) src(%dma_wait3A_486 : memref<16x2048xf32, #tpu.memory_space<hbm>>) dst(%arg7 : memref<16x2048xf32, #tpu.memory_space<vmem>>)
    %get3A_487 = arith.constant 480 : index
    %get3A_488 = tpu.vector_load %arg5[%get3A_487] {strides = array<i32>} : memref<512xi32, #tpu.memory_space<vmem>>, vector<16xi32>,
    %jit3A_489 = arith.constant 128 : i32
    %eq3A = arith.constant 0 : i32
    %eq3A_490 = arith.cmpi eq, %jit3A_489, %eq3A : i32
    %jit3A_491 = arith.constant 1 : i32
    %select_n3A_492 = arith.select %eq3A_490, %jit3A_491, %jit3A_489 : i32
    %rem3A_493 = vector.broadcast %select_n3A_492 : i32 to vector<16xi32>
    %rem3A_494 = arith.remsi %get3A_488, %rem3A_493 : vector<16xi32>
    %ne3A_495 = arith.constant 0 : i32
    %ne3A_496 = vector.broadcast %ne3A_495 : i32 to vector<16xi32>
    %ne3A_497 = arith.cmpi ne, %rem3A_494, %ne3A_496 : vector<16xi32>
    %lt3A = arith.constant 0 : i32
    %lt3A_498 = vector.broadcast %lt3A : i32 to vector<16xi32>
    %lt3A_499 = arith.cmpi slt, %rem3A_494, %lt3A_498 : vector<16xi32>
    %lt3A_500 = arith.constant 0 : i32
    %lt3A_501 = arith.cmpi slt, %select_n3A_492, %lt3A_500 : i32
    %ne3A_502 = vector.broadcast %lt3A_501 : i1 to vector<16xi1>
    %ne3A_503 = vector.broadcast %ne3A_502 : vector<16xi1> to vector<16xi1>
    %ne3A_504 = arith.xori %lt3A_499, %ne3A_503 : vector<16xi1>
    %and3A_505 = arith.andi %ne3A_504, %ne3A_497 : vector<16xi1>
    %add3A_506 = vector.broadcast %select_n3A_492 : i32 to vector<16xi32>
    %add3A_507 = arith.addi %rem3A_494, %add3A_506 : vector<16xi32>
    %select_n3A_508 = arith.select %and3A_505, %add3A_507, %rem3A_494 : vector<16xi1>, vector<16xi32>
    %mul3A_509 = arith.constant 128 : i32
    %mul3A_510 = vector.broadcast %mul3A_509 : i32 to vector<16xi32>
    %mul3A_511 = arith.muli %mul3A_510, %iota3A : vector<16xi32>
    %add3A_512 = arith.addi %select_n3A_508, %mul3A_511 : vector<16xi32>
    %broadcast_in_dim3A = arith.constant 0 : i32
    %broadcast_in_dim3A_513 = vector.broadcast %broadcast_in_dim3A : i32 to vector<16xi32>
    %gather3A = tpu.vector_load_idx %arg7[%broadcast_in_dim3A_513, %add3A_512] : memref<16x2048xf32, #tpu.memory_space<vmem>>[vector<16xi32>, vector<16xi32>], vector<16xf32>,
    %add3A_514 = arith.constant 480 : i32
    %add3A_515 = vector.broadcast %add3A_514 : i32 to vector<16xi32>
    %add3A_516 = arith.addi %add3A_515, %iota3A : vector<16xi32>
    tpu.vector_store_idx %arg6[%broadcast_in_dim3A_513, %add3A_516], %gather3A : memref<16x512xf32, #tpu.memory_space<vmem>>[vector<16xi32>, vector<16xi32>], vector<16xf32>,
    %broadcast_in_dim3A_517 = arith.constant 1 : i32
    %broadcast_in_dim3A_518 = vector.broadcast %broadcast_in_dim3A_517 : i32 to vector<16xi32>
    %gather3A_519 = tpu.vector_load_idx %arg7[%broadcast_in_dim3A_518, %add3A_512] : memref<16x2048xf32, #tpu.memory_space<vmem>>[vector<16xi32>, vector<16xi32>], vector<16xf32>,
    %add3A_520 = arith.constant 480 : i32
    %add3A_521 = vector.broadcast %add3A_520 : i32 to vector<16xi32>
    %add3A_522 = arith.addi %add3A_521, %iota3A : vector<16xi32>
    tpu.vector_store_idx %arg6[%broadcast_in_dim3A_518, %add3A_522], %gather3A_519 : memref<16x512xf32, #tpu.memory_space<vmem>>[vector<16xi32>, vector<16xi32>], vector<16xf32>,
    %broadcast_in_dim3A_523 = arith.constant 2 : i32
    %broadcast_in_dim3A_524 = vector.broadcast %broadcast_in_dim3A_523 : i32 to vector<16xi32>
    %gather3A_525 = tpu.vector_load_idx %arg7[%broadcast_in_dim3A_524, %add3A_512] : memref<16x2048xf32, #tpu.memory_space<vmem>>[vector<16xi32>, vector<16xi32>], vector<16xf32>,
    %add3A_526 = arith.constant 480 : i32
    %add3A_527 = vector.broadcast %add3A_526 : i32 to vector<16xi32>
    %add3A_528 = arith.addi %add3A_527, %iota3A : vector<16xi32>
    tpu.vector_store_idx %arg6[%broadcast_in_dim3A_524, %add3A_528], %gather3A_525 : memref<16x512xf32, #tpu.memory_space<vmem>>[vector<16xi32>, vector<16xi32>], vector<16xf32>,
    %broadcast_in_dim3A_529 = arith.constant 3 : i32
    %broadcast_in_dim3A_530 = vector.broadcast %broadcast_in_dim3A_529 : i32 to vector<16xi32>
    %gather3A_531 = tpu.vector_load_idx %arg7[%broadcast_in_dim3A_530, %add3A_512] : memref<16x2048xf32, #tpu.memory_space<vmem>>[vector<16xi32>, vector<16xi32>], vector<16xf32>,
    %add3A_532 = arith.constant 480 : i32
    %add3A_533 = vector.broadcast %add3A_532 : i32 to vector<16xi32>
    %add3A_534 = arith.addi %add3A_533, %iota3A : vector<16xi32>
    tpu.vector_store_idx %arg6[%broadcast_in_dim3A_530, %add3A_534], %gather3A_531 : memref<16x512xf32, #tpu.memory_space<vmem>>[vector<16xi32>, vector<16xi32>], vector<16xf32>,
    %broadcast_in_dim3A_535 = arith.constant 4 : i32
    %broadcast_in_dim3A_536 = vector.broadcast %broadcast_in_dim3A_535 : i32 to vector<16xi32>
    %gather3A_537 = tpu.vector_load_idx %arg7[%broadcast_in_dim3A_536, %add3A_512] : memref<16x2048xf32, #tpu.memory_space<vmem>>[vector<16xi32>, vector<16xi32>], vector<16xf32>,
    %add3A_538 = arith.constant 480 : i32
    %add3A_539 = vector.broadcast %add3A_538 : i32 to vector<16xi32>
    %add3A_540 = arith.addi %add3A_539, %iota3A : vector<16xi32>
    tpu.vector_store_idx %arg6[%broadcast_in_dim3A_536, %add3A_540], %gather3A_537 : memref<16x512xf32, #tpu.memory_space<vmem>>[vector<16xi32>, vector<16xi32>], vector<16xf32>,
    %broadcast_in_dim3A_541 = arith.constant 5 : i32
    %broadcast_in_dim3A_542 = vector.broadcast %broadcast_in_dim3A_541 : i32 to vector<16xi32>
    %gather3A_543 = tpu.vector_load_idx %arg7[%broadcast_in_dim3A_542, %add3A_512] : memref<16x2048xf32, #tpu.memory_space<vmem>>[vector<16xi32>, vector<16xi32>], vector<16xf32>,
    %add3A_544 = arith.constant 480 : i32
    %add3A_545 = vector.broadcast %add3A_544 : i32 to vector<16xi32>
    %add3A_546 = arith.addi %add3A_545, %iota3A : vector<16xi32>
    tpu.vector_store_idx %arg6[%broadcast_in_dim3A_542, %add3A_546], %gather3A_543 : memref<16x512xf32, #tpu.memory_space<vmem>>[vector<16xi32>, vector<16xi32>], vector<16xf32>,
    %broadcast_in_dim3A_547 = arith.constant 6 : i32
    %broadcast_in_dim3A_548 = vector.broadcast %broadcast_in_dim3A_547 : i32 to vector<16xi32>
    %gather3A_549 = tpu.vector_load_idx %arg7[%broadcast_in_dim3A_548, %add3A_512] : memref<16x2048xf32, #tpu.memory_space<vmem>>[vector<16xi32>, vector<16xi32>], vector<16xf32>,
    %add3A_550 = arith.constant 480 : i32
    %add3A_551 = vector.broadcast %add3A_550 : i32 to vector<16xi32>
    %add3A_552 = arith.addi %add3A_551, %iota3A : vector<16xi32>
    tpu.vector_store_idx %arg6[%broadcast_in_dim3A_548, %add3A_552], %gather3A_549 : memref<16x512xf32, #tpu.memory_space<vmem>>[vector<16xi32>, vector<16xi32>], vector<16xf32>,
    %broadcast_in_dim3A_553 = arith.constant 7 : i32
    %broadcast_in_dim3A_554 = vector.broadcast %broadcast_in_dim3A_553 : i32 to vector<16xi32>
    %gather3A_555 = tpu.vector_load_idx %arg7[%broadcast_in_dim3A_554, %add3A_512] : memref<16x2048xf32, #tpu.memory_space<vmem>>[vector<16xi32>, vector<16xi32>], vector<16xf32>,
    %add3A_556 = arith.constant 480 : i32
    %add3A_557 = vector.broadcast %add3A_556 : i32 to vector<16xi32>
    %add3A_558 = arith.addi %add3A_557, %iota3A : vector<16xi32>
    tpu.vector_store_idx %arg6[%broadcast_in_dim3A_554, %add3A_558], %gather3A_555 : memref<16x512xf32, #tpu.memory_space<vmem>>[vector<16xi32>, vector<16xi32>], vector<16xf32>,
    %broadcast_in_dim3A_559 = arith.constant 8 : i32
    %broadcast_in_dim3A_560 = vector.broadcast %broadcast_in_dim3A_559 : i32 to vector<16xi32>
    %gather3A_561 = tpu.vector_load_idx %arg7[%broadcast_in_dim3A_560, %add3A_512] : memref<16x2048xf32, #tpu.memory_space<vmem>>[vector<16xi32>, vector<16xi32>], vector<16xf32>,
    %add3A_562 = arith.constant 480 : i32
    %add3A_563 = vector.broadcast %add3A_562 : i32 to vector<16xi32>
    %add3A_564 = arith.addi %add3A_563, %iota3A : vector<16xi32>
    tpu.vector_store_idx %arg6[%broadcast_in_dim3A_560, %add3A_564], %gather3A_561 : memref<16x512xf32, #tpu.memory_space<vmem>>[vector<16xi32>, vector<16xi32>], vector<16xf32>,
    %broadcast_in_dim3A_565 = arith.constant 9 : i32
    %broadcast_in_dim3A_566 = vector.broadcast %broadcast_in_dim3A_565 : i32 to vector<16xi32>
    %gather3A_567 = tpu.vector_load_idx %arg7[%broadcast_in_dim3A_566, %add3A_512] : memref<16x2048xf32, #tpu.memory_space<vmem>>[vector<16xi32>, vector<16xi32>], vector<16xf32>,
    %add3A_568 = arith.constant 480 : i32
    %add3A_569 = vector.broadcast %add3A_568 : i32 to vector<16xi32>
    %add3A_570 = arith.addi %add3A_569, %iota3A : vector<16xi32>
    tpu.vector_store_idx %arg6[%broadcast_in_dim3A_566, %add3A_570], %gather3A_567 : memref<16x512xf32, #tpu.memory_space<vmem>>[vector<16xi32>, vector<16xi32>], vector<16xf32>,
    %broadcast_in_dim3A_571 = arith.constant 10 : i32
    %broadcast_in_dim3A_572 = vector.broadcast %broadcast_in_dim3A_571 : i32 to vector<16xi32>
    %gather3A_573 = tpu.vector_load_idx %arg7[%broadcast_in_dim3A_572, %add3A_512] : memref<16x2048xf32, #tpu.memory_space<vmem>>[vector<16xi32>, vector<16xi32>], vector<16xf32>,
    %add3A_574 = arith.constant 480 : i32
    %add3A_575 = vector.broadcast %add3A_574 : i32 to vector<16xi32>
    %add3A_576 = arith.addi %add3A_575, %iota3A : vector<16xi32>
    tpu.vector_store_idx %arg6[%broadcast_in_dim3A_572, %add3A_576], %gather3A_573 : memref<16x512xf32, #tpu.memory_space<vmem>>[vector<16xi32>, vector<16xi32>], vector<16xf32>,
    %broadcast_in_dim3A_577 = arith.constant 11 : i32
    %broadcast_in_dim3A_578 = vector.broadcast %broadcast_in_dim3A_577 : i32 to vector<16xi32>
    %gather3A_579 = tpu.vector_load_idx %arg7[%broadcast_in_dim3A_578, %add3A_512] : memref<16x2048xf32, #tpu.memory_space<vmem>>[vector<16xi32>, vector<16xi32>], vector<16xf32>,
    %add3A_580 = arith.constant 480 : i32
    %add3A_581 = vector.broadcast %add3A_580 : i32 to vector<16xi32>
    %add3A_582 = arith.addi %add3A_581, %iota3A : vector<16xi32>
    tpu.vector_store_idx %arg6[%broadcast_in_dim3A_578, %add3A_582], %gather3A_579 : memref<16x512xf32, #tpu.memory_space<vmem>>[vector<16xi32>, vector<16xi32>], vector<16xf32>,
    %broadcast_in_dim3A_583 = arith.constant 12 : i32
    %broadcast_in_dim3A_584 = vector.broadcast %broadcast_in_dim3A_583 : i32 to vector<16xi32>
    %gather3A_585 = tpu.vector_load_idx %arg7[%broadcast_in_dim3A_584, %add3A_512] : memref<16x2048xf32, #tpu.memory_space<vmem>>[vector<16xi32>, vector<16xi32>], vector<16xf32>,
    %add3A_586 = arith.constant 480 : i32
    %add3A_587 = vector.broadcast %add3A_586 : i32 to vector<16xi32>
    %add3A_588 = arith.addi %add3A_587, %iota3A : vector<16xi32>
    tpu.vector_store_idx %arg6[%broadcast_in_dim3A_584, %add3A_588], %gather3A_585 : memref<16x512xf32, #tpu.memory_space<vmem>>[vector<16xi32>, vector<16xi32>], vector<16xf32>,
    %broadcast_in_dim3A_589 = arith.constant 13 : i32
    %broadcast_in_dim3A_590 = vector.broadcast %broadcast_in_dim3A_589 : i32 to vector<16xi32>
    %gather3A_591 = tpu.vector_load_idx %arg7[%broadcast_in_dim3A_590, %add3A_512] : memref<16x2048xf32, #tpu.memory_space<vmem>>[vector<16xi32>, vector<16xi32>], vector<16xf32>,
    %add3A_592 = arith.constant 480 : i32
    %add3A_593 = vector.broadcast %add3A_592 : i32 to vector<16xi32>
    %add3A_594 = arith.addi %add3A_593, %iota3A : vector<16xi32>
    tpu.vector_store_idx %arg6[%broadcast_in_dim3A_590, %add3A_594], %gather3A_591 : memref<16x512xf32, #tpu.memory_space<vmem>>[vector<16xi32>, vector<16xi32>], vector<16xf32>,
    %broadcast_in_dim3A_595 = arith.constant 14 : i32
    %broadcast_in_dim3A_596 = vector.broadcast %broadcast_in_dim3A_595 : i32 to vector<16xi32>
    %gather3A_597 = tpu.vector_load_idx %arg7[%broadcast_in_dim3A_596, %add3A_512] : memref<16x2048xf32, #tpu.memory_space<vmem>>[vector<16xi32>, vector<16xi32>], vector<16xf32>,
    %add3A_598 = arith.constant 480 : i32
    %add3A_599 = vector.broadcast %add3A_598 : i32 to vector<16xi32>
    %add3A_600 = arith.addi %add3A_599, %iota3A : vector<16xi32>
    tpu.vector_store_idx %arg6[%broadcast_in_dim3A_596, %add3A_600], %gather3A_597 : memref<16x512xf32, #tpu.memory_space<vmem>>[vector<16xi32>, vector<16xi32>], vector<16xf32>,
    %broadcast_in_dim3A_601 = arith.constant 15 : i32
    %broadcast_in_dim3A_602 = vector.broadcast %broadcast_in_dim3A_601 : i32 to vector<16xi32>
    %gather3A_603 = tpu.vector_load_idx %arg7[%broadcast_in_dim3A_602, %add3A_512] : memref<16x2048xf32, #tpu.memory_space<vmem>>[vector<16xi32>, vector<16xi32>], vector<16xf32>,
    %add3A_604 = arith.constant 480 : i32
    %add3A_605 = vector.broadcast %add3A_604 : i32 to vector<16xi32>
    %add3A_606 = arith.addi %add3A_605, %iota3A : vector<16xi32>
    tpu.vector_store_idx %arg6[%broadcast_in_dim3A_602, %add3A_606], %gather3A_603 : memref<16x512xf32, #tpu.memory_space<vmem>>[vector<16xi32>, vector<16xi32>], vector<16xf32>,
    %dma_wait3A_607 = arith.constant 0 : i32
    %dma_wait3A_608 = arith.constant 0 : i32
    %dma_wait3A_609 = tpu.memref_slice %arg3[%dma_wait3A_607, %dma_wait3A_608] : memref<16x1000001xf32, #tpu.memory_space<hbm>> -> memref<16x2048xf32, #tpu.memory_space<hbm>>
    %dma_wait3A_610 = arith.constant 0 : i32
    %dma_wait3A_611 = arith.constant 0 : i32
    %dma_wait3A_612 = tpu.memref_slice %arg3[%dma_wait3A_610, %dma_wait3A_611] : memref<16x1000001xf32, #tpu.memory_space<hbm>> -> memref<16x2048xf32, #tpu.memory_space<hbm>>
    tpu.wait_dma2 semaphore(%arg11 : memref<!tpu.dma_semaphore, #tpu.memory_space<semaphore_mem>>) src(%dma_wait3A_612 : memref<16x2048xf32, #tpu.memory_space<hbm>>) dst(%arg8 : memref<16x2048xf32, #tpu.memory_space<vmem>>)
    %get3A_613 = arith.constant 496 : index
    %get3A_614 = tpu.vector_load %arg5[%get3A_613] {strides = array<i32>} : memref<512xi32, #tpu.memory_space<vmem>>, vector<16xi32>,
    %jit3A_615 = arith.constant 128 : i32
    %eq3A_616 = arith.constant 0 : i32
    %eq3A_617 = arith.cmpi eq, %jit3A_615, %eq3A_616 : i32
    %jit3A_618 = arith.constant 1 : i32
    %select_n3A_619 = arith.select %eq3A_617, %jit3A_618, %jit3A_615 : i32
    %rem3A_620 = vector.broadcast %select_n3A_619 : i32 to vector<16xi32>
    %rem3A_621 = arith.remsi %get3A_614, %rem3A_620 : vector<16xi32>
    %ne3A_622 = arith.constant 0 : i32
    %ne3A_623 = vector.broadcast %ne3A_622 : i32 to vector<16xi32>
    %ne3A_624 = arith.cmpi ne, %rem3A_621, %ne3A_623 : vector<16xi32>
    %lt3A_625 = arith.constant 0 : i32
    %lt3A_626 = vector.broadcast %lt3A_625 : i32 to vector<16xi32>
    %lt3A_627 = arith.cmpi slt, %rem3A_621, %lt3A_626 : vector<16xi32>
    %lt3A_628 = arith.constant 0 : i32
    %lt3A_629 = arith.cmpi slt, %select_n3A_619, %lt3A_628 : i32
    %ne3A_630 = vector.broadcast %lt3A_629 : i1 to vector<16xi1>
    %ne3A_631 = vector.broadcast %ne3A_630 : vector<16xi1> to vector<16xi1>
    %ne3A_632 = arith.xori %lt3A_627, %ne3A_631 : vector<16xi1>
    %and3A_633 = arith.andi %ne3A_632, %ne3A_624 : vector<16xi1>
    %add3A_634 = vector.broadcast %select_n3A_619 : i32 to vector<16xi32>
    %add3A_635 = arith.addi %rem3A_621, %add3A_634 : vector<16xi32>
    %select_n3A_636 = arith.select %and3A_633, %add3A_635, %rem3A_621 : vector<16xi1>, vector<16xi32>
    %mul3A_637 = arith.constant 128 : i32
    %mul3A_638 = vector.broadcast %mul3A_637 : i32 to vector<16xi32>
    %mul3A_639 = arith.muli %mul3A_638, %iota3A : vector<16xi32>
    %add3A_640 = arith.addi %select_n3A_636, %mul3A_639 : vector<16xi32>
    %broadcast_in_dim3A_641 = arith.constant 0 : i32
    %broadcast_in_dim3A_642 = vector.broadcast %broadcast_in_dim3A_641 : i32 to vector<16xi32>
    %gather3A_643 = tpu.vector_load_idx %arg8[%broadcast_in_dim3A_642, %add3A_640] : memref<16x2048xf32, #tpu.memory_space<vmem>>[vector<16xi32>, vector<16xi32>], vector<16xf32>,
    %add3A_644 = arith.constant 496 : i32
    %add3A_645 = vector.broadcast %add3A_644 : i32 to vector<16xi32>
    %add3A_646 = arith.addi %add3A_645, %iota3A : vector<16xi32>
    tpu.vector_store_idx %arg6[%broadcast_in_dim3A_642, %add3A_646], %gather3A_643 : memref<16x512xf32, #tpu.memory_space<vmem>>[vector<16xi32>, vector<16xi32>], vector<16xf32>,
    %broadcast_in_dim3A_647 = arith.constant 1 : i32
    %broadcast_in_dim3A_648 = vector.broadcast %broadcast_in_dim3A_647 : i32 to vector<16xi32>
    %gather3A_649 = tpu.vector_load_idx %arg8[%broadcast_in_dim3A_648, %add3A_640] : memref<16x2048xf32, #tpu.memory_space<vmem>>[vector<16xi32>, vector<16xi32>], vector<16xf32>,
    %add3A_650 = arith.constant 496 : i32
    %add3A_651 = vector.broadcast %add3A_650 : i32 to vector<16xi32>
    %add3A_652 = arith.addi %add3A_651, %iota3A : vector<16xi32>
    tpu.vector_store_idx %arg6[%broadcast_in_dim3A_648, %add3A_652], %gather3A_649 : memref<16x512xf32, #tpu.memory_space<vmem>>[vector<16xi32>, vector<16xi32>], vector<16xf32>,
    %broadcast_in_dim3A_653 = arith.constant 2 : i32
    %broadcast_in_dim3A_654 = vector.broadcast %broadcast_in_dim3A_653 : i32 to vector<16xi32>
    %gather3A_655 = tpu.vector_load_idx %arg8[%broadcast_in_dim3A_654, %add3A_640] : memref<16x2048xf32, #tpu.memory_space<vmem>>[vector<16xi32>, vector<16xi32>], vector<16xf32>,
    %add3A_656 = arith.constant 496 : i32
    %add3A_657 = vector.broadcast %add3A_656 : i32 to vector<16xi32>
    %add3A_658 = arith.addi %add3A_657, %iota3A : vector<16xi32>
    tpu.vector_store_idx %arg6[%broadcast_in_dim3A_654, %add3A_658], %gather3A_655 : memref<16x512xf32, #tpu.memory_space<vmem>>[vector<16xi32>, vector<16xi32>], vector<16xf32>,
    %broadcast_in_dim3A_659 = arith.constant 3 : i32
    %broadcast_in_dim3A_660 = vector.broadcast %broadcast_in_dim3A_659 : i32 to vector<16xi32>
    %gather3A_661 = tpu.vector_load_idx %arg8[%broadcast_in_dim3A_660, %add3A_640] : memref<16x2048xf32, #tpu.memory_space<vmem>>[vector<16xi32>, vector<16xi32>], vector<16xf32>,
    %add3A_662 = arith.constant 496 : i32
    %add3A_663 = vector.broadcast %add3A_662 : i32 to vector<16xi32>
    %add3A_664 = arith.addi %add3A_663, %iota3A : vector<16xi32>
    tpu.vector_store_idx %arg6[%broadcast_in_dim3A_660, %add3A_664], %gather3A_661 : memref<16x512xf32, #tpu.memory_space<vmem>>[vector<16xi32>, vector<16xi32>], vector<16xf32>,
    %broadcast_in_dim3A_665 = arith.constant 4 : i32
    %broadcast_in_dim3A_666 = vector.broadcast %broadcast_in_dim3A_665 : i32 to vector<16xi32>
    %gather3A_667 = tpu.vector_load_idx %arg8[%broadcast_in_dim3A_666, %add3A_640] : memref<16x2048xf32, #tpu.memory_space<vmem>>[vector<16xi32>, vector<16xi32>], vector<16xf32>,
    %add3A_668 = arith.constant 496 : i32
    %add3A_669 = vector.broadcast %add3A_668 : i32 to vector<16xi32>
    %add3A_670 = arith.addi %add3A_669, %iota3A : vector<16xi32>
    tpu.vector_store_idx %arg6[%broadcast_in_dim3A_666, %add3A_670], %gather3A_667 : memref<16x512xf32, #tpu.memory_space<vmem>>[vector<16xi32>, vector<16xi32>], vector<16xf32>,
    %broadcast_in_dim3A_671 = arith.constant 5 : i32
    %broadcast_in_dim3A_672 = vector.broadcast %broadcast_in_dim3A_671 : i32 to vector<16xi32>
    %gather3A_673 = tpu.vector_load_idx %arg8[%broadcast_in_dim3A_672, %add3A_640] : memref<16x2048xf32, #tpu.memory_space<vmem>>[vector<16xi32>, vector<16xi32>], vector<16xf32>,
    %add3A_674 = arith.constant 496 : i32
    %add3A_675 = vector.broadcast %add3A_674 : i32 to vector<16xi32>
    %add3A_676 = arith.addi %add3A_675, %iota3A : vector<16xi32>
    tpu.vector_store_idx %arg6[%broadcast_in_dim3A_672, %add3A_676], %gather3A_673 : memref<16x512xf32, #tpu.memory_space<vmem>>[vector<16xi32>, vector<16xi32>], vector<16xf32>,
    %broadcast_in_dim3A_677 = arith.constant 6 : i32
    %broadcast_in_dim3A_678 = vector.broadcast %broadcast_in_dim3A_677 : i32 to vector<16xi32>
    %gather3A_679 = tpu.vector_load_idx %arg8[%broadcast_in_dim3A_678, %add3A_640] : memref<16x2048xf32, #tpu.memory_space<vmem>>[vector<16xi32>, vector<16xi32>], vector<16xf32>,
    %add3A_680 = arith.constant 496 : i32
    %add3A_681 = vector.broadcast %add3A_680 : i32 to vector<16xi32>
    %add3A_682 = arith.addi %add3A_681, %iota3A : vector<16xi32>
    tpu.vector_store_idx %arg6[%broadcast_in_dim3A_678, %add3A_682], %gather3A_679 : memref<16x512xf32, #tpu.memory_space<vmem>>[vector<16xi32>, vector<16xi32>], vector<16xf32>,
    %broadcast_in_dim3A_683 = arith.constant 7 : i32
    %broadcast_in_dim3A_684 = vector.broadcast %broadcast_in_dim3A_683 : i32 to vector<16xi32>
    %gather3A_685 = tpu.vector_load_idx %arg8[%broadcast_in_dim3A_684, %add3A_640] : memref<16x2048xf32, #tpu.memory_space<vmem>>[vector<16xi32>, vector<16xi32>], vector<16xf32>,
    %add3A_686 = arith.constant 496 : i32
    %add3A_687 = vector.broadcast %add3A_686 : i32 to vector<16xi32>
    %add3A_688 = arith.addi %add3A_687, %iota3A : vector<16xi32>
    tpu.vector_store_idx %arg6[%broadcast_in_dim3A_684, %add3A_688], %gather3A_685 : memref<16x512xf32, #tpu.memory_space<vmem>>[vector<16xi32>, vector<16xi32>], vector<16xf32>,
    %broadcast_in_dim3A_689 = arith.constant 8 : i32
    %broadcast_in_dim3A_690 = vector.broadcast %broadcast_in_dim3A_689 : i32 to vector<16xi32>
    %gather3A_691 = tpu.vector_load_idx %arg8[%broadcast_in_dim3A_690, %add3A_640] : memref<16x2048xf32, #tpu.memory_space<vmem>>[vector<16xi32>, vector<16xi32>], vector<16xf32>,
    %add3A_692 = arith.constant 496 : i32
    %add3A_693 = vector.broadcast %add3A_692 : i32 to vector<16xi32>
    %add3A_694 = arith.addi %add3A_693, %iota3A : vector<16xi32>
    tpu.vector_store_idx %arg6[%broadcast_in_dim3A_690, %add3A_694], %gather3A_691 : memref<16x512xf32, #tpu.memory_space<vmem>>[vector<16xi32>, vector<16xi32>], vector<16xf32>,
    %broadcast_in_dim3A_695 = arith.constant 9 : i32
    %broadcast_in_dim3A_696 = vector.broadcast %broadcast_in_dim3A_695 : i32 to vector<16xi32>
    %gather3A_697 = tpu.vector_load_idx %arg8[%broadcast_in_dim3A_696, %add3A_640] : memref<16x2048xf32, #tpu.memory_space<vmem>>[vector<16xi32>, vector<16xi32>], vector<16xf32>,
    %add3A_698 = arith.constant 496 : i32
    %add3A_699 = vector.broadcast %add3A_698 : i32 to vector<16xi32>
    %add3A_700 = arith.addi %add3A_699, %iota3A : vector<16xi32>
    tpu.vector_store_idx %arg6[%broadcast_in_dim3A_696, %add3A_700], %gather3A_697 : memref<16x512xf32, #tpu.memory_space<vmem>>[vector<16xi32>, vector<16xi32>], vector<16xf32>,
    %broadcast_in_dim3A_701 = arith.constant 10 : i32
    %broadcast_in_dim3A_702 = vector.broadcast %broadcast_in_dim3A_701 : i32 to vector<16xi32>
    %gather3A_703 = tpu.vector_load_idx %arg8[%broadcast_in_dim3A_702, %add3A_640] : memref<16x2048xf32, #tpu.memory_space<vmem>>[vector<16xi32>, vector<16xi32>], vector<16xf32>,
    %add3A_704 = arith.constant 496 : i32
    %add3A_705 = vector.broadcast %add3A_704 : i32 to vector<16xi32>
    %add3A_706 = arith.addi %add3A_705, %iota3A : vector<16xi32>
    tpu.vector_store_idx %arg6[%broadcast_in_dim3A_702, %add3A_706], %gather3A_703 : memref<16x512xf32, #tpu.memory_space<vmem>>[vector<16xi32>, vector<16xi32>], vector<16xf32>,
    %broadcast_in_dim3A_707 = arith.constant 11 : i32
    %broadcast_in_dim3A_708 = vector.broadcast %broadcast_in_dim3A_707 : i32 to vector<16xi32>
    %gather3A_709 = tpu.vector_load_idx %arg8[%broadcast_in_dim3A_708, %add3A_640] : memref<16x2048xf32, #tpu.memory_space<vmem>>[vector<16xi32>, vector<16xi32>], vector<16xf32>,
    %add3A_710 = arith.constant 496 : i32
    %add3A_711 = vector.broadcast %add3A_710 : i32 to vector<16xi32>
    %add3A_712 = arith.addi %add3A_711, %iota3A : vector<16xi32>
    tpu.vector_store_idx %arg6[%broadcast_in_dim3A_708, %add3A_712], %gather3A_709 : memref<16x512xf32, #tpu.memory_space<vmem>>[vector<16xi32>, vector<16xi32>], vector<16xf32>,
    %broadcast_in_dim3A_713 = arith.constant 12 : i32
    %broadcast_in_dim3A_714 = vector.broadcast %broadcast_in_dim3A_713 : i32 to vector<16xi32>
    %gather3A_715 = tpu.vector_load_idx %arg8[%broadcast_in_dim3A_714, %add3A_640] : memref<16x2048xf32, #tpu.memory_space<vmem>>[vector<16xi32>, vector<16xi32>], vector<16xf32>,
    %add3A_716 = arith.constant 496 : i32
    %add3A_717 = vector.broadcast %add3A_716 : i32 to vector<16xi32>
    %add3A_718 = arith.addi %add3A_717, %iota3A : vector<16xi32>
    tpu.vector_store_idx %arg6[%broadcast_in_dim3A_714, %add3A_718], %gather3A_715 : memref<16x512xf32, #tpu.memory_space<vmem>>[vector<16xi32>, vector<16xi32>], vector<16xf32>,
    %broadcast_in_dim3A_719 = arith.constant 13 : i32
    %broadcast_in_dim3A_720 = vector.broadcast %broadcast_in_dim3A_719 : i32 to vector<16xi32>
    %gather3A_721 = tpu.vector_load_idx %arg8[%broadcast_in_dim3A_720, %add3A_640] : memref<16x2048xf32, #tpu.memory_space<vmem>>[vector<16xi32>, vector<16xi32>], vector<16xf32>,
    %add3A_722 = arith.constant 496 : i32
    %add3A_723 = vector.broadcast %add3A_722 : i32 to vector<16xi32>
    %add3A_724 = arith.addi %add3A_723, %iota3A : vector<16xi32>
    tpu.vector_store_idx %arg6[%broadcast_in_dim3A_720, %add3A_724], %gather3A_721 : memref<16x512xf32, #tpu.memory_space<vmem>>[vector<16xi32>, vector<16xi32>], vector<16xf32>,
    %broadcast_in_dim3A_725 = arith.constant 14 : i32
    %broadcast_in_dim3A_726 = vector.broadcast %broadcast_in_dim3A_725 : i32 to vector<16xi32>
    %gather3A_727 = tpu.vector_load_idx %arg8[%broadcast_in_dim3A_726, %add3A_640] : memref<16x2048xf32, #tpu.memory_space<vmem>>[vector<16xi32>, vector<16xi32>], vector<16xf32>,
    %add3A_728 = arith.constant 496 : i32
    %add3A_729 = vector.broadcast %add3A_728 : i32 to vector<16xi32>
    %add3A_730 = arith.addi %add3A_729, %iota3A : vector<16xi32>
    tpu.vector_store_idx %arg6[%broadcast_in_dim3A_726, %add3A_730], %gather3A_727 : memref<16x512xf32, #tpu.memory_space<vmem>>[vector<16xi32>, vector<16xi32>], vector<16xf32>,
    %broadcast_in_dim3A_731 = arith.constant 15 : i32
    %broadcast_in_dim3A_732 = vector.broadcast %broadcast_in_dim3A_731 : i32 to vector<16xi32>
    %gather3A_733 = tpu.vector_load_idx %arg8[%broadcast_in_dim3A_732, %add3A_640] : memref<16x2048xf32, #tpu.memory_space<vmem>>[vector<16xi32>, vector<16xi32>], vector<16xf32>,
    %add3A_734 = arith.constant 496 : i32
    %add3A_735 = vector.broadcast %add3A_734 : i32 to vector<16xi32>
    %add3A_736 = arith.addi %add3A_735, %iota3A : vector<16xi32>
    tpu.vector_store_idx %arg6[%broadcast_in_dim3A_732, %add3A_736], %gather3A_733 : memref<16x512xf32, #tpu.memory_space<vmem>>[vector<16xi32>, vector<16xi32>], vector<16xf32>,
    "tpu.region"() ({
      %run_scoped3A = tpu.sem_alloc : memref<!tpu.dma_semaphore, #tpu.memory_space<semaphore_mem>>
      %dma_start3A_737 = arith.constant 0 : i32
      %dma_start3A_738 = tpu.memref_slice %arg4[%dma_start3A_737, %mul3A_2] : memref<16x16384xf32, #tpu.memory_space<hbm>> -> memref<16x512xf32, #tpu.memory_space<hbm>>
      %dma_start3A_739 = arith.constant 0 : i32
      %dma_start3A_740 = tpu.memref_slice %arg4[%dma_start3A_739, %mul3A_2] : memref<16x16384xf32, #tpu.memory_space<hbm>> -> memref<16x512xf32, #tpu.memory_space<hbm>>
      tpu.enqueue_dma source(%arg6 : memref<16x512xf32, #tpu.memory_space<vmem>>) target(%dma_start3A_740 : memref<16x512xf32, #tpu.memory_space<hbm>>) target_semaphore(%run_scoped3A : memref<!tpu.dma_semaphore, #tpu.memory_space<semaphore_mem>>)
      %dma_wait3A_741 = arith.constant 0 : i32
      %dma_wait3A_742 = tpu.memref_slice %arg4[%dma_wait3A_741, %mul3A_2] : memref<16x16384xf32, #tpu.memory_space<hbm>> -> memref<16x512xf32, #tpu.memory_space<hbm>>
      %dma_wait3A_743 = arith.constant 0 : i32
      %dma_wait3A_744 = tpu.memref_slice %arg4[%dma_wait3A_743, %mul3A_2] : memref<16x16384xf32, #tpu.memory_space<hbm>> -> memref<16x512xf32, #tpu.memory_space<hbm>>
      tpu.wait_dma2 semaphore(%run_scoped3A : memref<!tpu.dma_semaphore, #tpu.memory_space<semaphore_mem>>) src(%arg6 : memref<16x512xf32, #tpu.memory_space<vmem>>) dst(%dma_wait3A_744 : memref<16x512xf32, #tpu.memory_space<hbm>>)
      tpu.yield
    }) : () -> ()
    return
  }
}

</mosaic_0001>

<sc_bundles>
// kernel: kernel.3.cloned.1.call-start
scs
__scs_entry_jumppad:
0x0: {  	(pc) =	sbr.rel $0x88, $3  }
0x1: {  	(tag) =	ssettag $0x0;
	lr =	simm.s32 $0x1  }
0x2: {  	[smem:$0x3F9F] =	sst lr;
	_ =	strace $0xD0000000  }
0x3: {  	_ = 	snop  }
0x4: {  	_ = 	snop  }
0x5: {  	_ = 	snop  }
0x6: {  	_ = 	snop  }
0x7: {  	_ = 	snop  }
__scs_overlays_trampoline_lowered:
0x8: {  	[smem:$0x3FAE] =	sst s0  }
0x9: {  	[smem:$0x3FAF] =	sst s1  }
0xa: {  	[smem:$0x3FB0] =	sst s2  }
0xb: {  	[smem:$0x3FB1] =	sst s3  }
0xc: {  	[smem:$0x3FB2] =	sst s4  }
0xd: {  	[smem:$0x3FB3] =	sst s5  }
0xe: {  	[smem:$0x3FB4] =	sst s6  }
0xf: {  	[smem:$0x3FB5] =	sst s7  }
0x10: {  	[smem:$0x3FB6] =	sst s8  }
0x11: {  	[smem:$0x3FB7] =	sst s9;
	s0 =	simm.s32 @!p0 $0x0  }
0x12: {  	s1 =	sld [smem:$0x3F9D];
	s0 =	simm.s32 @p0 $0x1  }
0x13: {  	[smem:$0x3FB8] =	sst s0;
	s0 =	simm.s32 @!p1 $0x0  }
0x14: {  	s2 =	sld [smem:$0x3F9C];
	s0 =	simm.s32 @p1 $0x1  }
0x15: {  	[smem:$0x3FB9] =	sst s0;
	s0 =	simm.s32 @!p2 $0x0  }
0x16: {  	s3 =	sld [smem:$0x3FDB];
	s0 =	simm.s32 @p2 $0x1  }
0x17: {  	s4 =	simm.s32 $0x1BF5;
	[smem:$0x3FBB] =	sst s0  }
0x18: {  	s0 =	sld [smem:$0x3F9E];
	_ =	swait.ge [sflag:s4], $0x0  }
0x19: {  	s7 =	sld [smem:$0x3F9F]  }
0x1a: {  	s8 =	sadd.s32 $0xFFFFE003, lr  }
0x1b: {  	s9 =	sadd.s32 $0xFFFFFEF7, lr;
	s5 =	simm.s32 $0xFFFFFFFF;
	p2 =	slt.u32 s8, $0xFFFFF086  }
0x1c: {  	p1 =	slt.u32 s9, $0xF7A;
	s5 =	simm.s32 @!p2 $0x0  }
0x1d: {  	s5 =	simm.s32 @p1 $0x1;
	p0 =	seq.s32 s7, s2  }
0x1e: {  	s7 =	smul.u32 @!p0 $0xF7A, s2;
	p2 =	seq.s32 @!p0 s5, $0x0  }
0x1f: {  	s9 =	smul.u32 $0xF7A, s1;
	s8 =	simm.s32 @!p0 $0x1BF5;
	p2 =	por !p2, p0  }
0x20: {  	[sflag:s8] =	ssyncset.s32 @!p0 $0xFFFFF086;
	s6 =	sadd.s32 @!p0 s3, s7;
	s7 =	simm.s32 @!p0 $0x108  }
0x21: {  	s3 =	sadd.s32 s3, s9;
	s6 =	sadd.s32 @!p0 $0x88, s6;
	s7 =	simm.s32 @p2 $0x1082  }
0x22: {  	[simem:s7], [sflag:s8] =	dma.local @!p0 [hbm:s6], $0xF7A  }
0x23: {  	s9 =	sor.u32 $0xD0000000, s2;
	s6 =	simm.s32 $0x108;
	_ =	swait.ge @!p0 [sflag:s8], $0x0  }
0x24: {  	s3 =	sadd.s32 $0x88, s3;
	s6 =	simm.s32 @!p1 $0x1082;
	[sflag:s4] =	ssyncset.s32 $0xFFFFF086  }
0x25: {  	[simem:s6], [sflag:s4] =	dma.local [hbm:s3], $0xF7A  }
0x26: {  	[smem:$0x3F9F] =	sst s1;
	(tag) =	ssettag s2;
	_ =	strace s9  }
0x27: {  	s1 =	sld [smem:$0x3FAF]  }
0x28: {  	s2 =	sld [smem:$0x3FB0]  }
0x29: {  	s4 =	sld [smem:$0x3FB2]  }
0x2a: {  	p0 =	seq.s32 s5, $0x0;
	s5 =	sld [smem:$0x3FB3]  }
0x2b: {  	s6 =	sld [smem:$0x3FB4]  }
0x2c: {  	s7 =	sld [smem:$0x3FB5]  }
0x2d: {  	s3 =	simm.s32 $0x108;
	s8 =	sld [smem:$0x3FB6]  }
0x2e: {  	s3 =	simm.s32 @!p0 $0x1082;
	s9 =	sld [smem:$0x3FB7]  }
0x2f: {  	lr =	sadd.s32 s0, s3;
	s0 =	sld [smem:$0x3FAE]  }
0x30: {  	s3 =	sld [smem:$0x3FB1]  }
0x31: {  	[smem:$0x3FBA] =	sst s10  }
0x32: {  	s10 =	sld [smem:$0x3FB8];
	_ =	sdelay $0x3  }
0x33: {  	p0 =	seq.s32 s10, $0x1;
	s10 =	sld [smem:$0x3FBA];
	_ =	sdelay $0x3  }
0x34: {  	[smem:$0x3FBA] =	sst s10  }
0x35: {  	s10 =	sld [smem:$0x3FB9];
	_ =	sdelay $0x3  }
0x36: {  	p1 =	seq.s32 s10, $0x1;
	s10 =	sld [smem:$0x3FBA];
	_ =	sdelay $0x3  }
0x37: {  	[smem:$0x3FBA] =	sst s10  }
0x38: {  	s10 =	sld [smem:$0x3FBB]  }
0x39: {  	_ = 	snop;
	(pc) =	sbr.ind lr, $3  }
0x3a: {  	_ = 	snop  }
0x3b: {  	_ = 	snop  }
0x3c: {  	p2 =	seq.s32 s10, $0x1;
	s10 =	sld [smem:$0x3FBA]  }
0x3d: {  	_ =	shalt  }
0x3e: {  	_ =	shalt  }
0x3f: {  	_ =	shalt  }
0x40: {  	_ =	shalt  }
0x41: {  	_ =	shalt  }
0x42: {  	_ =	shalt  }
0x43: {  	_ =	shalt  }
0x44: {  	_ =	shalt  }
0x45: {  	_ =	shalt  }
0x46: {  	_ =	shalt  }
0x47: {  	_ =	shalt  }
0x48: {  	_ =	shalt  }
0x49: {  	_ =	shalt  }
0x4a: {  	_ =	shalt  }
0x4b: {  	_ =	shalt  }
0x4c: {  	_ =	shalt  }
0x4d: {  	_ =	shalt  }
0x4e: {  	_ =	shalt  }
0x4f: {  	_ =	shalt  }
0x50: {  	_ =	shalt  }
0x51: {  	_ =	shalt  }
0x52: {  	_ =	shalt  }
0x53: {  	_ =	shalt  }
0x54: {  	_ =	shalt  }
0x55: {  	_ =	shalt  }
0x56: {  	_ =	shalt  }
0x57: {  	_ =	shalt  }
0x58: {  	_ =	shalt  }
0x59: {  	_ =	shalt  }
0x5a: {  	_ =	shalt  }
0x5b: {  	_ =	shalt  }
0x5c: {  	_ =	shalt  }
0x5d: {  	_ =	shalt  }
0x5e: {  	_ =	shalt  }
0x5f: {  	_ =	shalt  }
0x60: {  	_ =	shalt  }
0x61: {  	_ =	shalt  }
0x62: {  	_ =	shalt  }
0x63: {  	_ =	shalt  }
0x64: {  	_ =	shalt  }
0x65: {  	_ =	shalt  }
0x66: {  	_ =	shalt  }
0x67: {  	_ =	shalt  }
0x68: {  	_ =	shalt  }
0x69: {  	_ =	shalt  }
0x6a: {  	_ =	shalt  }
0x6b: {  	_ =	shalt  }
0x6c: {  	_ =	shalt  }
0x6d: {  	_ =	shalt  }
0x6e: {  	_ =	shalt  }
0x6f: {  	_ =	shalt  }
0x70: {  	_ =	shalt  }
0x71: {  	_ =	shalt  }
0x72: {  	_ =	shalt  }
0x73: {  	_ =	shalt  }
0x74: {  	_ =	shalt  }
0x75: {  	_ =	shalt  }
0x76: {  	_ =	shalt  }
0x77: {  	_ =	shalt  }
0x78: {  	_ =	shalt  }
0x79: {  	_ =	shalt  }
0x7a: {  	_ =	shalt  }
0x7b: {  	_ =	shalt  }
0x7c: {  	_ =	shalt  }
0x7d: {  	_ =	shalt  }
0x7e: {  	_ =	shalt  }
0x7f: {  	_ =	shalt  }
0x80: {  	_ =	shalt  }
0x81: {  	_ =	shalt  }
0x82: {  	_ =	shalt  }
0x83: {  	_ =	shalt  }
0x84: {  	_ =	shalt  }
0x85: {  	_ =	shalt  }
0x86: {  	_ =	shalt  }
0x87: {  	_ =	shalt  }
.Lfunc_end0:
.L_simem_size_0:
called_computation_lowered:
.L_overlay_start_0:
0x88: {  	s2 =	sld [smem:$0x3FD9]  }
0x89: {  	s3 =	sld [smem:$0x3FFE];
	_ =	sdelay $0x1  }
0x8a: {  	s1 =	srdreg.scid  }
0x8b: {  	s0 =	sand.u32 $0x1, s1  }
0x8c: {  	s18 =	sshll.u32 s0, $0xA;
	s2 =	sadd.s32 s3, s2  }
0x8d: {  	s2 =	sadd.s32 s2, s18  }
0x8e: {  	[smem:$0x3FC6] =	sst s2  }
0x8f: {  	_ = 	snop  }
0x90: {  	s2 =	sld [smem:$0x3FC9]  }
0x91: {  	s19 =	sld [smem:$0x3FC8]  }
0x92: {  	s4 =	sld [smem:$0x3FD0];
	(tm) =	ssettm $0x1  }
0x93: {  	s5 =	sld [smem:$0x3FFB];
	_ =	sdelay $0x3  }
0x94: {  	_ =	strace s5  }
0x95: {  	s5 =	sld [smem:$0x3FFC];
	_ =	sdelay $0x3  }
0x96: {  	_ =	strace s5  }
0x97: {  	s5 =	sld [smem:$0x3FFD];
	_ =	sdelay $0x3  }
0x98: {  	_ =	strace s5  }
0x99: {  	_ =	strace $0x8FFFFFFF  }
0x9a: {  	s20 =	sld [smem:$0x3FDB];
	_ =	sdelay $0x1  }
0x9b: {  	s6 =	simm.s32 $_scs_section_size  }
0x9c: {  	s7 =	simm.s32 $_size__tile_overlayer_lowered;
	s8 =	simm.s32 $_tile_overlayer_lowered  }
0x9d: {  	s23 =	simm.s32 $0x1BFF;
	s22 =	sshll.u32 s8, $0x1;
	s5 =	sadd.s32 s6, s20  }
0x9e: {  	s9 =	simm.s32 $0x0;
	s21 =	sshll.u32 s7, $0x1;
	s7 =	sadd.s32 s22, s5  }
0x9f: {  	[timem:s9], [sflag:s23] =	dma.local [hbm:s7], s21  }
0xa0: {  	_ =	swait.ge [sflag:s23], s21  }
0xa1: {  	s6 =	ssub.s32 $0x0, s21;
	[sflag:s23] =	ssyncset.done $0x0  }
0xa2: {  	[sflag:s23] =	ssyncadd.s32 s6;
	_ =	sdelay $0x1  }
0xa3: {  	s24 =	simm.s32 $0x1B8B  }
0xa4: {  	_ =	swait.ge [sflag:s24], $0x1  }
0xa5: {  	[sflag:s24] =	ssyncset.done $0x0  }
0xa6: {  	s25 =	simm.s32 $0x1B8E;
	[sflag:s24] =	ssyncadd.s32 $0xFFFFFFFF  }
0xa7: {  	s26 =	simm.s32 $execute0_lowered;
	[smem:$0x3FD2] =	sst s25  }
0xa8: {  	s6 =	sshll.u32 s26, $0x1;
	_ =	strace $0x80000046;
	[dreg:$0x1] =	wrdreg $0xFFFFFFFF  }
0xa9: {  	s28 =	simm.s32 $_size_execute0_lowered;
	s5 =	sadd.s32 s5, s6;
	[dreg:$0x0] =	wrdreg $0x0  }
0xaa: {  	s6 =	sshll.u32 s28, $0x1;
	[dreg:$0x2] =	wrdreg s5  }
0xab: {  	[dreg:$0x3] =	wrdreg s6  }
0xac: {  	[dreg:$0x4] =	wrdreg $0xC0  }
0xad: {  	_ =	task [dreg:s9], $0x5FFFF  }
0xae: {  	[dreg:$0x1] =	wrdreg $0xFFFFFFFF  }
0xaf: {  	[dreg:$0x0] =	wrdreg $0x60  }
0xb0: {  	[dreg:$0x2] =	wrdreg s2  }
0xb1: {  	[dreg:$0x3] =	wrdreg s19  }
0xb2: {  	[dreg:$0x4] =	wrdreg s4  }
0xb3: {  	[dreg:$0x5] =	wrdreg $0x9  }
0xb4: {  	_ =	task.clear_ibuf [dreg:s9], $0x6FFFF;
	_ =	strace $0x90000046  }
0xb5: {  	s29 =	simm.s32 $0x9;
	_ =	strace $0x80000048  }
0xb6: {  	_ =	swait.ge [sflag:s29], $0x1  }
0xb7: {  	[sflag:s29] =	ssyncadd.s32 $0xFFFFFFFF  }
0xb8: {  	_ =	strace $0x90000048  }
0xb9: {  	_ =	sfence  }
0xba: {  	s30 =	sld [smem:$0x0];
	_ =	sdelay $0x2  }
0xbb: {  	s31 =	sshll.u32 s1, $0xD;
	s1 =	sshrl.u32 s1, $0x2  }
0xbc: {  	s3 =	sand.u32 $0x4000, s31;
	s1 =	sadd.s32 s1, s30  }
0xbd: {  	s0 =	sor.u32 s3, s0;
	s1 =	sshll.u32 s1, $0x11  }
0xbe: {  	s0 =	sor.u32 s1, s0  }
0xbf: {  	s0 =	sadd.s32 $0x8F2B, s0  }
0xc0: {  	[sflag:s0] =	ssyncadd.remote.s32 $0x1  }
0xc1: {  	_ =	sfence.sel $0xFFFF  }
0xc2: {  	[dreg:$0x0] =	wrdreg $0xFFFFFFFF;
	(pc) =	sbr.abs _section_cstart, $3  }
0xc3: {  	[dreg:$0x1] =	wrdreg $0xFFFFFFFF  }
0xc4: {  	_ =	task.clear_ibuf [dreg:s9], $0x2FFFF;
	_ =	strace $0x9FFFFFFF  }
0xc5: {  	(tm) =	ssettm $0x7FFFFFFF  }
tec
execute0_lowered:
.L_overlay_start_1:
0x0: {  	(tag) =	ssettag $0x1  }
0x1: {  	s0 =	rddreg [dreg:$0x0]  }
0x2: {  	s1 =	rddreg [dreg:$0x1]  }
0x3: {  	s3 =	rddreg [dreg:$0x2];
	s2 =	simm.s32 $0x0  }
0x4: {  	s4 =	simm.s32 $0x16200;
	[smem:$0x7FF] =	sst s2  }
0x5: {  	s13 =	simm.s32 $0x12600;
	_ =	strace $0x80000047;
	[dreg:$0x4] =	wrdreg s4  }
0x6: {  	s14 =	simm.s32 $0x16600;
	[dreg:$0x5] =	wrdreg s13  }
0x7: {  	s15 =	simm.s32 $0x12A00;
	[dreg:$0x6] =	wrdreg s14  }
0x8: {  	s16 =	simm.s32 $0x16A00;
	[dreg:$0x7] =	wrdreg s15  }
0x9: {  	s17 =	simm.s32 $0x12E00;
	[dreg:$0x8] =	wrdreg s16  }
0xa: {  	s18 =	simm.s32 $0x16E00;
	[dreg:$0x9] =	wrdreg s17  }
0xb: {  	s20 =	simm.s32 $0x13200;
	[dreg:$0xa] =	wrdreg s18  }
0xc: {  	s5 =	srdreg.scid;
	s21 =	simm.s32 $0x17200;
	[dreg:$0xb] =	wrdreg s20  }
0xd: {  	s8 =	stileid.u32;
	s22 =	simm.s32 $0x13600;
	[dreg:$0xc] =	wrdreg s21  }
0xe: {  	s23 =	simm.s32 $0x17600;
	s24 =	simm.s32 $0x13A00;
	[dreg:$0xd] =	wrdreg s22  }
0xf: {  	s25 =	simm.s32 $0x17A00;
	s9 =	simm.s32 $0x14600;
	[dreg:$0xe] =	wrdreg s23  }
0x10: {  	s10 =	simm.s32 $0x18600;
	s28 =	simm.s32 $0x2A00;
	[dreg:$0xf] =	wrdreg s24  }
0x11: {  	s11 =	simm.s32 $0x14A00;
	s29 =	simm.s32 $0x6A00;
	[dreg:$0x10] =	wrdreg s25  }
0x12: {  	s12 =	simm.s32 $0x18A00;
	s30 =	simm.s32 $0x2E00;
	[dreg:$0x15] =	wrdreg s9  }
0x13: {  	s31 =	simm.s32 $0x6E00;
	s5 =	sand.u32 $0x1, s5;
	[dreg:$0x16] =	wrdreg s10  }
0x14: {  	s19 =	sshll.u32 s8, $0xA;
	s8 =	simm.s32 $0x2200;
	[dreg:$0x17] =	wrdreg s11  }
0x15: {  	s6 =	ssub.s32 $0x2, s5;
	s4 =	simm.s32 $0x13E00;
	[dreg:$0x18] =	wrdreg s12  }
0x16: {  	s5 =	sshll.u32 s5, $0x9;
	s13 =	simm.s32 $0x14E00;
	[dreg:$0x11] =	wrdreg s4  }
0x17: {  	s23 =	simm.s32 $0x4;
	s14 =	simm.s32 $0x18E00;
	[dreg:$0x19] =	wrdreg s13  }
0x18: {  	s25 =	simm.s32 $0x6200;
	s15 =	simm.s32 $0x15200;
	[dreg:$0x1a] =	wrdreg s14  }
0x19: {  	s24 =	simm.s32 $0x6600;
	s16 =	simm.s32 $0x19200;
	[dreg:$0x1b] =	wrdreg s15  }
0x1a: {  	s17 =	simm.s32 $0x15600;
	s18 =	simm.s32 $0x19600;
	[dreg:$0x1c] =	wrdreg s16  }
0x1b: {  	s20 =	simm.s32 $0x19A00;
	s21 =	simm.s32 $0x15E00;
	[dreg:$0x1d] =	wrdreg s17  }
0x1c: {  	v0 =	vlaneseq.u32;
	s22 =	simm.s32 $0x19E00;
	s9 =	simm.s32 $0x9200;
	[dreg:$0x1e] =	wrdreg s18  }
0x1d: {  	v2 =	vimm.s32 $0x0;
	v1 =	vmul.u32 $0x400, v0;
	s10 =	simm.s32 $0x5600;
	s11 =	simm.s32 $0x9600;
	[smem:$0x7FA] =	sst s20  }
0x1e: {  	v18 =	vor.u32 $0xC60, v0;
	v19 =	vor.u32 $0xCE0, v0;
	v20 =	vor.u32 $0xD60, v0;
	s12 =	simm.s32 $0xA200;
	s7 =	sshrl.u32 s6, $0x1;
	[smem:$0x7FB] =	sst s21  }
0x1f: {  	v21 =	vor.u32 $0xDE0, v0;
	v22 =	vor.u32 $0xE60, v0;
	v23 =	vor.u32 $0xEE0, v0;
	s5 =	sor.u32 s5, s19;
	s19 =	simm.s32 $0x15A00;
	[smem:$0x7FC] =	sst s22  }
0x20: {  	v24 =	vor.u32 $0xF60, v0;
	v25 =	vor.u32 $0xFE0, v0;
	v26 =	vor.u32 $0x1C60, v0;
	s14 =	simm.s32 $0x4600;
	s15 =	simm.s32 $0x8600;
	s4 =	simm.s32 $0x8A00  }
0x21: {  	v27 =	vor.u32 $0x1CE0, v0;
	v28 =	vor.u32 $0x1D60, v0;
	v29 =	vor.u32 $0x1DE0, v0;
	s13 =	simm.s32 $0x5A00;
	s16 =	simm.s32 $0x9A00;
	s17 =	simm.s32 $0x12200  }
0x22: {  	v30 =	vor.u32 $0x1E60, v0;
	v31 =	vor.u32 $0x1EE0, v0;
	v32 =	vor.u32 $0x1F60, v0;
	s18 =	simm.s32 $0x1;
	s22 =	simm.s32 $0x0;
	[dreg:$0x1f] =	wrdreg s19  }
0x23: {  	v33 =	vor.u32 $0x1FE0, v0;
	v34 =	vor.u32 $0xC70, v0;
	v35 =	vor.u32 $0xCF0, v0;
	s6 =	ssub.s32 s6, s7;
	s3 =	sadd.s32 s3, s5;
	[smem:$0x7FD] =	sst s22  }
0x24: {  	v36 =	vor.u32 $0xD70, v0;
	v37 =	vor.u32 $0xDF0, v0;
	v38 =	vor.u32 $0xE70, v0;
	s7 =	sshrl.u32 s5, $0x3;
	s5 =	simm.s32 $0x17E00;
	[smem:$0x7F8] =	sst s3  }
0x25: {  	v39 =	vor.u32 $0xEF0, v0;
	v40 =	vor.u32 $0xF70, v0;
	v41 =	vor.u32 $0xFF0, v0;
	s20 =	simm.s32 $0x2;
	s0 =	sadd.s32 s0, s7;
	[dreg:$0x12] =	wrdreg s5  }
0x26: {  	v3 =	vor.u32 $0x80, v1;
	v4 =	vor.u32 $0x100, v1;
	v5 =	vor.u32 $0x180, v1;
	s21 =	simm.s32 $0x3;
	s26 =	smax.u32 s6, $0x1;
	[smem:$0x7F7] =	sst s0  }
0x27: {  	v6 =	vor.u32 $0x200, v1;
	v7 =	vor.u32 $0x280, v1;
	v8 =	vor.u32 $0x300, v1;
	s19 =	simm.s32 $0x200;
	s6 =	simm.s32 $0x14200;
	[smem:$0x7F9] =	sst s26  }
0x28: {  	v9 =	vor.u32 $0x380, v1;
	v10 =	vor.u32 $0x4000, v1;
	v11 =	vor.u32 $0x4080, v1;
	s7 =	simm.s32 $0x18200;
	s3 =	simm.s32 $0x4A00;
	[dreg:$0x13] =	wrdreg s6  }
0x29: {  	v12 =	vor.u32 $0x4100, v1;
	v13 =	vor.u32 $0x4180, v1;
	v14 =	vor.u32 $0x4200, v1;
	s5 =	simm.s32 $0x4E00;
	s26 =	simm.s32 $0x2600;
	[dreg:$0x14] =	wrdreg s7  }
0x2a: {  	v15 =	vor.u32 $0x4280, v1;
	v16 =	vor.u32 $0x4300, v1;
	v17 =	vor.u32 $0x4380, v1;
	s0 =	simm.s32 $0x8200;
	s6 =	simm.s32 $0x8E00;
	s7 =	simm.s32 $0x5200  }
.LBB2_1:
0x2b: {  	s22 =	sld [smem:$0x7F7];
	_ =	sdelay $0x2  }
0x2c: {  	[tilespmem:s2], [sflag:$0x4] =	stream.linear.gather [hbm4b:s22+s2], $0x200, $0x38;
	[tilespmem:$0x1A200] =	vst v63  }
0x2d: {  	_ =	swait.ge [sflag:s23], $0x200  }
0x2e: {  	[sflag:s23] =	ssyncset.done $0x0  }
0x2f: {  	[sflag:s23] =	ssyncadd.s32 $0xFFFFFE00  }
0x30: {  	v42 =	vld [tilespmem:$0x0];
	_ =	sdelay $0x4  }
0x31: {  	v43 =	vshra.s32 v42, $0x1F;
	v44 =	vand.u32 $0x7F, v42  }
0x32: {  	vm0 =	vlt.s32 v42, $0x1;
	v43 =	vshrl.u32 v43, $0x19;
	vm1 =	vne.s32 v44, $0x0  }
0x33: {  	v42 =	vadd.s32 v43, v42;
	vm0 =	vmand vm0, vm1  }
0x34: {  	v42 =	vshrl.u32 v42, $0x7;
	v59 =	vsel vm0, $0xFFFFFFFF, v2  }
0x35: {  	v42 =	vadd.s32 v59, v42  }
0x36: {  	v42 =	vshll.u32 v42, $0x7  }
0x37: {  	v42 =	vadd.s32 s1, v42  }
0x38: {  	(v2sf) =	vpush v42, $0x0;
	_ =	sdelay $0x3  }
0x39: {  	(v2sf) =	vpush v42, $0x1;
	_ =	sdelay $0x3  }
0x3a: {  	(v2sf) =	vpush v42, $0x2;
	_ =	sdelay $0x3  }
0x3b: {  	(v2sf) =	vpush v42, $0x3;
	_ =	sdelay $0x2  }
0x3c: {  	s23 =	spop (v2sf)  }
0x3d: {  	(v2sf) =	vpush v42, $0x4;
	[tilespmem:s8], [sflag:$0x1] =	stream.linear.gather [hbm4b:s23+s2], $0x400, $0x38;
	[tilespmem:$0x1A200] =	vst v63  }
0x3e: {  	s22 =	sadd.s32 $0xF4280, s23  }
0x3f: {  	[tilespmem:s25], [sflag:$0x1] =	stream.linear.gather [hbm4b:s22+s2], $0x400, $0x38;
	[tilespmem:$0x1A200] =	vst v63  }
0x40: {  	s25 =	spop (v2sf)  }
0x41: {  	(v2sf) =	vpush v42, $0x5;
	[tilespmem:s26], [sflag:$0x1] =	stream.linear.gather [hbm4b:s25+s2], $0x400, $0x38;
	[tilespmem:$0x1A200] =	vst v63  }
0x42: {  	s22 =	sadd.s32 $0xF4280, s25  }
0x43: {  	[tilespmem:s24], [sflag:$0x1] =	stream.linear.gather [hbm4b:s22+s2], $0x400, $0x38;
	[tilespmem:$0x1A200] =	vst v63  }
0x44: {  	s26 =	spop (v2sf)  }
0x45: {  	(v2sf) =	vpush v42, $0x6;
	[tilespmem:s28], [sflag:$0x1] =	stream.linear.gather [hbm4b:s26+s2], $0x400, $0x38;
	[tilespmem:$0x1A200] =	vst v63  }
0x46: {  	s22 =	sadd.s32 $0xF4280, s26  }
0x47: {  	[tilespmem:s29], [sflag:$0x1] =	stream.linear.gather [hbm4b:s22+s2], $0x400, $0x38;
	[tilespmem:$0x1A200] =	vst v63  }
0x48: {  	s23 =	spop (v2sf)  }
0x49: {  	(v2sf) =	vpush v42, $0x7;
	[tilespmem:s30], [sflag:$0x1] =	stream.linear.gather [hbm4b:s23+s2], $0x400, $0x38;
	[tilespmem:$0x1A200] =	vst v63  }
0x4a: {  	s22 =	sadd.s32 $0xF4280, s23  }
0x4b: {  	[tilespmem:s31], [sflag:$0x1] =	stream.linear.gather [hbm4b:s22+s2], $0x400, $0x38;
	[tilespmem:$0x1A200] =	vst v63  }
0x4c: {  	s25 =	simm.s32 $0x3200;
	s24 =	spop (v2sf)  }
0x4d: {  	(v2sf) =	vpush v42, $0x8;
	[tilespmem:s25], [sflag:$0x1] =	stream.linear.gather [hbm4b:s24+s2], $0x400, $0x38;
	[tilespmem:$0x1A200] =	vst v63  }
0x4e: {  	s26 =	simm.s32 $0x7200;
	s22 =	sadd.s32 $0xF4280, s24  }
0x4f: {  	[tilespmem:s26], [sflag:$0x1] =	stream.linear.gather [hbm4b:s22+s2], $0x400, $0x38;
	[tilespmem:$0x1A200] =	vst v63  }
0x50: {  	s25 =	simm.s32 $0x3600;
	s24 =	spop (v2sf)  }
0x51: {  	(v2sf) =	vpush v42, $0x9;
	[tilespmem:s25], [sflag:$0x1] =	stream.linear.gather [hbm4b:s24+s2], $0x400, $0x38;
	[tilespmem:$0x1A200] =	vst v63  }
0x52: {  	s22 =	sadd.s32 $0xF4280, s24;
	s26 =	simm.s32 $0x7600  }
0x53: {  	[tilespmem:s26], [sflag:$0x1] =	stream.linear.gather [hbm4b:s22+s2], $0x400, $0x38;
	[tilespmem:$0x1A200] =	vst v63  }
0x54: {  	s24 =	spop (v2sf);
	s25 =	simm.s32 $0x3A00  }
0x55: {  	(v2sf) =	vpush v42, $0xA;
	[tilespmem:s25], [sflag:$0x1] =	stream.linear.gather [hbm4b:s24+s2], $0x400, $0x38;
	[tilespmem:$0x1A200] =	vst v63  }
0x56: {  	s22 =	sadd.s32 $0xF4280, s24;
	s26 =	simm.s32 $0x7A00  }
0x57: {  	[tilespmem:s26], [sflag:$0x1] =	stream.linear.gather [hbm4b:s22+s2], $0x400, $0x38;
	[tilespmem:$0x1A200] =	vst v63  }
0x58: {  	s24 =	spop (v2sf);
	s25 =	simm.s32 $0x3E00  }
0x59: {  	(v2sf) =	vpush v42, $0xB;
	[tilespmem:s25], [sflag:$0x1] =	stream.linear.gather [hbm4b:s24+s2], $0x400, $0x38;
	[tilespmem:$0x1A200] =	vst v63  }
0x5a: {  	s22 =	sadd.s32 $0xF4280, s24;
	s26 =	simm.s32 $0x7E00  }
0x5b: {  	[tilespmem:s26], [sflag:$0x1] =	stream.linear.gather [hbm4b:s22+s2], $0x400, $0x38;
	[tilespmem:$0x1A200] =	vst v63  }
0x5c: {  	s25 =	simm.s32 $0x4200;
	s24 =	spop (v2sf)  }
0x5d: {  	(v2sf) =	vpush v42, $0xC;
	[tilespmem:s25], [sflag:$0x1] =	stream.linear.gather [hbm4b:s24+s2], $0x400, $0x38;
	[tilespmem:$0x1A200] =	vst v63  }
0x5e: {  	s22 =	sadd.s32 $0xF4280, s24  }
0x5f: {  	[tilespmem:s0], [sflag:$0x1] =	stream.linear.gather [hbm4b:s22+s2], $0x400, $0x38;
	[tilespmem:$0x1A200] =	vst v63  }
0x60: {  	s26 =	spop (v2sf)  }
0x61: {  	(v2sf) =	vpush v42, $0xD;
	[tilespmem:s14], [sflag:$0x1] =	stream.linear.gather [hbm4b:s26+s2], $0x400, $0x38;
	[tilespmem:$0x1A200] =	vst v63  }
0x62: {  	s22 =	sadd.s32 $0xF4280, s26  }
0x63: {  	[tilespmem:s15], [sflag:$0x1] =	stream.linear.gather [hbm4b:s22+s2], $0x400, $0x38;
	[tilespmem:$0x1A200] =	vst v63  }
0x64: {  	s0 =	spop (v2sf)  }
0x65: {  	(v2sf) =	vpush v42, $0xE;
	[tilespmem:s3], [sflag:$0x1] =	stream.linear.gather [hbm4b:s0+s2], $0x400, $0x38;
	[tilespmem:$0x1A200] =	vst v63  }
0x66: {  	s22 =	sadd.s32 $0xF4280, s0  }
0x67: {  	[tilespmem:s4], [sflag:$0x1] =	stream.linear.gather [hbm4b:s22+s2], $0x400, $0x38;
	[tilespmem:$0x1A200] =	vst v63  }
0x68: {  	s4 =	spop (v2sf)  }
0x69: {  	(v2sf) =	vpush v42, $0xF;
	[tilespmem:s5], [sflag:$0x1] =	stream.linear.gather [hbm4b:s4+s2], $0x400, $0x38;
	[tilespmem:$0x1A200] =	vst v63  }
0x6a: {  	s22 =	sadd.s32 $0xF4280, s4  }
0x6b: {  	[tilespmem:s6], [sflag:$0x1] =	stream.linear.gather [hbm4b:s22+s2], $0x400, $0x38;
	[tilespmem:$0x1A200] =	vst v63  }
0x6c: {  	s5 =	spop (v2sf)  }
0x6d: {  	[tilespmem:s7], [sflag:$0x1] =	stream.linear.gather [hbm4b:s5+s2], $0x400, $0x38;
	[tilespmem:$0x1A200] =	vst v63  }
0x6e: {  	s22 =	sadd.s32 $0xF4280, s5  }
0x6f: {  	[tilespmem:s9], [sflag:$0x1] =	stream.linear.gather [hbm4b:s22+s2], $0x400, $0x38;
	[tilespmem:$0x1A200] =	vst v63  }
0x70: {  	s6 =	spop (v2sf)  }
0x71: {  	[tilespmem:s10], [sflag:$0x1] =	stream.linear.gather [hbm4b:s6+s2], $0x400, $0x38;
	[tilespmem:$0x1A200] =	vst v63  }
0x72: {  	s22 =	sadd.s32 $0xF4280, s6  }
0x73: {  	[tilespmem:s11], [sflag:$0x1] =	stream.linear.gather [hbm4b:s22+s2], $0x400, $0x38;
	[tilespmem:$0x1A200] =	vst v63  }
0x74: {  	s7 =	spop (v2sf)  }
0x75: {  	[tilespmem:s13], [sflag:$0x1] =	stream.linear.gather [hbm4b:s7+s2], $0x400, $0x38;
	[tilespmem:$0x1A200] =	vst v63  }
0x76: {  	s22 =	sadd.s32 $0xF4280, s7  }
0x77: {  	[tilespmem:s16], [sflag:$0x1] =	stream.linear.gather [hbm4b:s22+s2], $0x400, $0x38;
	[tilespmem:$0x1A200] =	vst v63  }
0x78: {  	s10 =	simm.s32 $0x5E00;
	s9 =	spop (v2sf)  }
0x79: {  	[tilespmem:s10], [sflag:$0x1] =	stream.linear.gather [hbm4b:s9+s2], $0x400, $0x38;
	[tilespmem:$0x1A200] =	vst v63  }
0x7a: {  	s11 =	simm.s32 $0x9E00;
	s22 =	sadd.s32 $0xF4280, s9  }
0x7b: {  	[tilespmem:s11], [sflag:$0x1] =	stream.linear.gather [hbm4b:s22+s2], $0x400, $0x38;
	[tilespmem:$0x1A200] =	vst v63  }
0x7c: {  	v60 =	vld [tilespmem:$0x10];
	_ =	sdelay $0x4  }
0x7d: {  	v61 =	vshra.s32 v60, $0x1F;
	v62 =	vand.u32 $0x7F, v60  }
0x7e: {  	vm15 =	vlt.s32 v60, $0x1;
	vm14 =	vne.s32 v62, $0x0;
	v43 =	vshrl.u32 v61, $0x19  }
0x7f: {  	v42 =	vadd.s32 v43, v60;
	vm0 =	vmand vm15, vm14  }
0x80: {  	v42 =	vshrl.u32 v42, $0x7;
	v63 =	vsel vm0, $0xFFFFFFFF, v2  }
0x81: {  	v42 =	vadd.s32 v63, v42  }
0x82: {  	v42 =	vshll.u32 v42, $0x7  }
0x83: {  	v42 =	vadd.s32 s1, v42  }
0x84: {  	(v2sf) =	vpush v42, $0x0;
	_ =	sdelay $0x3  }
0x85: {  	(v2sf) =	vpush v42, $0x1;
	_ =	sdelay $0x3  }
0x86: {  	(v2sf) =	vpush v42, $0x2;
	_ =	sdelay $0x3  }
0x87: {  	(v2sf) =	vpush v42, $0x3;
	_ =	sdelay $0x2  }
0x88: {  	s13 =	spop (v2sf)  }
0x89: {  	(v2sf) =	vpush v42, $0x4;
	[tilespmem:s12], [sflag:$0x2] =	stream.linear.gather [hbm4b:s13+s2], $0x400, $0x38;
	[tilespmem:$0x1A200] =	vst v63  }
0x8a: {  	s14 =	simm.s32 $0xE200;
	s22 =	sadd.s32 $0xF4280, s13  }
0x8b: {  	[tilespmem:s14], [sflag:$0x2] =	stream.linear.gather [hbm4b:s22+s2], $0x400, $0x38;
	[tilespmem:$0x1A200] =	vst v63  }
0x8c: {  	s16 =	simm.s32 $0xA600;
	s15 =	spop (v2sf)  }
0x8d: {  	(v2sf) =	vpush v42, $0x5;
	[tilespmem:s16], [sflag:$0x2] =	stream.linear.gather [hbm4b:s15+s2], $0x400, $0x38;
	[tilespmem:$0x1A200] =	vst v63  }
0x8e: {  	s23 =	simm.s32 $0xE600;
	s22 =	sadd.s32 $0xF4280, s15  }
0x8f: {  	[tilespmem:s23], [sflag:$0x2] =	stream.linear.gather [hbm4b:s22+s2], $0x400, $0x38;
	[tilespmem:$0x1A200] =	vst v63  }
0x90: {  	s25 =	simm.s32 $0xAA00;
	s24 =	spop (v2sf)  }
0x91: {  	(v2sf) =	vpush v42, $0x6;
	[tilespmem:s25], [sflag:$0x2] =	stream.linear.gather [hbm4b:s24+s2], $0x400, $0x38;
	[tilespmem:$0x1A200] =	vst v63  }
0x92: {  	s26 =	simm.s32 $0xEA00;
	s22 =	sadd.s32 $0xF4280, s24  }
0x93: {  	[tilespmem:s26], [sflag:$0x2] =	stream.linear.gather [hbm4b:s22+s2], $0x400, $0x38;
	[tilespmem:$0x1A200] =	vst v63  }
0x94: {  	s4 =	simm.s32 $0xAE00;
	s3 =	spop (v2sf)  }
0x95: {  	(v2sf) =	vpush v42, $0x7;
	[tilespmem:s4], [sflag:$0x2] =	stream.linear.gather [hbm4b:s3+s2], $0x400, $0x38;
	[tilespmem:$0x1A200] =	vst v63  }
0x96: {  	s5 =	simm.s32 $0xEE00;
	s22 =	sadd.s32 $0xF4280, s3  }
0x97: {  	[tilespmem:s5], [sflag:$0x2] =	stream.linear.gather [hbm4b:s22+s2], $0x400, $0x38;
	[tilespmem:$0x1A200] =	vst v63  }
0x98: {  	s7 =	simm.s32 $0xB200;
	s6 =	spop (v2sf)  }
0x99: {  	(v2sf) =	vpush v42, $0x8;
	[tilespmem:s7], [sflag:$0x2] =	stream.linear.gather [hbm4b:s6+s2], $0x400, $0x38;
	[tilespmem:$0x1A200] =	vst v63  }
0x9a: {  	s9 =	simm.s32 $0xF200;
	s22 =	sadd.s32 $0xF4280, s6  }
0x9b: {  	[tilespmem:s9], [sflag:$0x2] =	stream.linear.gather [hbm4b:s22+s2], $0x400, $0x38;
	[tilespmem:$0x1A200] =	vst v63  }
0x9c: {  	s11 =	simm.s32 $0xB600;
	s10 =	spop (v2sf)  }
0x9d: {  	(v2sf) =	vpush v42, $0x9;
	[tilespmem:s11], [sflag:$0x2] =	stream.linear.gather [hbm4b:s10+s2], $0x400, $0x38;
	[tilespmem:$0x1A200] =	vst v63  }
0x9e: {  	s13 =	simm.s32 $0xF600;
	s22 =	sadd.s32 $0xF4280, s10  }
0x9f: {  	[tilespmem:s13], [sflag:$0x2] =	stream.linear.gather [hbm4b:s22+s2], $0x400, $0x38;
	[tilespmem:$0x1A200] =	vst v63  }
0xa0: {  	s15 =	simm.s32 $0xBA00;
	s14 =	spop (v2sf)  }
0xa1: {  	(v2sf) =	vpush v42, $0xA;
	[tilespmem:s15], [sflag:$0x2] =	stream.linear.gather [hbm4b:s14+s2], $0x400, $0x38;
	[tilespmem:$0x1A200] =	vst v63  }
0xa2: {  	s16 =	simm.s32 $0xFA00;
	s22 =	sadd.s32 $0xF4280, s14  }
0xa3: {  	[tilespmem:s16], [sflag:$0x2] =	stream.linear.gather [hbm4b:s22+s2], $0x400, $0x38;
	[tilespmem:$0x1A200] =	vst v63  }
0xa4: {  	s24 =	simm.s32 $0xBE00;
	s23 =	spop (v2sf)  }
0xa5: {  	(v2sf) =	vpush v42, $0xB;
	[tilespmem:s24], [sflag:$0x2] =	stream.linear.gather [hbm4b:s23+s2], $0x400, $0x38;
	[tilespmem:$0x1A200] =	vst v63  }
0xa6: {  	s25 =	simm.s32 $0xFE00;
	s22 =	sadd.s32 $0xF4280, s23  }
0xa7: {  	[tilespmem:s25], [sflag:$0x2] =	stream.linear.gather [hbm4b:s22+s2], $0x400, $0x38;
	[tilespmem:$0x1A200] =	vst v63  }
0xa8: {  	s3 =	simm.s32 $0xC200;
	s26 =	spop (v2sf)  }
0xa9: {  	(v2sf) =	vpush v42, $0xC;
	[tilespmem:s3], [sflag:$0x2] =	stream.linear.gather [hbm4b:s26+s2], $0x400, $0x38;
	[tilespmem:$0x1A200] =	vst v63  }
0xaa: {  	s4 =	simm.s32 $0x10200;
	s22 =	sadd.s32 $0xF4280, s26  }
0xab: {  	[tilespmem:s4], [sflag:$0x2] =	stream.linear.gather [hbm4b:s22+s2], $0x400, $0x38;
	[tilespmem:$0x1A200] =	vst v63  }
0xac: {  	s6 =	simm.s32 $0xC600;
	s5 =	spop (v2sf)  }
0xad: {  	(v2sf) =	vpush v42, $0xD;
	[tilespmem:s6], [sflag:$0x2] =	stream.linear.gather [hbm4b:s5+s2], $0x400, $0x38;
	[tilespmem:$0x1A200] =	vst v63  }
0xae: {  	s7 =	simm.s32 $0x10600;
	s22 =	sadd.s32 $0xF4280, s5  }
0xaf: {  	[tilespmem:s7], [sflag:$0x2] =	stream.linear.gather [hbm4b:s22+s2], $0x400, $0x38;
	[tilespmem:$0x1A200] =	vst v63  }
0xb0: {  	s10 =	simm.s32 $0xCA00;
	s9 =	spop (v2sf)  }
0xb1: {  	(v2sf) =	vpush v42, $0xE;
	[tilespmem:s10], [sflag:$0x2] =	stream.linear.gather [hbm4b:s9+s2], $0x400, $0x38;
	[tilespmem:$0x1A200] =	vst v63  }
0xb2: {  	s11 =	simm.s32 $0x10A00;
	s22 =	sadd.s32 $0xF4280, s9  }
0xb3: {  	[tilespmem:s11], [sflag:$0x2] =	stream.linear.gather [hbm4b:s22+s2], $0x400, $0x38;
	[tilespmem:$0x1A200] =	vst v63  }
0xb4: {  	s14 =	simm.s32 $0xCE00;
	s13 =	spop (v2sf)  }
0xb5: {  	(v2sf) =	vpush v42, $0xF;
	[tilespmem:s14], [sflag:$0x2] =	stream.linear.gather [hbm4b:s13+s2], $0x400, $0x38;
	[tilespmem:$0x1A200] =	vst v63  }
0xb6: {  	s15 =	simm.s32 $0x10E00;
	s22 =	sadd.s32 $0xF4280, s13  }
0xb7: {  	[tilespmem:s15], [sflag:$0x2] =	stream.linear.gather [hbm4b:s22+s2], $0x400, $0x38;
	[tilespmem:$0x1A200] =	vst v63  }
0xb8: {  	s28 =	simm.s32 $0xDE00;
	s23 =	simm.s32 $0xD200;
	s16 =	spop (v2sf)  }
0xb9: {  	[tilespmem:s23], [sflag:$0x2] =	stream.linear.gather [hbm4b:s16+s2], $0x400, $0x38;
	[tilespmem:$0x1A200] =	vst v63  }
0xba: {  	s29 =	simm.s32 $0x11200;
	s30 =	simm.s32 $0x11E00;
	s22 =	sadd.s32 $0xF4280, s16  }
0xbb: {  	[tilespmem:s29], [sflag:$0x2] =	stream.linear.gather [hbm4b:s22+s2], $0x400, $0x38;
	[tilespmem:$0x1A200] =	vst v63  }
0xbc: {  	s31 =	simm.s32 $0xD600;
	s0 =	simm.s32 $0x11600;
	s24 =	spop (v2sf)  }
0xbd: {  	[tilespmem:s31], [sflag:$0x2] =	stream.linear.gather [hbm4b:s24+s2], $0x400, $0x38;
	[tilespmem:$0x1A200] =	vst v63  }
0xbe: {  	s3 =	simm.s32 $0xDA00;
	s4 =	simm.s32 $0x8A00;
	s22 =	sadd.s32 $0xF4280, s24  }
0xbf: {  	[tilespmem:s0], [sflag:$0x2] =	stream.linear.gather [hbm4b:s22+s2], $0x400, $0x38;
	[tilespmem:$0x1A200] =	vst v63  }
0xc0: {  	s5 =	simm.s32 $0x4E00;
	s6 =	simm.s32 $0x8E00;
	s25 =	spop (v2sf)  }
0xc1: {  	[tilespmem:s3], [sflag:$0x2] =	stream.linear.gather [hbm4b:s25+s2], $0x400, $0x38;
	[tilespmem:$0x1A200] =	vst v63  }
0xc2: {  	s7 =	simm.s32 $0x5200;
	s15 =	simm.s32 $0x11A00;
	s22 =	sadd.s32 $0xF4280, s25  }
0xc3: {  	[tilespmem:s15], [sflag:$0x2] =	stream.linear.gather [hbm4b:s22+s2], $0x400, $0x38;
	[tilespmem:$0x1A200] =	vst v63  }
0xc4: {  	s9 =	simm.s32 $0x9200;
	s10 =	simm.s32 $0x5600;
	s26 =	spop (v2sf)  }
0xc5: {  	[tilespmem:s28], [sflag:$0x2] =	stream.linear.gather [hbm4b:s26+s2], $0x400, $0x38;
	[tilespmem:$0x1A200] =	vst v63  }
0xc6: {  	s11 =	simm.s32 $0x9600;
	s13 =	simm.s32 $0x5A00;
	s22 =	sadd.s32 $0xF4280, s26  }
0xc7: {  	[tilespmem:s30], [sflag:$0x2] =	stream.linear.gather [hbm4b:s22+s2], $0x400, $0x38;
	[tilespmem:$0x1A200] =	vst v63  }
0xc8: {  	s14 =	simm.s32 $0x9A00;
	s23 =	simm.s32 $0x20;
	s22 =	simm.s32 $0x20  }
.LBB2_2:
0xc9: {  	v42 =	vld [tilespmem:s22+$0x0];
	_ =	sdelay $0x4  }
0xca: {  	v43 =	vshra.s32 v42, $0x1F;
	v44 =	vand.u32 $0x7F, v42  }
0xcb: {  	vm0 =	vlt.s32 v42, $0x1;
	v43 =	vshrl.u32 v43, $0x19;
	vm1 =	vne.s32 v44, $0x0  }
0xcc: {  	v42 =	vadd.s32 v43, v42;
	vm0 =	vmand vm0, vm1  }
0xcd: {  	v42 =	vshrl.u32 v42, $0x7;
	v58 =	vsel vm0, $0xFFFFFFFF, v2  }
0xce: {  	v42 =	vadd.s32 v58, v42  }
0xcf: {  	v42 =	vshll.u32 v42, $0x7  }
0xd0: {  	v42 =	vadd.s32 s1, v42  }
0xd1: {  	(v2sf) =	vpush v42, $0x0;
	_ =	sdelay $0x3  }
0xd2: {  	(v2sf) =	vpush v42, $0x1;
	_ =	sdelay $0x3  }
0xd3: {  	(v2sf) =	vpush v42, $0x2;
	_ =	sdelay $0x3  }
0xd4: {  	(v2sf) =	vpush v42, $0x3;
	_ =	sdelay $0x2  }
0xd5: {  	s25 =	rddreg [dreg:$0x4];
	s24 =	spop (v2sf)  }
0xd6: {  	(v2sf) =	vpush v42, $0x4;
	[tilespmem:s17], [sflag:$0x3] =	stream.linear.gather [hbm4b:s24+s2], $0x400, $0x38;
	[tilespmem:$0x1A200] =	vst v63  }
0xd7: {  	s26 =	rddreg [dreg:$0x5];
	s24 =	sadd.s32 $0xF4280, s24  }
0xd8: {  	[tilespmem:s25], [sflag:$0x3] =	stream.linear.gather [hbm4b:s24+s2], $0x400, $0x38;
	[tilespmem:$0x1A200] =	vst v63  }
0xd9: {  	s16 =	rddreg [dreg:$0x6];
	s25 =	spop (v2sf)  }
0xda: {  	(v2sf) =	vpush v42, $0x5;
	[tilespmem:s26], [sflag:$0x3] =	stream.linear.gather [hbm4b:s25+s2], $0x400, $0x38;
	[tilespmem:$0x1A200] =	vst v63  }
0xdb: {  	s24 =	sadd.s32 $0xF4280, s25;
	s26 =	rddreg [dreg:$0x7]  }
0xdc: {  	[tilespmem:s16], [sflag:$0x3] =	stream.linear.gather [hbm4b:s24+s2], $0x400, $0x38;
	[tilespmem:$0x1A200] =	vst v63  }
0xdd: {  	s25 =	spop (v2sf);
	s16 =	rddreg [dreg:$0x8]  }
0xde: {  	(v2sf) =	vpush v42, $0x6;
	[tilespmem:s26], [sflag:$0x3] =	stream.linear.gather [hbm4b:s25+s2], $0x400, $0x38;
	[tilespmem:$0x1A200] =	vst v63  }
0xdf: {  	s24 =	sadd.s32 $0xF4280, s25;
	s26 =	rddreg [dreg:$0x9]  }
0xe0: {  	[tilespmem:s16], [sflag:$0x3] =	stream.linear.gather [hbm4b:s24+s2], $0x400, $0x38;
	[tilespmem:$0x1A200] =	vst v63  }
0xe1: {  	s25 =	spop (v2sf);
	s16 =	rddreg [dreg:$0xa]  }
0xe2: {  	(v2sf) =	vpush v42, $0x7;
	[tilespmem:s26], [sflag:$0x3] =	stream.linear.gather [hbm4b:s25+s2], $0x400, $0x38;
	[tilespmem:$0x1A200] =	vst v63  }
0xe3: {  	s24 =	sadd.s32 $0xF4280, s25;
	s26 =	rddreg [dreg:$0xb]  }
0xe4: {  	[tilespmem:s16], [sflag:$0x3] =	stream.linear.gather [hbm4b:s24+s2], $0x400, $0x38;
	[tilespmem:$0x1A200] =	vst v63  }
0xe5: {  	s25 =	spop (v2sf);
	s16 =	rddreg [dreg:$0xc]  }
0xe6: {  	(v2sf) =	vpush v42, $0x8;
	[tilespmem:s26], [sflag:$0x3] =	stream.linear.gather [hbm4b:s25+s2], $0x400, $0x38;
	[tilespmem:$0x1A200] =	vst v63  }
0xe7: {  	s24 =	sadd.s32 $0xF4280, s25;
	s26 =	rddreg [dreg:$0xd]  }
0xe8: {  	[tilespmem:s16], [sflag:$0x3] =	stream.linear.gather [hbm4b:s24+s2], $0x400, $0x38;
	[tilespmem:$0x1A200] =	vst v63  }
0xe9: {  	s25 =	spop (v2sf);
	s16 =	rddreg [dreg:$0xe]  }
0xea: {  	(v2sf) =	vpush v42, $0x9;
	[tilespmem:s26], [sflag:$0x3] =	stream.linear.gather [hbm4b:s25+s2], $0x400, $0x38;
	[tilespmem:$0x1A200] =	vst v63  }
0xeb: {  	s24 =	sadd.s32 $0xF4280, s25;
	s26 =	rddreg [dreg:$0xf]  }
0xec: {  	[tilespmem:s16], [sflag:$0x3] =	stream.linear.gather [hbm4b:s24+s2], $0x400, $0x38;
	[tilespmem:$0x1A200] =	vst v63  }
0xed: {  	s25 =	spop (v2sf);
	s16 =	rddreg [dreg:$0x10]  }
0xee: {  	(v2sf) =	vpush v42, $0xA;
	[tilespmem:s26], [sflag:$0x3] =	stream.linear.gather [hbm4b:s25+s2], $0x400, $0x38;
	[tilespmem:$0x1A200] =	vst v63  }
0xef: {  	s24 =	sadd.s32 $0xF4280, s25;
	s26 =	rddreg [dreg:$0x11]  }
0xf0: {  	[tilespmem:s16], [sflag:$0x3] =	stream.linear.gather [hbm4b:s24+s2], $0x400, $0x38;
	[tilespmem:$0x1A200] =	vst v63  }
0xf1: {  	s25 =	spop (v2sf);
	s16 =	rddreg [dreg:$0x12]  }
0xf2: {  	(v2sf) =	vpush v42, $0xB;
	[tilespmem:s26], [sflag:$0x3] =	stream.linear.gather [hbm4b:s25+s2], $0x400, $0x38;
	[tilespmem:$0x1A200] =	vst v63  }
0xf3: {  	s24 =	sadd.s32 $0xF4280, s25;
	s26 =	rddreg [dreg:$0x13]  }
0xf4: {  	[tilespmem:s16], [sflag:$0x3] =	stream.linear.gather [hbm4b:s24+s2], $0x400, $0x38;
	[tilespmem:$0x1A200] =	vst v63  }
0xf5: {  	s25 =	spop (v2sf);
	s16 =	rddreg [dreg:$0x14]  }
0xf6: {  	(v2sf) =	vpush v42, $0xC;
	[tilespmem:s26], [sflag:$0x3] =	stream.linear.gather [hbm4b:s25+s2], $0x400, $0x38;
	[tilespmem:$0x1A200] =	vst v63  }
0xf7: {  	s24 =	sadd.s32 $0xF4280, s25;
	s26 =	rddreg [dreg:$0x15]  }
0xf8: {  	[tilespmem:s16], [sflag:$0x3] =	stream.linear.gather [hbm4b:s24+s2], $0x400, $0x38;
	[tilespmem:$0x1A200] =	vst v63  }
0xf9: {  	s25 =	spop (v2sf);
	s16 =	rddreg [dreg:$0x16]  }
0xfa: {  	(v2sf) =	vpush v42, $0xD;
	[tilespmem:s26], [sflag:$0x3] =	stream.linear.gather [hbm4b:s25+s2], $0x400, $0x38;
	[tilespmem:$0x1A200] =	vst v63  }
0xfb: {  	s24 =	sadd.s32 $0xF4280, s25;
	s26 =	rddreg [dreg:$0x17]  }
0xfc: {  	[tilespmem:s16], [sflag:$0x3] =	stream.linear.gather [hbm4b:s24+s2], $0x400, $0x38;
	[tilespmem:$0x1A200] =	vst v63  }
0xfd: {  	s25 =	spop (v2sf);
	s16 =	rddreg [dreg:$0x18]  }
0xfe: {  	(v2sf) =	vpush v42, $0xE;
	[tilespmem:s26], [sflag:$0x3] =	stream.linear.gather [hbm4b:s25+s2], $0x400, $0x38;
	[tilespmem:$0x1A200] =	vst v63  }
0xff: {  	s24 =	sadd.s32 $0xF4280, s25;
	s26 =	rddreg [dreg:$0x19]  }
0x100: {  	[tilespmem:s16], [sflag:$0x3] =	stream.linear.gather [hbm4b:s24+s2], $0x400, $0x38;
	[tilespmem:$0x1A200] =	vst v63  }
0x101: {  	s25 =	spop (v2sf);
	s16 =	rddreg [dreg:$0x1a]  }
0x102: {  	(v2sf) =	vpush v42, $0xF;
	[tilespmem:s26], [sflag:$0x3] =	stream.linear.gather [hbm4b:s25+s2], $0x400, $0x38;
	[tilespmem:$0x1A200] =	vst v63  }
0x103: {  	s24 =	sadd.s32 $0xF4280, s25;
	s26 =	rddreg [dreg:$0x1b]  }
0x104: {  	[tilespmem:s16], [sflag:$0x3] =	stream.linear.gather [hbm4b:s24+s2], $0x400, $0x38;
	[tilespmem:$0x1A200] =	vst v63  }
0x105: {  	s25 =	spop (v2sf);
	s16 =	rddreg [dreg:$0x1c]  }
0x106: {  	[tilespmem:s26], [sflag:$0x3] =	stream.linear.gather [hbm4b:s25+s2], $0x400, $0x38;
	[tilespmem:$0x1A200] =	vst v63  }
0x107: {  	s24 =	sadd.s32 $0xF4280, s25;
	s26 =	rddreg [dreg:$0x1d]  }
0x108: {  	[tilespmem:s16], [sflag:$0x3] =	stream.linear.gather [hbm4b:s24+s2], $0x400, $0x38;
	[tilespmem:$0x1A200] =	vst v63  }
0x109: {  	s25 =	spop (v2sf);
	s16 =	rddreg [dreg:$0x1e]  }
0x10a: {  	[tilespmem:s26], [sflag:$0x3] =	stream.linear.gather [hbm4b:s25+s2], $0x400, $0x38;
	[tilespmem:$0x1A200] =	vst v63  }
0x10b: {  	s24 =	sadd.s32 $0xF4280, s25;
	s26 =	rddreg [dreg:$0x1f]  }
0x10c: {  	[tilespmem:s16], [sflag:$0x3] =	stream.linear.gather [hbm4b:s24+s2], $0x400, $0x38;
	[tilespmem:$0x1A200] =	vst v63  }
0x10d: {  	s25 =	spop (v2sf);
	s16 =	sld [smem:$0x7FA]  }
0x10e: {  	[tilespmem:s26], [sflag:$0x3] =	stream.linear.gather [hbm4b:s25+s2], $0x400, $0x38;
	[tilespmem:$0x1A200] =	vst v63  }
0x10f: {  	s24 =	sadd.s32 $0xF4280, s25;
	s26 =	sld [smem:$0x7FB]  }
0x110: {  	[tilespmem:s16], [sflag:$0x3] =	stream.linear.gather [hbm4b:s24+s2], $0x400, $0x38;
	[tilespmem:$0x1A200] =	vst v63  }
0x111: {  	s25 =	spop (v2sf);
	s16 =	sld [smem:$0x7FC]  }
0x112: {  	[tilespmem:s26], [sflag:$0x3] =	stream.linear.gather [hbm4b:s25+s2], $0x400, $0x38;
	[tilespmem:$0x1A200] =	vst v63  }
0x113: {  	s24 =	sadd.s32 $0xF4280, s25  }
0x114: {  	[tilespmem:s16], [sflag:$0x3] =	stream.linear.gather [hbm4b:s24+s2], $0x400, $0x38;
	[tilespmem:$0x1A200] =	vst v63  }
0x115: {  	_ =	swait.ge [sflag:s18], $0x8000  }
0x116: {  	[sflag:s18] =	ssyncset.done $0x0  }
0x117: {  	[sflag:s18] =	ssyncadd.s32 $0xFFFF8000  }
0x118: {  	v59 =	vld [tilespmem:s22+$0xFFFFFFE0];
	_ =	sdelay $0x4  }
0x119: {  	v42 =	vand.u32 $0x7F, v59  }
0x11a: {  	v60 =	vor.u32 v1, v42  }
0x11b: {  	s16 =	sadd.s32 $0xFFFFFFE0, s23  }
0x11c: {  	v61 =	vmov s16  }
0x11d: {  	v45 =	vor.u32 s16, v0;
	v44 =	vshll.u32 v61, $0x3  }
0x11e: {  	v45 =	vand.u32 $0x7F, v45;
	v46 =	vand.u32 $0x1C00, v44  }
0x11f: {  	v46 =	vor.u32 v45, v46;
	v43 =	vld.idx.msk [tilespmem:v60+s8+$0x0], $0xffff  }
0x120: {  	v47 =	vor.u32 v3, v42;
	_ =	sdelay $0x3  }
0x121: {  	[tilespmem:v46+s19+$0x0] =	vst.idx.msk $0xffff, v43  }
0x122: {  	v62 =	vor.u32 $0x80, v46;
	v43 =	vld.idx.msk [tilespmem:v47+s8+$0x0], $0xffff  }
0x123: {  	v48 =	vor.u32 v4, v42;
	_ =	sdelay $0x3  }
0x124: {  	[tilespmem:v62+s19+$0x0] =	vst.idx.msk $0xffff, v43  }
0x125: {  	v63 =	vor.u32 $0x100, v46;
	v43 =	vld.idx.msk [tilespmem:v48+s8+$0x0], $0xffff  }
0x126: {  	v52 =	vor.u32 v5, v42;
	_ =	sdelay $0x3  }
0x127: {  	[tilespmem:v63+s19+$0x0] =	vst.idx.msk $0xffff, v43  }
0x128: {  	v53 =	vor.u32 $0x180, v46;
	v43 =	vld.idx.msk [tilespmem:v52+s8+$0x0], $0xffff  }
0x129: {  	v54 =	vor.u32 v6, v42;
	_ =	sdelay $0x3  }
0x12a: {  	[tilespmem:v53+s19+$0x0] =	vst.idx.msk $0xffff, v43  }
0x12b: {  	v55 =	vor.u32 $0x200, v46;
	v43 =	vld.idx.msk [tilespmem:v54+s8+$0x0], $0xffff  }
0x12c: {  	v56 =	vor.u32 v7, v42;
	_ =	sdelay $0x3  }
0x12d: {  	[tilespmem:v55+s19+$0x0] =	vst.idx.msk $0xffff, v43  }
0x12e: {  	v57 =	vor.u32 $0x280, v46;
	v43 =	vld.idx.msk [tilespmem:v56+s8+$0x0], $0xffff  }
0x12f: {  	v58 =	vor.u32 v8, v42;
	_ =	sdelay $0x3  }
0x130: {  	[tilespmem:v57+s19+$0x0] =	vst.idx.msk $0xffff, v43  }
0x131: {  	v59 =	vor.u32 $0x300, v46;
	v43 =	vld.idx.msk [tilespmem:v58+s8+$0x0], $0xffff  }
0x132: {  	v60 =	vor.u32 v9, v42;
	_ =	sdelay $0x3  }
0x133: {  	v61 =	vor.u32 v45, v44;
	[tilespmem:v59+s19+$0x0] =	vst.idx.msk $0xffff, v43  }
0x134: {  	v43 =	vor.u32 $0x380, v61;
	v62 =	vld.idx.msk [tilespmem:v60+s8+$0x0], $0xffff  }
0x135: {  	v63 =	vor.u32 v10, v42;
	_ =	sdelay $0x3  }
0x136: {  	[tilespmem:v43+s19+$0x0] =	vst.idx.msk $0xffff, v62  }
0x137: {  	v48 =	vadd.s32 $0x1000, v46;
	v43 =	vld.idx.msk [tilespmem:v63+s8+$0x0], $0xffff  }
0x138: {  	v49 =	vor.u32 v11, v42;
	_ =	sdelay $0x3  }
0x139: {  	[tilespmem:v48+s19+$0x0] =	vst.idx.msk $0xffff, v43  }
0x13a: {  	v50 =	vadd.s32 $0x1080, v46;
	v43 =	vld.idx.msk [tilespmem:v49+s8+$0x0], $0xffff  }
0x13b: {  	v51 =	vor.u32 v12, v42;
	_ =	sdelay $0x3  }
0x13c: {  	[tilespmem:v50+s19+$0x0] =	vst.idx.msk $0xffff, v43  }
0x13d: {  	v52 =	vadd.s32 $0x1100, v46;
	v43 =	vld.idx.msk [tilespmem:v51+s8+$0x0], $0xffff  }
0x13e: {  	v53 =	vor.u32 v13, v42;
	_ =	sdelay $0x3  }
0x13f: {  	[tilespmem:v52+s19+$0x0] =	vst.idx.msk $0xffff, v43  }
0x140: {  	v54 =	vadd.s32 $0x1180, v46;
	v43 =	vld.idx.msk [tilespmem:v53+s8+$0x0], $0xffff  }
0x141: {  	v55 =	vor.u32 v14, v42;
	_ =	sdelay $0x3  }
0x142: {  	[tilespmem:v54+s19+$0x0] =	vst.idx.msk $0xffff, v43  }
0x143: {  	v56 =	vadd.s32 $0x1200, v46;
	v43 =	vld.idx.msk [tilespmem:v55+s8+$0x0], $0xffff  }
0x144: {  	v57 =	vor.u32 v15, v42;
	_ =	sdelay $0x3  }
0x145: {  	[tilespmem:v56+s19+$0x0] =	vst.idx.msk $0xffff, v43  }
0x146: {  	v58 =	vadd.s32 $0x1280, v46;
	v43 =	vld.idx.msk [tilespmem:v57+s8+$0x0], $0xffff  }
0x147: {  	v59 =	vor.u32 v16, v42;
	_ =	sdelay $0x3  }
0x148: {  	[tilespmem:v58+s19+$0x0] =	vst.idx.msk $0xffff, v43  }
0x149: {  	v60 =	vadd.s32 $0x1300, v46;
	v43 =	vld.idx.msk [tilespmem:v59+s8+$0x0], $0xffff  }
0x14a: {  	v42 =	vor.u32 v17, v42;
	_ =	sdelay $0x3  }
0x14b: {  	[tilespmem:v60+s19+$0x0] =	vst.idx.msk $0xffff, v43  }
0x14c: {  	v61 =	vadd.s32 $0x1380, v46;
	v42 =	vld.idx.msk [tilespmem:v42+s8+$0x0], $0xffff;
	_ =	sdelay $0x4  }
0x14d: {  	[tilespmem:v61+s19+$0x0] =	vst.idx.msk $0xffff, v42  }
0x14e: {  	v42 =	vld [tilespmem:s22+$0x10];
	_ =	sdelay $0x4  }
0x14f: {  	v62 =	vshra.s32 v42, $0x1F;
	v63 =	vand.u32 $0x7F, v42  }
0x150: {  	vm12 =	vlt.s32 v42, $0x1;
	v43 =	vshrl.u32 v62, $0x19;
	vm13 =	vne.s32 v63, $0x0  }
0x151: {  	v42 =	vadd.s32 v43, v42;
	vm0 =	vmand vm12, vm13  }
0x152: {  	v42 =	vshrl.u32 v42, $0x7;
	v46 =	vsel vm0, $0xFFFFFFFF, v2  }
0x153: {  	v42 =	vadd.s32 v46, v42  }
0x154: {  	v42 =	vshll.u32 v42, $0x7  }
0x155: {  	v42 =	vadd.s32 s1, v42  }
0x156: {  	(v2sf) =	vpush v42, $0x0;
	_ =	sdelay $0x3  }
0x157: {  	(v2sf) =	vpush v42, $0x1;
	_ =	sdelay $0x3  }
0x158: {  	(v2sf) =	vpush v42, $0x2;
	_ =	sdelay $0x3  }
0x159: {  	(v2sf) =	vpush v42, $0x3;
	_ =	sdelay $0x2  }
0x15a: {  	s16 =	spop (v2sf)  }
0x15b: {  	(v2sf) =	vpush v42, $0x4;
	[tilespmem:s8], [sflag:$0x1] =	stream.linear.gather [hbm4b:s16+s2], $0x400, $0x38;
	[tilespmem:$0x1A200] =	vst v63  }
0x15c: {  	s25 =	simm.s32 $0x6200;
	s24 =	sadd.s32 $0xF4280, s16  }
0x15d: {  	[tilespmem:s25], [sflag:$0x1] =	stream.linear.gather [hbm4b:s24+s2], $0x400, $0x38;
	[tilespmem:$0x1A200] =	vst v63  }
0x15e: {  	s26 =	simm.s32 $0x2600;
	s16 =	spop (v2sf)  }
0x15f: {  	(v2sf) =	vpush v42, $0x5;
	[tilespmem:s26], [sflag:$0x1] =	stream.linear.gather [hbm4b:s16+s2], $0x400, $0x38;
	[tilespmem:$0x1A200] =	vst v63  }
0x160: {  	s24 =	sadd.s32 $0xF4280, s16;
	s16 =	simm.s32 $0x6600  }
0x161: {  	[tilespmem:s16], [sflag:$0x1] =	stream.linear.gather [hbm4b:s24+s2], $0x400, $0x38;
	[tilespmem:$0x1A200] =	vst v63  }
0x162: {  	s24 =	spop (v2sf);
	s16 =	simm.s32 $0x2A00  }
0x163: {  	(v2sf) =	vpush v42, $0x6;
	[tilespmem:s16], [sflag:$0x1] =	stream.linear.gather [hbm4b:s24+s2], $0x400, $0x38;
	[tilespmem:$0x1A200] =	vst v63  }
0x164: {  	s24 =	sadd.s32 $0xF4280, s24;
	s16 =	simm.s32 $0x6A00  }
0x165: {  	[tilespmem:s16], [sflag:$0x1] =	stream.linear.gather [hbm4b:s24+s2], $0x400, $0x38;
	[tilespmem:$0x1A200] =	vst v63  }
0x166: {  	s24 =	spop (v2sf);
	s16 =	simm.s32 $0x2E00  }
0x167: {  	(v2sf) =	vpush v42, $0x7;
	[tilespmem:s16], [sflag:$0x1] =	stream.linear.gather [hbm4b:s24+s2], $0x400, $0x38;
	[tilespmem:$0x1A200] =	vst v63  }
0x168: {  	s24 =	sadd.s32 $0xF4280, s24;
	s16 =	simm.s32 $0x6E00  }
0x169: {  	[tilespmem:s16], [sflag:$0x1] =	stream.linear.gather [hbm4b:s24+s2], $0x400, $0x38;
	[tilespmem:$0x1A200] =	vst v63  }
0x16a: {  	s24 =	spop (v2sf);
	s16 =	simm.s32 $0x3200  }
0x16b: {  	(v2sf) =	vpush v42, $0x8;
	[tilespmem:s16], [sflag:$0x1] =	stream.linear.gather [hbm4b:s24+s2], $0x400, $0x38;
	[tilespmem:$0x1A200] =	vst v63  }
0x16c: {  	s24 =	sadd.s32 $0xF4280, s24;
	s16 =	simm.s32 $0x7200  }
0x16d: {  	[tilespmem:s16], [sflag:$0x1] =	stream.linear.gather [hbm4b:s24+s2], $0x400, $0x38;
	[tilespmem:$0x1A200] =	vst v63  }
0x16e: {  	s24 =	spop (v2sf);
	s16 =	simm.s32 $0x3600  }
0x16f: {  	(v2sf) =	vpush v42, $0x9;
	[tilespmem:s16], [sflag:$0x1] =	stream.linear.gather [hbm4b:s24+s2], $0x400, $0x38;
	[tilespmem:$0x1A200] =	vst v63  }
0x170: {  	s24 =	sadd.s32 $0xF4280, s24;
	s16 =	simm.s32 $0x7600  }
0x171: {  	[tilespmem:s16], [sflag:$0x1] =	stream.linear.gather [hbm4b:s24+s2], $0x400, $0x38;
	[tilespmem:$0x1A200] =	vst v63  }
0x172: {  	s24 =	spop (v2sf);
	s16 =	simm.s32 $0x3A00  }
0x173: {  	(v2sf) =	vpush v42, $0xA;
	[tilespmem:s16], [sflag:$0x1] =	stream.linear.gather [hbm4b:s24+s2], $0x400, $0x38;
	[tilespmem:$0x1A200] =	vst v63  }
0x174: {  	s24 =	sadd.s32 $0xF4280, s24;
	s16 =	simm.s32 $0x7A00  }
0x175: {  	[tilespmem:s16], [sflag:$0x1] =	stream.linear.gather [hbm4b:s24+s2], $0x400, $0x38;
	[tilespmem:$0x1A200] =	vst v63  }
0x176: {  	s24 =	spop (v2sf);
	s16 =	simm.s32 $0x3E00  }
0x177: {  	(v2sf) =	vpush v42, $0xB;
	[tilespmem:s16], [sflag:$0x1] =	stream.linear.gather [hbm4b:s24+s2], $0x400, $0x38;
	[tilespmem:$0x1A200] =	vst v63  }
0x178: {  	s24 =	sadd.s32 $0xF4280, s24;
	s16 =	simm.s32 $0x7E00  }
0x179: {  	[tilespmem:s16], [sflag:$0x1] =	stream.linear.gather [hbm4b:s24+s2], $0x400, $0x38;
	[tilespmem:$0x1A200] =	vst v63  }
0x17a: {  	s24 =	spop (v2sf);
	s16 =	simm.s32 $0x4200  }
0x17b: {  	(v2sf) =	vpush v42, $0xC;
	[tilespmem:s16], [sflag:$0x1] =	stream.linear.gather [hbm4b:s24+s2], $0x400, $0x38;
	[tilespmem:$0x1A200] =	vst v63  }
0x17c: {  	s24 =	sadd.s32 $0xF4280, s24;
	s16 =	simm.s32 $0x8200  }
0x17d: {  	[tilespmem:s16], [sflag:$0x1] =	stream.linear.gather [hbm4b:s24+s2], $0x400, $0x38;
	[tilespmem:$0x1A200] =	vst v63  }
0x17e: {  	s24 =	spop (v2sf);
	s16 =	simm.s32 $0x4600  }
0x17f: {  	(v2sf) =	vpush v42, $0xD;
	[tilespmem:s16], [sflag:$0x1] =	stream.linear.gather [hbm4b:s24+s2], $0x400, $0x38;
	[tilespmem:$0x1A200] =	vst v63  }
0x180: {  	s24 =	sadd.s32 $0xF4280, s24;
	s16 =	simm.s32 $0x8600  }
0x181: {  	[tilespmem:s16], [sflag:$0x1] =	stream.linear.gather [hbm4b:s24+s2], $0x400, $0x38;
	[tilespmem:$0x1A200] =	vst v63  }
0x182: {  	s24 =	spop (v2sf);
	s16 =	simm.s32 $0x4A00  }
0x183: {  	(v2sf) =	vpush v42, $0xE;
	[tilespmem:s16], [sflag:$0x1] =	stream.linear.gather [hbm4b:s24+s2], $0x400, $0x38;
	[tilespmem:$0x1A200] =	vst v63  }
0x184: {  	s24 =	sadd.s32 $0xF4280, s24  }
0x185: {  	[tilespmem:s4], [sflag:$0x1] =	stream.linear.gather [hbm4b:s24+s2], $0x400, $0x38;
	[tilespmem:$0x1A200] =	vst v63  }
0x186: {  	s16 =	spop (v2sf)  }
0x187: {  	(v2sf) =	vpush v42, $0xF;
	[tilespmem:s5], [sflag:$0x1] =	stream.linear.gather [hbm4b:s16+s2], $0x400, $0x38;
	[tilespmem:$0x1A200] =	vst v63  }
0x188: {  	s24 =	sadd.s32 $0xF4280, s16  }
0x189: {  	[tilespmem:s6], [sflag:$0x1] =	stream.linear.gather [hbm4b:s24+s2], $0x400, $0x38;
	[tilespmem:$0x1A200] =	vst v63  }
0x18a: {  	s16 =	spop (v2sf)  }
0x18b: {  	[tilespmem:s7], [sflag:$0x1] =	stream.linear.gather [hbm4b:s16+s2], $0x400, $0x38;
	[tilespmem:$0x1A200] =	vst v63  }
0x18c: {  	s24 =	sadd.s32 $0xF4280, s16  }
0x18d: {  	[tilespmem:s9], [sflag:$0x1] =	stream.linear.gather [hbm4b:s24+s2], $0x400, $0x38;
	[tilespmem:$0x1A200] =	vst v63  }
0x18e: {  	s16 =	spop (v2sf)  }
0x18f: {  	[tilespmem:s10], [sflag:$0x1] =	stream.linear.gather [hbm4b:s16+s2], $0x400, $0x38;
	[tilespmem:$0x1A200] =	vst v63  }
0x190: {  	s24 =	sadd.s32 $0xF4280, s16  }
0x191: {  	[tilespmem:s11], [sflag:$0x1] =	stream.linear.gather [hbm4b:s24+s2], $0x400, $0x38;
	[tilespmem:$0x1A200] =	vst v63  }
0x192: {  	s16 =	spop (v2sf)  }
0x193: {  	[tilespmem:s13], [sflag:$0x1] =	stream.linear.gather [hbm4b:s16+s2], $0x400, $0x38;
	[tilespmem:$0x1A200] =	vst v63  }
0x194: {  	s24 =	sadd.s32 $0xF4280, s16  }
0x195: {  	[tilespmem:s14], [sflag:$0x1] =	stream.linear.gather [hbm4b:s24+s2], $0x400, $0x38;
	[tilespmem:$0x1A200] =	vst v63  }
0x196: {  	s16 =	simm.s32 $0x5E00;
	s24 =	spop (v2sf)  }
0x197: {  	[tilespmem:s16], [sflag:$0x1] =	stream.linear.gather [hbm4b:s24+s2], $0x400, $0x38;
	[tilespmem:$0x1A200] =	vst v63  }
0x198: {  	s24 =	sadd.s32 $0xF4280, s24;
	s16 =	simm.s32 $0x9E00  }
0x199: {  	[tilespmem:s16], [sflag:$0x1] =	stream.linear.gather [hbm4b:s24+s2], $0x400, $0x38;
	[tilespmem:$0x1A200] =	vst v63  }
0x19a: {  	_ =	swait.ge [sflag:s20], $0x8000  }
0x19b: {  	[sflag:s20] =	ssyncset.done $0x0  }
0x19c: {  	[sflag:s20] =	ssyncadd.s32 $0xFFFF8000  }
0x19d: {  	v47 =	vld [tilespmem:s22+$0xFFFFFFF0];
	_ =	sdelay $0x4  }
0x19e: {  	v42 =	vand.u32 $0x7F, v47  }
0x19f: {  	v48 =	vor.u32 v1, v42  }
0x1a0: {  	s16 =	sadd.s32 $0xFFFFFFF0, s23  }
0x1a1: {  	v49 =	vmov s16  }
0x1a2: {  	v50 =	vor.u32 s16, v0;
	v44 =	vshll.u32 v49, $0x3  }
0x1a3: {  	v45 =	vand.u32 $0x7F, v50;
	v51 =	vand.u32 $0x3C00, v44  }
0x1a4: {  	v46 =	vor.u32 v45, v51;
	v43 =	vld.idx.msk [tilespmem:v48+s12+$0x0], $0xffff  }
0x1a5: {  	v52 =	vor.u32 v3, v42;
	_ =	sdelay $0x3  }
0x1a6: {  	[tilespmem:v46+s19+$0x0] =	vst.idx.msk $0xffff, v43  }
0x1a7: {  	v53 =	vor.u32 $0x80, v46;
	v43 =	vld.idx.msk [tilespmem:v52+s12+$0x0], $0xffff  }
0x1a8: {  	v54 =	vor.u32 v4, v42;
	_ =	sdelay $0x3  }
0x1a9: {  	[tilespmem:v53+s19+$0x0] =	vst.idx.msk $0xffff, v43  }
0x1aa: {  	v55 =	vor.u32 $0x100, v46;
	v43 =	vld.idx.msk [tilespmem:v54+s12+$0x0], $0xffff  }
0x1ab: {  	v56 =	vor.u32 v5, v42;
	_ =	sdelay $0x3  }
0x1ac: {  	[tilespmem:v55+s19+$0x0] =	vst.idx.msk $0xffff, v43  }
0x1ad: {  	v57 =	vor.u32 $0x180, v46;
	v43 =	vld.idx.msk [tilespmem:v56+s12+$0x0], $0xffff  }
0x1ae: {  	v58 =	vor.u32 v6, v42;
	_ =	sdelay $0x3  }
0x1af: {  	[tilespmem:v57+s19+$0x0] =	vst.idx.msk $0xffff, v43  }
0x1b0: {  	v59 =	vor.u32 $0x200, v46;
	v43 =	vld.idx.msk [tilespmem:v58+s12+$0x0], $0xffff  }
0x1b1: {  	v60 =	vor.u32 v7, v42;
	_ =	sdelay $0x3  }
0x1b2: {  	[tilespmem:v59+s19+$0x0] =	vst.idx.msk $0xffff, v43  }
0x1b3: {  	v61 =	vor.u32 $0x280, v46;
	v43 =	vld.idx.msk [tilespmem:v60+s12+$0x0], $0xffff  }
0x1b4: {  	v62 =	vor.u32 v8, v42;
	_ =	sdelay $0x3  }
0x1b5: {  	[tilespmem:v61+s19+$0x0] =	vst.idx.msk $0xffff, v43  }
0x1b6: {  	v63 =	vor.u32 $0x300, v46;
	v43 =	vld.idx.msk [tilespmem:v62+s12+$0x0], $0xffff  }
0x1b7: {  	v52 =	vor.u32 v9, v42;
	_ =	sdelay $0x3  }
0x1b8: {  	v53 =	vor.u32 v45, v44;
	[tilespmem:v63+s19+$0x0] =	vst.idx.msk $0xffff, v43  }
0x1b9: {  	v43 =	vor.u32 $0x380, v53;
	v54 =	vld.idx.msk [tilespmem:v52+s12+$0x0], $0xffff  }
0x1ba: {  	v55 =	vor.u32 v10, v42;
	_ =	sdelay $0x3  }
0x1bb: {  	[tilespmem:v43+s19+$0x0] =	vst.idx.msk $0xffff, v54  }
0x1bc: {  	v56 =	vadd.s32 $0x1000, v46;
	v43 =	vld.idx.msk [tilespmem:v55+s12+$0x0], $0xffff  }
0x1bd: {  	v57 =	vor.u32 v11, v42;
	_ =	sdelay $0x3  }
0x1be: {  	[tilespmem:v56+s19+$0x0] =	vst.idx.msk $0xffff, v43  }
0x1bf: {  	v58 =	vadd.s32 $0x1080, v46;
	v43 =	vld.idx.msk [tilespmem:v57+s12+$0x0], $0xffff  }
0x1c0: {  	v59 =	vor.u32 v12, v42;
	_ =	sdelay $0x3  }
0x1c1: {  	[tilespmem:v58+s19+$0x0] =	vst.idx.msk $0xffff, v43  }
0x1c2: {  	v60 =	vadd.s32 $0x1100, v46;
	v43 =	vld.idx.msk [tilespmem:v59+s12+$0x0], $0xffff  }
0x1c3: {  	v61 =	vor.u32 v13, v42;
	_ =	sdelay $0x3  }
0x1c4: {  	[tilespmem:v60+s19+$0x0] =	vst.idx.msk $0xffff, v43  }
0x1c5: {  	v62 =	vadd.s32 $0x1180, v46;
	v43 =	vld.idx.msk [tilespmem:v61+s12+$0x0], $0xffff  }
0x1c6: {  	v63 =	vor.u32 v14, v42;
	_ =	sdelay $0x3  }
0x1c7: {  	[tilespmem:v62+s19+$0x0] =	vst.idx.msk $0xffff, v43  }
0x1c8: {  	v48 =	vadd.s32 $0x1200, v46;
	v43 =	vld.idx.msk [tilespmem:v63+s12+$0x0], $0xffff  }
0x1c9: {  	v49 =	vor.u32 v15, v42;
	_ =	sdelay $0x3  }
0x1ca: {  	[tilespmem:v48+s19+$0x0] =	vst.idx.msk $0xffff, v43  }
0x1cb: {  	v50 =	vadd.s32 $0x1280, v46;
	v43 =	vld.idx.msk [tilespmem:v49+s12+$0x0], $0xffff  }
0x1cc: {  	v51 =	vor.u32 v16, v42;
	_ =	sdelay $0x3  }
0x1cd: {  	[tilespmem:v50+s19+$0x0] =	vst.idx.msk $0xffff, v43  }
0x1ce: {  	v52 =	vadd.s32 $0x1300, v46;
	v43 =	vld.idx.msk [tilespmem:v51+s12+$0x0], $0xffff  }
0x1cf: {  	v42 =	vor.u32 v17, v42;
	_ =	sdelay $0x3  }
0x1d0: {  	[tilespmem:v52+s19+$0x0] =	vst.idx.msk $0xffff, v43  }
0x1d1: {  	v53 =	vadd.s32 $0x1380, v46;
	v42 =	vld.idx.msk [tilespmem:v42+s12+$0x0], $0xffff;
	_ =	sdelay $0x4  }
0x1d2: {  	[tilespmem:v53+s19+$0x0] =	vst.idx.msk $0xffff, v42  }
0x1d3: {  	v42 =	vld [tilespmem:s22+$0x20];
	_ =	sdelay $0x4  }
0x1d4: {  	v54 =	vshra.s32 v42, $0x1F;
	v55 =	vand.u32 $0x7F, v42  }
0x1d5: {  	vm14 =	vlt.s32 v42, $0x1;
	v43 =	vshrl.u32 v54, $0x19;
	vm15 =	vne.s32 v55, $0x0  }
0x1d6: {  	v42 =	vadd.s32 v43, v42;
	vm0 =	vmand vm14, vm15  }
0x1d7: {  	v42 =	vshrl.u32 v42, $0x7;
	v56 =	vsel vm0, $0xFFFFFFFF, v2  }
0x1d8: {  	v42 =	vadd.s32 v56, v42  }
0x1d9: {  	v42 =	vshll.u32 v42, $0x7  }
0x1da: {  	v42 =	vadd.s32 s1, v42  }
0x1db: {  	(v2sf) =	vpush v42, $0x0;
	_ =	sdelay $0x3  }
0x1dc: {  	(v2sf) =	vpush v42, $0x1;
	_ =	sdelay $0x3  }
0x1dd: {  	(v2sf) =	vpush v42, $0x2;
	_ =	sdelay $0x3  }
0x1de: {  	(v2sf) =	vpush v42, $0x3;
	_ =	sdelay $0x2  }
0x1df: {  	s16 =	spop (v2sf)  }
0x1e0: {  	(v2sf) =	vpush v42, $0x4;
	[tilespmem:s12], [sflag:$0x2] =	stream.linear.gather [hbm4b:s16+s2], $0x400, $0x38;
	[tilespmem:$0x1A200] =	vst v63  }
0x1e1: {  	s24 =	sadd.s32 $0xF4280, s16;
	s16 =	simm.s32 $0xE200  }
0x1e2: {  	[tilespmem:s16], [sflag:$0x2] =	stream.linear.gather [hbm4b:s24+s2], $0x400, $0x38;
	[tilespmem:$0x1A200] =	vst v63  }
0x1e3: {  	s24 =	spop (v2sf);
	s16 =	simm.s32 $0xA600  }
0x1e4: {  	(v2sf) =	vpush v42, $0x5;
	[tilespmem:s16], [sflag:$0x2] =	stream.linear.gather [hbm4b:s24+s2], $0x400, $0x38;
	[tilespmem:$0x1A200] =	vst v63  }
0x1e5: {  	s24 =	sadd.s32 $0xF4280, s24;
	s16 =	simm.s32 $0xE600  }
0x1e6: {  	[tilespmem:s16], [sflag:$0x2] =	stream.linear.gather [hbm4b:s24+s2], $0x400, $0x38;
	[tilespmem:$0x1A200] =	vst v63  }
0x1e7: {  	s24 =	spop (v2sf);
	s16 =	simm.s32 $0xAA00  }
0x1e8: {  	(v2sf) =	vpush v42, $0x6;
	[tilespmem:s16], [sflag:$0x2] =	stream.linear.gather [hbm4b:s24+s2], $0x400, $0x38;
	[tilespmem:$0x1A200] =	vst v63  }
0x1e9: {  	s24 =	sadd.s32 $0xF4280, s24;
	s16 =	simm.s32 $0xEA00  }
0x1ea: {  	[tilespmem:s16], [sflag:$0x2] =	stream.linear.gather [hbm4b:s24+s2], $0x400, $0x38;
	[tilespmem:$0x1A200] =	vst v63  }
0x1eb: {  	s24 =	spop (v2sf);
	s16 =	simm.s32 $0xAE00  }
0x1ec: {  	(v2sf) =	vpush v42, $0x7;
	[tilespmem:s16], [sflag:$0x2] =	stream.linear.gather [hbm4b:s24+s2], $0x400, $0x38;
	[tilespmem:$0x1A200] =	vst v63  }
0x1ed: {  	s24 =	sadd.s32 $0xF4280, s24;
	s16 =	simm.s32 $0xEE00  }
0x1ee: {  	[tilespmem:s16], [sflag:$0x2] =	stream.linear.gather [hbm4b:s24+s2], $0x400, $0x38;
	[tilespmem:$0x1A200] =	vst v63  }
0x1ef: {  	s24 =	spop (v2sf);
	s16 =	simm.s32 $0xB200  }
0x1f0: {  	(v2sf) =	vpush v42, $0x8;
	[tilespmem:s16], [sflag:$0x2] =	stream.linear.gather [hbm4b:s24+s2], $0x400, $0x38;
	[tilespmem:$0x1A200] =	vst v63  }
0x1f1: {  	s24 =	sadd.s32 $0xF4280, s24;
	s16 =	simm.s32 $0xF200  }
0x1f2: {  	[tilespmem:s16], [sflag:$0x2] =	stream.linear.gather [hbm4b:s24+s2], $0x400, $0x38;
	[tilespmem:$0x1A200] =	vst v63  }
0x1f3: {  	s24 =	spop (v2sf);
	s16 =	simm.s32 $0xB600  }
0x1f4: {  	(v2sf) =	vpush v42, $0x9;
	[tilespmem:s16], [sflag:$0x2] =	stream.linear.gather [hbm4b:s24+s2], $0x400, $0x38;
	[tilespmem:$0x1A200] =	vst v63  }
0x1f5: {  	s24 =	sadd.s32 $0xF4280, s24;
	s16 =	simm.s32 $0xF600  }
0x1f6: {  	[tilespmem:s16], [sflag:$0x2] =	stream.linear.gather [hbm4b:s24+s2], $0x400, $0x38;
	[tilespmem:$0x1A200] =	vst v63  }
0x1f7: {  	s24 =	spop (v2sf);
	s16 =	simm.s32 $0xBA00  }
0x1f8: {  	(v2sf) =	vpush v42, $0xA;
	[tilespmem:s16], [sflag:$0x2] =	stream.linear.gather [hbm4b:s24+s2], $0x400, $0x38;
	[tilespmem:$0x1A200] =	vst v63  }
0x1f9: {  	s24 =	sadd.s32 $0xF4280, s24;
	s16 =	simm.s32 $0xFA00  }
0x1fa: {  	[tilespmem:s16], [sflag:$0x2] =	stream.linear.gather [hbm4b:s24+s2], $0x400, $0x38;
	[tilespmem:$0x1A200] =	vst v63  }
0x1fb: {  	s24 =	spop (v2sf);
	s16 =	simm.s32 $0xBE00  }
0x1fc: {  	(v2sf) =	vpush v42, $0xB;
	[tilespmem:s16], [sflag:$0x2] =	stream.linear.gather [hbm4b:s24+s2], $0x400, $0x38;
	[tilespmem:$0x1A200] =	vst v63  }
0x1fd: {  	s24 =	sadd.s32 $0xF4280, s24;
	s16 =	simm.s32 $0xFE00  }
0x1fe: {  	[tilespmem:s16], [sflag:$0x2] =	stream.linear.gather [hbm4b:s24+s2], $0x400, $0x38;
	[tilespmem:$0x1A200] =	vst v63  }
0x1ff: {  	s24 =	spop (v2sf);
	s16 =	simm.s32 $0xC200  }
0x200: {  	(v2sf) =	vpush v42, $0xC;
	[tilespmem:s16], [sflag:$0x2] =	stream.linear.gather [hbm4b:s24+s2], $0x400, $0x38;
	[tilespmem:$0x1A200] =	vst v63  }
0x201: {  	s24 =	sadd.s32 $0xF4280, s24;
	s16 =	simm.s32 $0x10200  }
0x202: {  	[tilespmem:s16], [sflag:$0x2] =	stream.linear.gather [hbm4b:s24+s2], $0x400, $0x38;
	[tilespmem:$0x1A200] =	vst v63  }
0x203: {  	s24 =	spop (v2sf);
	s16 =	simm.s32 $0xC600  }
0x204: {  	(v2sf) =	vpush v42, $0xD;
	[tilespmem:s16], [sflag:$0x2] =	stream.linear.gather [hbm4b:s24+s2], $0x400, $0x38;
	[tilespmem:$0x1A200] =	vst v63  }
0x205: {  	s24 =	sadd.s32 $0xF4280, s24;
	s16 =	simm.s32 $0x10600  }
0x206: {  	[tilespmem:s16], [sflag:$0x2] =	stream.linear.gather [hbm4b:s24+s2], $0x400, $0x38;
	[tilespmem:$0x1A200] =	vst v63  }
0x207: {  	s24 =	spop (v2sf);
	s16 =	simm.s32 $0xCA00  }
0x208: {  	(v2sf) =	vpush v42, $0xE;
	[tilespmem:s16], [sflag:$0x2] =	stream.linear.gather [hbm4b:s24+s2], $0x400, $0x38;
	[tilespmem:$0x1A200] =	vst v63  }
0x209: {  	s24 =	sadd.s32 $0xF4280, s24;
	s16 =	simm.s32 $0x10A00  }
0x20a: {  	[tilespmem:s16], [sflag:$0x2] =	stream.linear.gather [hbm4b:s24+s2], $0x400, $0x38;
	[tilespmem:$0x1A200] =	vst v63  }
0x20b: {  	s24 =	spop (v2sf);
	s16 =	simm.s32 $0xCE00  }
0x20c: {  	(v2sf) =	vpush v42, $0xF;
	[tilespmem:s16], [sflag:$0x2] =	stream.linear.gather [hbm4b:s24+s2], $0x400, $0x38;
	[tilespmem:$0x1A200] =	vst v63  }
0x20d: {  	s24 =	sadd.s32 $0xF4280, s24;
	s16 =	simm.s32 $0x10E00  }
0x20e: {  	[tilespmem:s16], [sflag:$0x2] =	stream.linear.gather [hbm4b:s24+s2], $0x400, $0x38;
	[tilespmem:$0x1A200] =	vst v63  }
0x20f: {  	s24 =	spop (v2sf);
	s16 =	simm.s32 $0xD200  }
0x210: {  	[tilespmem:s16], [sflag:$0x2] =	stream.linear.gather [hbm4b:s24+s2], $0x400, $0x38;
	[tilespmem:$0x1A200] =	vst v63  }
0x211: {  	s24 =	sadd.s32 $0xF4280, s24  }
0x212: {  	[tilespmem:s29], [sflag:$0x2] =	stream.linear.gather [hbm4b:s24+s2], $0x400, $0x38;
	[tilespmem:$0x1A200] =	vst v63  }
0x213: {  	s16 =	spop (v2sf)  }
0x214: {  	[tilespmem:s31], [sflag:$0x2] =	stream.linear.gather [hbm4b:s16+s2], $0x400, $0x38;
	[tilespmem:$0x1A200] =	vst v63  }
0x215: {  	s24 =	sadd.s32 $0xF4280, s16  }
0x216: {  	[tilespmem:s0], [sflag:$0x2] =	stream.linear.gather [hbm4b:s24+s2], $0x400, $0x38;
	[tilespmem:$0x1A200] =	vst v63  }
0x217: {  	s16 =	spop (v2sf)  }
0x218: {  	[tilespmem:s3], [sflag:$0x2] =	stream.linear.gather [hbm4b:s16+s2], $0x400, $0x38;
	[tilespmem:$0x1A200] =	vst v63  }
0x219: {  	s24 =	sadd.s32 $0xF4280, s16  }
0x21a: {  	[tilespmem:s15], [sflag:$0x2] =	stream.linear.gather [hbm4b:s24+s2], $0x400, $0x38;
	[tilespmem:$0x1A200] =	vst v63  }
0x21b: {  	s16 =	spop (v2sf)  }
0x21c: {  	[tilespmem:s28], [sflag:$0x2] =	stream.linear.gather [hbm4b:s16+s2], $0x400, $0x38;
	[tilespmem:$0x1A200] =	vst v63  }
0x21d: {  	s24 =	sadd.s32 $0xF4280, s16  }
0x21e: {  	[tilespmem:s30], [sflag:$0x2] =	stream.linear.gather [hbm4b:s24+s2], $0x400, $0x38;
	[tilespmem:$0x1A200] =	vst v63  }
0x21f: {  	_ =	swait.ge [sflag:s21], $0x8000  }
0x220: {  	[sflag:s21] =	ssyncset.done $0x0  }
0x221: {  	[sflag:s21] =	ssyncadd.s32 $0xFFFF8000  }
0x222: {  	v57 =	vld [tilespmem:s22+$0x0];
	_ =	sdelay $0x4  }
0x223: {  	v42 =	vand.u32 $0x7F, v57  }
0x224: {  	v58 =	vor.u32 v1, v42;
	_ =	sdelay $0x1  }
0x225: {  	v59 =	vmov s23  }
0x226: {  	v44 =	vshll.u32 v59, $0x3;
	v60 =	vor.u32 s23, v0  }
0x227: {  	v45 =	vand.u32 $0x7F, v60;
	v61 =	vand.u32 $0x3C00, v44  }
0x228: {  	v46 =	vor.u32 v45, v61;
	v43 =	vld.idx.msk [tilespmem:v58+s17+$0x0], $0xffff  }
0x229: {  	v62 =	vor.u32 v3, v42;
	_ =	sdelay $0x3  }
0x22a: {  	[tilespmem:v46+s19+$0x0] =	vst.idx.msk $0xffff, v43  }
0x22b: {  	v63 =	vor.u32 $0x80, v46;
	v43 =	vld.idx.msk [tilespmem:v62+s17+$0x0], $0xffff  }
0x22c: {  	v52 =	vor.u32 v4, v42;
	_ =	sdelay $0x3  }
0x22d: {  	[tilespmem:v63+s19+$0x0] =	vst.idx.msk $0xffff, v43  }
0x22e: {  	v53 =	vor.u32 $0x100, v46;
	v43 =	vld.idx.msk [tilespmem:v52+s17+$0x0], $0xffff  }
0x22f: {  	v54 =	vor.u32 v5, v42;
	_ =	sdelay $0x3  }
0x230: {  	[tilespmem:v53+s19+$0x0] =	vst.idx.msk $0xffff, v43  }
0x231: {  	v55 =	vor.u32 $0x180, v46;
	v43 =	vld.idx.msk [tilespmem:v54+s17+$0x0], $0xffff  }
0x232: {  	v56 =	vor.u32 v6, v42;
	_ =	sdelay $0x3  }
0x233: {  	[tilespmem:v55+s19+$0x0] =	vst.idx.msk $0xffff, v43  }
0x234: {  	v57 =	vor.u32 $0x200, v46;
	v43 =	vld.idx.msk [tilespmem:v56+s17+$0x0], $0xffff  }
0x235: {  	v58 =	vor.u32 v7, v42;
	_ =	sdelay $0x3  }
0x236: {  	[tilespmem:v57+s19+$0x0] =	vst.idx.msk $0xffff, v43  }
0x237: {  	v59 =	vor.u32 $0x280, v46;
	v43 =	vld.idx.msk [tilespmem:v58+s17+$0x0], $0xffff  }
0x238: {  	v60 =	vor.u32 v8, v42;
	_ =	sdelay $0x3  }
0x239: {  	[tilespmem:v59+s19+$0x0] =	vst.idx.msk $0xffff, v43  }
0x23a: {  	v61 =	vor.u32 $0x300, v46;
	v43 =	vld.idx.msk [tilespmem:v60+s17+$0x0], $0xffff  }
0x23b: {  	v62 =	vor.u32 v9, v42;
	_ =	sdelay $0x3  }
0x23c: {  	v63 =	vor.u32 v45, v44;
	[tilespmem:v61+s19+$0x0] =	vst.idx.msk $0xffff, v43  }
0x23d: {  	v43 =	vor.u32 $0x380, v63;
	v48 =	vld.idx.msk [tilespmem:v62+s17+$0x0], $0xffff  }
0x23e: {  	v49 =	vor.u32 v10, v42;
	_ =	sdelay $0x3  }
0x23f: {  	[tilespmem:v43+s19+$0x0] =	vst.idx.msk $0xffff, v48  }
0x240: {  	v50 =	vadd.s32 $0x1000, v46;
	v43 =	vld.idx.msk [tilespmem:v49+s17+$0x0], $0xffff  }
0x241: {  	v51 =	vor.u32 v11, v42;
	_ =	sdelay $0x3  }
0x242: {  	[tilespmem:v50+s19+$0x0] =	vst.idx.msk $0xffff, v43  }
0x243: {  	v52 =	vadd.s32 $0x1080, v46;
	v43 =	vld.idx.msk [tilespmem:v51+s17+$0x0], $0xffff  }
0x244: {  	v53 =	vor.u32 v12, v42;
	_ =	sdelay $0x3  }
0x245: {  	[tilespmem:v52+s19+$0x0] =	vst.idx.msk $0xffff, v43  }
0x246: {  	v54 =	vadd.s32 $0x1100, v46;
	v43 =	vld.idx.msk [tilespmem:v53+s17+$0x0], $0xffff  }
0x247: {  	v55 =	vor.u32 v13, v42;
	_ =	sdelay $0x3  }
0x248: {  	[tilespmem:v54+s19+$0x0] =	vst.idx.msk $0xffff, v43  }
0x249: {  	v56 =	vadd.s32 $0x1180, v46;
	v43 =	vld.idx.msk [tilespmem:v55+s17+$0x0], $0xffff  }
0x24a: {  	v57 =	vor.u32 v14, v42;
	_ =	sdelay $0x3  }
0x24b: {  	[tilespmem:v56+s19+$0x0] =	vst.idx.msk $0xffff, v43  }
0x24c: {  	v58 =	vadd.s32 $0x1200, v46;
	v43 =	vld.idx.msk [tilespmem:v57+s17+$0x0], $0xffff  }
0x24d: {  	v59 =	vor.u32 v15, v42;
	_ =	sdelay $0x3  }
0x24e: {  	[tilespmem:v58+s19+$0x0] =	vst.idx.msk $0xffff, v43  }
0x24f: {  	v60 =	vadd.s32 $0x1280, v46;
	v43 =	vld.idx.msk [tilespmem:v59+s17+$0x0], $0xffff  }
0x250: {  	v61 =	vor.u32 v16, v42;
	_ =	sdelay $0x3  }
0x251: {  	[tilespmem:v60+s19+$0x0] =	vst.idx.msk $0xffff, v43  }
0x252: {  	v62 =	vadd.s32 $0x1300, v46;
	v43 =	vld.idx.msk [tilespmem:v61+s17+$0x0], $0xffff  }
0x253: {  	v42 =	vor.u32 v17, v42;
	_ =	sdelay $0x3  }
0x254: {  	[tilespmem:v62+s19+$0x0] =	vst.idx.msk $0xffff, v43  }
0x255: {  	p0 =	sne.s32 s23, $0x1D0;
	v63 =	vadd.s32 $0x1380, v46;
	v42 =	vld.idx.msk [tilespmem:v42+s17+$0x0], $0xffff  }
.Ltmp0:
0x256: {  	_ = 	snop;
	(pc) =	sbr.rel @p0 .LBB2_2-.Ltmp0, $2  }
0x257: {  	_ =	sdelay $0x2  }
0x258: {  	s23 =	sadd.s32 $0x30, s23;
	s22 =	sadd.s32 $0x30, s22;
	[tilespmem:v63+s19+$0x0] =	vst.idx.msk $0xffff, v42  }
0x259: {  	_ =	swait.ge [sflag:s18], $0x8000  }
0x25a: {  	[sflag:s18] =	ssyncset.done $0x0  }
0x25b: {  	[sflag:s18] =	ssyncadd.s32 $0xFFFF8000  }
0x25c: {  	v42 =	vld [tilespmem:$0x1E0];
	_ =	sdelay $0x4  }
0x25d: {  	v42 =	vand.u32 $0x7F, v42  }
0x25e: {  	v43 =	vor.u32 v1, v42;
	_ =	sdelay $0x4  }
0x25f: {  	v43 =	vld.idx.msk [tilespmem:v43+s8+$0x0], $0xffff  }
0x260: {  	v44 =	vor.u32 v3, v42;
	_ =	sdelay $0x3  }
0x261: {  	[tilespmem:v18+s19+$0x0] =	vst.idx.msk $0xffff, v43  }
0x262: {  	v43 =	vld.idx.msk [tilespmem:v44+s8+$0x0], $0xffff  }
0x263: {  	v60 =	vor.u32 v4, v42;
	_ =	sdelay $0x3  }
0x264: {  	[tilespmem:v19+s19+$0x0] =	vst.idx.msk $0xffff, v43  }
0x265: {  	v43 =	vld.idx.msk [tilespmem:v60+s8+$0x0], $0xffff  }
0x266: {  	v61 =	vor.u32 v5, v42;
	_ =	sdelay $0x3  }
0x267: {  	[tilespmem:v20+s19+$0x0] =	vst.idx.msk $0xffff, v43  }
0x268: {  	v43 =	vld.idx.msk [tilespmem:v61+s8+$0x0], $0xffff  }
0x269: {  	v62 =	vor.u32 v6, v42;
	_ =	sdelay $0x3  }
0x26a: {  	[tilespmem:v21+s19+$0x0] =	vst.idx.msk $0xffff, v43  }
0x26b: {  	v43 =	vld.idx.msk [tilespmem:v62+s8+$0x0], $0xffff  }
0x26c: {  	v63 =	vor.u32 v7, v42;
	_ =	sdelay $0x3  }
0x26d: {  	[tilespmem:v22+s19+$0x0] =	vst.idx.msk $0xffff, v43  }
0x26e: {  	v43 =	vld.idx.msk [tilespmem:v63+s8+$0x0], $0xffff  }
0x26f: {  	v48 =	vor.u32 v8, v42;
	_ =	sdelay $0x3  }
0x270: {  	[tilespmem:v23+s19+$0x0] =	vst.idx.msk $0xffff, v43  }
0x271: {  	v43 =	vld.idx.msk [tilespmem:v48+s8+$0x0], $0xffff  }
0x272: {  	v49 =	vor.u32 v9, v42;
	_ =	sdelay $0x3  }
0x273: {  	[tilespmem:v24+s19+$0x0] =	vst.idx.msk $0xffff, v43  }
0x274: {  	v43 =	vld.idx.msk [tilespmem:v49+s8+$0x0], $0xffff  }
0x275: {  	v50 =	vor.u32 v10, v42;
	_ =	sdelay $0x3  }
0x276: {  	[tilespmem:v25+s19+$0x0] =	vst.idx.msk $0xffff, v43  }
0x277: {  	v43 =	vld.idx.msk [tilespmem:v50+s8+$0x0], $0xffff  }
0x278: {  	v51 =	vor.u32 v11, v42;
	_ =	sdelay $0x3  }
0x279: {  	[tilespmem:v26+s19+$0x0] =	vst.idx.msk $0xffff, v43  }
0x27a: {  	v43 =	vld.idx.msk [tilespmem:v51+s8+$0x0], $0xffff  }
0x27b: {  	v52 =	vor.u32 v12, v42;
	_ =	sdelay $0x3  }
0x27c: {  	[tilespmem:v27+s19+$0x0] =	vst.idx.msk $0xffff, v43  }
0x27d: {  	v43 =	vld.idx.msk [tilespmem:v52+s8+$0x0], $0xffff  }
0x27e: {  	v53 =	vor.u32 v13, v42;
	_ =	sdelay $0x3  }
0x27f: {  	[tilespmem:v28+s19+$0x0] =	vst.idx.msk $0xffff, v43  }
0x280: {  	v43 =	vld.idx.msk [tilespmem:v53+s8+$0x0], $0xffff  }
0x281: {  	v54 =	vor.u32 v14, v42;
	_ =	sdelay $0x3  }
0x282: {  	[tilespmem:v29+s19+$0x0] =	vst.idx.msk $0xffff, v43  }
0x283: {  	v43 =	vld.idx.msk [tilespmem:v54+s8+$0x0], $0xffff  }
0x284: {  	v55 =	vor.u32 v15, v42;
	_ =	sdelay $0x3  }
0x285: {  	[tilespmem:v30+s19+$0x0] =	vst.idx.msk $0xffff, v43  }
0x286: {  	v43 =	vld.idx.msk [tilespmem:v55+s8+$0x0], $0xffff  }
0x287: {  	v56 =	vor.u32 v16, v42;
	_ =	sdelay $0x3  }
0x288: {  	[tilespmem:v31+s19+$0x0] =	vst.idx.msk $0xffff, v43  }
0x289: {  	v43 =	vld.idx.msk [tilespmem:v56+s8+$0x0], $0xffff  }
0x28a: {  	v42 =	vor.u32 v17, v42;
	_ =	sdelay $0x3  }
0x28b: {  	[tilespmem:v32+s19+$0x0] =	vst.idx.msk $0xffff, v43  }
0x28c: {  	v42 =	vld.idx.msk [tilespmem:v42+s8+$0x0], $0xffff;
	_ =	sdelay $0x4  }
0x28d: {  	[tilespmem:v33+s19+$0x0] =	vst.idx.msk $0xffff, v42  }
0x28e: {  	_ =	swait.ge [sflag:s20], $0x8000  }
0x28f: {  	[sflag:s20] =	ssyncset.done $0x0  }
0x290: {  	[sflag:s20] =	ssyncadd.s32 $0xFFFF8000  }
0x291: {  	v57 =	vld [tilespmem:$0x1F0];
	_ =	sdelay $0x4  }
0x292: {  	v42 =	vand.u32 $0x7F, v57  }
0x293: {  	v58 =	vor.u32 v1, v42;
	_ =	sdelay $0x4  }
0x294: {  	v43 =	vld.idx.msk [tilespmem:v58+s12+$0x0], $0xffff  }
0x295: {  	v59 =	vor.u32 v3, v42;
	_ =	sdelay $0x3  }
0x296: {  	[tilespmem:v34+s19+$0x0] =	vst.idx.msk $0xffff, v43  }
0x297: {  	v43 =	vld.idx.msk [tilespmem:v59+s12+$0x0], $0xffff  }
0x298: {  	v60 =	vor.u32 v4, v42;
	_ =	sdelay $0x3  }
0x299: {  	[tilespmem:v35+s19+$0x0] =	vst.idx.msk $0xffff, v43  }
0x29a: {  	v43 =	vld.idx.msk [tilespmem:v60+s12+$0x0], $0xffff  }
0x29b: {  	v61 =	vor.u32 v5, v42;
	_ =	sdelay $0x3  }
0x29c: {  	[tilespmem:v36+s19+$0x0] =	vst.idx.msk $0xffff, v43  }
0x29d: {  	v43 =	vld.idx.msk [tilespmem:v61+s12+$0x0], $0xffff  }
0x29e: {  	v62 =	vor.u32 v6, v42;
	_ =	sdelay $0x3  }
0x29f: {  	[tilespmem:v37+s19+$0x0] =	vst.idx.msk $0xffff, v43  }
0x2a0: {  	v43 =	vld.idx.msk [tilespmem:v62+s12+$0x0], $0xffff  }
0x2a1: {  	v63 =	vor.u32 v7, v42;
	_ =	sdelay $0x3  }
0x2a2: {  	[tilespmem:v38+s19+$0x0] =	vst.idx.msk $0xffff, v43  }
0x2a3: {  	v43 =	vld.idx.msk [tilespmem:v63+s12+$0x0], $0xffff  }
0x2a4: {  	v48 =	vor.u32 v8, v42;
	_ =	sdelay $0x3  }
0x2a5: {  	[tilespmem:v39+s19+$0x0] =	vst.idx.msk $0xffff, v43  }
0x2a6: {  	v43 =	vld.idx.msk [tilespmem:v48+s12+$0x0], $0xffff  }
0x2a7: {  	v49 =	vor.u32 v9, v42;
	_ =	sdelay $0x3  }
0x2a8: {  	[tilespmem:v40+s19+$0x0] =	vst.idx.msk $0xffff, v43  }
0x2a9: {  	v43 =	vld.idx.msk [tilespmem:v49+s12+$0x0], $0xffff  }
0x2aa: {  	v50 =	vor.u32 v10, v42;
	_ =	sdelay $0x3  }
0x2ab: {  	[tilespmem:v41+s19+$0x0] =	vst.idx.msk $0xffff, v43  }
0x2ac: {  	v51 =	vor.u32 $0x1C70, v0;
	v43 =	vld.idx.msk [tilespmem:v50+s12+$0x0], $0xffff  }
0x2ad: {  	v45 =	vor.u32 v11, v42;
	_ =	sdelay $0x3  }
0x2ae: {  	[tilespmem:v51+s19+$0x0] =	vst.idx.msk $0xffff, v43  }
0x2af: {  	v52 =	vor.u32 $0x1CF0, v0;
	v43 =	vld.idx.msk [tilespmem:v45+s12+$0x0], $0xffff  }
0x2b0: {  	v53 =	vor.u32 v12, v42;
	_ =	sdelay $0x3  }
0x2b1: {  	[tilespmem:v52+s19+$0x0] =	vst.idx.msk $0xffff, v43  }
0x2b2: {  	v54 =	vor.u32 $0x1D70, v0;
	v43 =	vld.idx.msk [tilespmem:v53+s12+$0x0], $0xffff  }
0x2b3: {  	v55 =	vor.u32 v13, v42;
	_ =	sdelay $0x3  }
0x2b4: {  	[tilespmem:v54+s19+$0x0] =	vst.idx.msk $0xffff, v43  }
0x2b5: {  	v56 =	vor.u32 $0x1DF0, v0;
	v43 =	vld.idx.msk [tilespmem:v55+s12+$0x0], $0xffff  }
0x2b6: {  	v57 =	vor.u32 v14, v42;
	_ =	sdelay $0x3  }
0x2b7: {  	[tilespmem:v56+s19+$0x0] =	vst.idx.msk $0xffff, v43  }
0x2b8: {  	v58 =	vor.u32 $0x1E70, v0;
	v43 =	vld.idx.msk [tilespmem:v57+s12+$0x0], $0xffff  }
0x2b9: {  	v59 =	vor.u32 v15, v42;
	_ =	sdelay $0x3  }
0x2ba: {  	[tilespmem:v58+s19+$0x0] =	vst.idx.msk $0xffff, v43  }
0x2bb: {  	v60 =	vor.u32 $0x1EF0, v0;
	v43 =	vld.idx.msk [tilespmem:v59+s12+$0x0], $0xffff  }
0x2bc: {  	v61 =	vor.u32 v16, v42;
	_ =	sdelay $0x3  }
0x2bd: {  	[tilespmem:v60+s19+$0x0] =	vst.idx.msk $0xffff, v43  }
0x2be: {  	v62 =	vor.u32 $0x1F70, v0;
	v43 =	vld.idx.msk [tilespmem:v61+s12+$0x0], $0xffff  }
0x2bf: {  	v42 =	vor.u32 v17, v42;
	_ =	sdelay $0x3  }
0x2c0: {  	[tilespmem:v62+s19+$0x0] =	vst.idx.msk $0xffff, v43  }
0x2c1: {  	v63 =	vor.u32 $0x1FF0, v0;
	v42 =	vld.idx.msk [tilespmem:v42+s12+$0x0], $0xffff;
	_ =	sdelay $0x2  }
0x2c2: {  	s22 =	sld [smem:$0x7F8];
	_ =	sdelay $0x1  }
0x2c3: {  	s0 =	simm.s32 $0x1000;
	s3 =	simm.s32 $0x20000;
	s23 =	simm.s32 $0x4;
	[tilespmem:v63+s19+$0x0] =	vst.idx.msk $0xffff, v42  }
0x2c4: {  	[hbm4b:s22+s0] =	stream.strided.scatter [tilespmem:s19], [sflag:$0x4], $0x2000, s3, s0, $0x38;
	[tilespmem:$0x1A200] =	vst v63  }
0x2c5: {  	_ =	swait.ge [sflag:s23], $0x2000  }
0x2c6: {  	s22 =	sld [smem:$0x7FD]  }
0x2c7: {  	s24 =	sld [smem:$0x7F9]  }
0x2c8: {  	s28 =	simm.s32 $0x2A00;
	s29 =	simm.s32 $0x6A00;
	s30 =	simm.s32 $0x2E00  }
0x2c9: {  	s31 =	simm.s32 $0x6E00;
	s14 =	simm.s32 $0x4600;
	s0 =	sadd.s32 $0x1, s22  }
0x2ca: {  	s15 =	simm.s32 $0x8600;
	s4 =	simm.s32 $0x8A00;
	p0 =	sne.s32 s0, s24  }
.Ltmp1:
0x2cb: {  	s5 =	simm.s32 $0x4E00;
	s6 =	simm.s32 $0x8E00;
	(pc) =	sbr.rel @p0 .LBB2_1-.Ltmp1, $4  }
0x2cc: {  	s7 =	simm.s32 $0x5200;
	s9 =	simm.s32 $0x9200;
	s10 =	simm.s32 $0x5600  }
0x2cd: {  	s11 =	simm.s32 $0x9600;
	s13 =	simm.s32 $0x5A00;
	[sflag:s23] =	ssyncset.done $0x0  }
0x2ce: {  	s16 =	simm.s32 $0x9A00;
	s3 =	simm.s32 $0x4A00;
	[sflag:s23] =	ssyncadd.s32 $0xFFFFE000  }
0x2cf: {  	[smem:$0x7FD] =	sst s0;
	s24 =	simm.s32 $0x6600;
	s0 =	simm.s32 $0x8200  }
0x2d0: {  	_ =	sfence.sel $0x180000  }
0x2d1: {  	[bflag:$0x0] =	sbarrier.arrive $0xFFFF  }
0x2d2: {  	_ =	strace $0x90000047  }
0x2d3: {  	s0 =	stileid.u32;
	[bflag:$0x2] =	sbarrier.arrive $0xFFFF  }
0x2d4: {  	p0 =	sne.s32 s0, $0x0;
	s0 =	rddreg [dreg:$0x3]  }
0x2d5: {  	s0 =	sadd.s32 @!p0 $0x100000, s0  }
0x2d6: {  	[sflag:s0] =	ssyncadd.tile.s32 @!p0 $0x1;
	_ =	shalt  }
.Lfunc_end2:
_tile_overlayer_lowered:
.L_overlay_start_2:
0x2d7: {  	(tag) =	ssettag $0x2  }
0x2d8: {  	s0 =	rddreg [dreg:$0x0];
	s2 =	stileid.u32  }
0x2d9: {  	s1 =	rddreg [dreg:$0x1];
	p0 =	sne.s32 s2, $0x0  }
0x2da: {  	s3 =	rddreg [dreg:$0x2];
	[bflag:$0x3] =	sbarrier.arrive $0xFFFF;
	s2 =	simm.s32 @!p0 $0x1C04  }
0x2db: {  	[timem:s3], [sflag:s2] =	dma.local @!p0 [hbm:s0], s1  }
0x2dc: {  	s0 =	simm.s32 @!p0 $0x4  }
0x2dd: {  	_ =	swait.ge @!p0 [sflag:s0], s1  }
0x2de: {  	s1 =	ssub.s32 @!p0 $0x0, s1;
	[sflag:s0] =	ssyncset.done @!p0 $0x0  }
0x2df: {  	[sflag:s0] =	ssyncadd.s32 @!p0 s1  }
0x2e0: {  	[bflag:$0x3] =	sbarrier.arrive $0xFFFF  }
0x2e1: {  	_ =	shalt  }

</sc_bundles>
